<compile_context>
chip_gen: v7x
topology: tpu7x:2x2x1
jax: 0.10.2.dev20260603
libtpu: 0.0.44.dev20260713+nightly
codegen_flags: <defaults>
</compile_context>

<pallas_src>
import jax
import jax.numpy as jnp
from jax import lax
from jax.experimental import pallas as pl
from jax.experimental.pallas import tpu as pltpu
from jax.experimental.pallas import tpu_sc as plsc

N = 10000
E = 320000
D = 128

NC = 2
NS = 16
NW = NC * NS

K = 128
NCH = 80
IB = 40
NG = NCH // IB
E_PAD = NW * NCH * K
N_PAD = 10240
RPS = N_PAD // NS
RZ = K
NB = RPS // RZ


def _sc_segment_sum(with_cnt):
  out_type = [jax.ShapeDtypeStruct((NC * N_PAD, D), jnp.float32)]
  scratch = [
      pltpu.VMEM((IB, K), jnp.int32),
      pltpu.VMEM((IB, K), jnp.int32),
      pltpu.VMEM((2, K, D), jnp.float32),
      pltpu.VMEM_SHARED((N_PAD, D), jnp.float32),
      pltpu.SemaphoreType.DMA,
      pltpu.SemaphoreType.DMA,
      pltpu.SemaphoreType.DMA,
      pltpu.SemaphoreType.DMA,
  ]
  if with_cnt:
    out_type.append(jax.ShapeDtypeStruct((NC * N_PAD,), jnp.float32))
    scratch.append(pltpu.VMEM((K,), jnp.float32))
    scratch.append(pltpu.VMEM((RPS,), jnp.float32))
    scratch.append(pltpu.VMEM_SHARED((N_PAD,), jnp.float32))

  mesh = plsc.VectorSubcoreMesh(core_axis_name="c", subcore_axis_name="s")

  def body(f_hbm, src_hbm, dst_hbm, zacc_hbm, *outs_and_scratch):
    if with_cnt:
      (acc_out, cnt_out, srcv, dstv, rows, accsh, sem0, sem1, sem2, sem3,
       ones1d, cb1d, cnt1d) = outs_and_scratch
    else:
      (acc_out, srcv, dstv, rows, accsh, sem0, sem1, sem2,
       sem3) = outs_and_scratch

    c = lax.axis_index("c")
    s = lax.axis_index("s")
    w = c * NS + s

    pltpu.sync_copy(zacc_hbm, rows.at[0])
    zcps = [
        pltpu.async_copy(rows.at[0], accsh.at[pl.ds(s * RPS + t * RZ, RZ)],
                         sem0)
        for t in range(NB)
    ]
    for zcp in zcps:
      zcp.wait()

    if with_cnt:
      z16 = jnp.zeros((16,), jnp.float32)
      o16 = jnp.ones((16,), jnp.float32)
      for r in range(K // 16):
        ones1d[pl.ds(16 * r, 16)] = o16
      for r in range(RPS // 16):
        cb1d[pl.ds(16 * r, 16)] = z16
      pltpu.sync_copy(cb1d, cnt1d.at[pl.ds(s * RPS, RPS)])

    plsc.subcore_barrier()

    @pl.loop(0, NG)
    def _grp(g):
      pltpu.sync_copy(src_hbm.at[pl.ds(w * NCH + g * IB, IB)], srcv)
      pltpu.sync_copy(dst_hbm.at[pl.ds(w * NCH + g * IB, IB)], dstv)

      @pl.loop(0, IB, step=2)
      def _step(j):
        cp0 = pltpu.async_copy(f_hbm.at[srcv.at[j]], rows.at[0], sem0)
        cp1 = pltpu.async_copy(f_hbm.at[srcv.at[j + 1]], rows.at[1], sem1)
        cp0.wait()
        sc0 = pltpu.async_copy(rows.at[0], accsh.at[dstv.at[j]], sem2,
                               add=True)
        cp1.wait()
        sc1 = pltpu.async_copy(rows.at[1], accsh.at[dstv.at[j + 1]], sem3,
                               add=True)
        if with_cnt:
          pltpu.sync_copy(ones1d, cnt1d.at[dstv.at[j]], add=True)
          pltpu.sync_copy(ones1d, cnt1d.at[dstv.at[j + 1]], add=True)
        sc0.wait()
        sc1.wait()

    plsc.subcore_barrier()

    gsems = (sem0, sem1)
    hsems = (sem2, sem3)
    hd = [None] * NB
    for t in range(NB):
      p = t % 2
      if t >= 2:
        hd[t - 2].wait()
      gcp = pltpu.async_copy(accsh.at[pl.ds(s * RPS + t * RZ, RZ)],
                             rows.at[p], gsems[p])
      gcp.wait()
      hd[t] = pltpu.async_copy(
          rows.at[p], acc_out.at[pl.ds(c * N_PAD + s * RPS + t * RZ, RZ)],
          hsems[p])
    hd[NB - 2].wait()
    hd[NB - 1].wait()

    if with_cnt:
      pltpu.sync_copy(cnt1d.at[pl.ds(s * RPS, RPS)], cb1d)
      pltpu.sync_copy(cb1d, cnt_out.at[pl.ds(c * N_PAD + s * RPS, RPS)])

  return pl.kernel(body, out_type=out_type, mesh=mesh, scratch_types=scratch)


_sc_layer1 = _sc_segment_sum(with_cnt=True)
_sc_layer2 = _sc_segment_sum(with_cnt=False)


def _tc_apply(relu):
  BLK = 1024
  grid = N_PAD // BLK

  def body(a0_ref, a1_ref, c0_ref, c1_ref, f_ref, wl_ref, wr_ref, b_ref,
           o_ref):
    cnt = jnp.maximum(c0_ref[...] + c1_ref[...], 1.0)
    agg = (a0_ref[...] + a1_ref[...]) / cnt
    y = (jnp.dot(agg, wl_ref[...], preferred_element_type=jnp.float32)
         + jnp.dot(f_ref[...], wr_ref[...], preferred_element_type=jnp.float32)
         + b_ref[...])
    o_ref[...] = jnp.maximum(y, 0.0) if relu else y

  row_spec = pl.BlockSpec((BLK, D), lambda i: (i, 0))
  cnt_spec = pl.BlockSpec((BLK, D), lambda i: (i, 0))
  w_spec = pl.BlockSpec((D, D), lambda i: (0, 0))
  b_spec = pl.BlockSpec((1, D), lambda i: (0, 0))
  return pl.pallas_call(
      body,
      grid=(grid,),
      in_specs=[row_spec, row_spec, cnt_spec, cnt_spec, row_spec, w_spec,
                w_spec, b_spec],
      out_specs=row_spec,
      out_shape=jax.ShapeDtypeStruct((N_PAD, D), jnp.float32),
  )


_tc_layer1 = _tc_apply(relu=True)
_tc_layer2 = _tc_apply(relu=False)


@jax.jit
def kernel(x, edge_index, W1_l, b1, W1_r, W2_l, b2, W2_r):
  src = edge_index[0].astype(jnp.int32)
  dst = edge_index[1].astype(jnp.int32)
  pad = E_PAD - E
  src2d = jnp.concatenate([src, jnp.zeros((pad,), jnp.int32)]).reshape(
      NW * NCH, K)
  dst2d = jnp.concatenate([dst, jnp.full((pad,), N, jnp.int32)]).reshape(
      NW * NCH, K)

  x_pad = jnp.concatenate(
      [x, jnp.zeros((N_PAD - N, D), jnp.float32)], axis=0)
  zacc = jnp.zeros((RZ, D), jnp.float32)

  acc1, cnt1 = _sc_layer1(x_pad, src2d, dst2d, zacc)
  c0 = jnp.broadcast_to(cnt1[:N_PAD, None], (N_PAD, D))
  c1 = jnp.broadcast_to(cnt1[N_PAD:, None], (N_PAD, D))
  h = _tc_layer1(acc1[:N_PAD], acc1[N_PAD:], c0, c1, x_pad,
                 W1_l, W1_r, b1.reshape(1, D))

  (acc2,) = _sc_layer2(h, src2d, dst2d, zacc)
  out = _tc_layer2(acc2[:N_PAD], acc2[N_PAD:], c0, c1, h,
                   W2_l, W2_r, b2.reshape(1, D))
  return out[:N]

# --- scband reference (transcript-rebuilt; emitter-appended) ---
"""Pipeline reference for scband-graph-sagemodel-74972949119164 (READ-ONLY COPY).

The authoritative reference and input builder live on the scoring server;
editing this copy changes nothing except your own understanding.
"""

import jax, jax.numpy as jnp
import numpy as np

N = 10000
E = 320000
D_IN = 128
D_HID = 128
D_OUT = 128


def setup_inputs(seed: int = 0) -> dict:
    key = jax.random.key(seed)
    ks = jax.random.split(key, 8)
    x = jax.random.normal(ks[0], (N, D_IN), dtype=jnp.float32)
    edge_index = jax.random.randint(ks[1], (2, E), 0, N, dtype=jnp.int64)
    W1_l = jax.random.normal(ks[2], (D_IN, D_HID), dtype=jnp.float32) * 0.05
    b1 = jnp.zeros((D_HID,), dtype=jnp.float32)
    W1_r = jax.random.normal(ks[3], (D_IN, D_HID), dtype=jnp.float32) * 0.05
    W2_l = jax.random.normal(ks[4], (D_HID, D_OUT), dtype=jnp.float32) * 0.05
    b2 = jnp.zeros((D_OUT,), dtype=jnp.float32)
    W2_r = jax.random.normal(ks[5], (D_HID, D_OUT), dtype=jnp.float32) * 0.05
    return {
        "x": x,
        "edge_index": edge_index,
        "W1_l": W1_l,
        "b1": b1,
        "W1_r": W1_r,
        "W2_l": W2_l,
        "b2": b2,
        "W2_r": W2_r,
    }


def _sage_conv(x, edge_index, W_l, b_l, W_r):
    # PyG SAGEConv with mean aggregation:
    #   out = lin_l(mean_{j in N(i)} x_j) + lin_r(x_i)
    src = edge_index[0]
    dst = edge_index[1]
    msgs = jnp.take(x, src, axis=0)                       # gather  [E, d]
    agg = jax.ops.segment_sum(msgs, dst, num_segments=N)  # scatter-add [N, d]
    cnt = jax.ops.segment_sum(
        jnp.ones((edge_index.shape[1],), dtype=x.dtype), dst, num_segments=N
    )
    agg = agg / jnp.maximum(cnt, 1.0)[:, None]            # mean
    return agg @ W_l + b_l + x @ W_r


def reference(x, edge_index, W1_l, b1, W1_r, W2_l, b2, W2_r):
    h = jax.nn.relu(_sage_conv(x, edge_index, W1_l, b1, W1_r))
    # dropout(p=0.3) is identity in eval mode
    out = _sage_conv(h, edge_index, W2_l, b2, W2_r)
    return out

if __name__ == "__main__":
    import jax
    _d = setup_inputs()
    print(jax.jit(kernel)(*tuple(_d.values())))

</pallas_src>

<mosaic_0001>
#map = affine_map<(d0, d1) -> (0, 0)>
#map1 = affine_map<(d0, d1) -> (0)>
module attributes {stable_mosaic.version = 14 : i64} {
  func.func @body(%arg0: i32, %arg1: i32, %arg2: memref<10240x128xf32, #tpu.memory_space<hbm>>, %arg3: memref<2560x128xi32, #tpu.memory_space<hbm>>, %arg4: memref<2560x128xi32, #tpu.memory_space<hbm>>, %arg5: memref<128x128xf32, #tpu.memory_space<hbm>>, %arg6: memref<20480x128xf32, #tpu.memory_space<hbm>>, %arg7: memref<20480xf32, #tpu.memory_space<hbm>>, %arg8: memref<40x128xi32, #tpu.memory_space<vmem>>, %arg9: memref<40x128xi32, #tpu.memory_space<vmem>>, %arg10: memref<2x128x128xf32, #tpu.memory_space<vmem>>, %arg11: memref<10240x128xf32, #tpu.memory_space<vmem_shared>>, %arg12: memref<!tpu.dma_semaphore, #tpu.memory_space<semaphore_mem>>, %arg13: memref<!tpu.dma_semaphore, #tpu.memory_space<semaphore_mem>>, %arg14: memref<!tpu.dma_semaphore, #tpu.memory_space<semaphore_mem>>, %arg15: memref<!tpu.dma_semaphore, #tpu.memory_space<semaphore_mem>>, %arg16: memref<128xf32, #tpu.memory_space<vmem>>, %arg17: memref<640xf32, #tpu.memory_space<vmem>>, %arg18: memref<10240xf32, #tpu.memory_space<vmem_shared>>) attributes {dimension_semantics = [#tpu.dimension_semantics<core_parallel>, #tpu.dimension_semantics<subcore_parallel>], iteration_bounds = array<i64: 2, 16>, scalar_prefetch = 0 : i64, scratch_operands = 11 : i64, tpu.core_type = #tpu.core_type<sc_vector_subcore>, window_params = [{transform_indices = #map}, {transform_indices = #map}, {transform_indices = #map}, {transform_indices = #map}, {transform_indices = #map}, {transform_indices = #map1}]} {
    %mul3A = arith.constant 16 : i32
    %mul3A_0 = arith.muli %arg0, %mul3A : i32
    %add3A = arith.addi %mul3A_0, %arg1 : i32
    %run_scoped3A = arith.constant 0 : i32
    "tpu.region"() ({
      %run_scoped3A_672 = tpu.sem_alloc : memref<!tpu.dma_semaphore, #tpu.memory_space<semaphore_mem>>
      %dma_start3A_673 = arith.constant 0 : i32
      %dma_start3A_674 = arith.constant 0 : i32
      %dma_start3A_675 = tpu.memref_slice %arg10[%run_scoped3A, %dma_start3A_673, %dma_start3A_674] : memref<2x128x128xf32, #tpu.memory_space<vmem>> -> memref<1x128x128xf32, #tpu.memory_space<vmem>>
      %dma_start3A_676 = tpu.memref_squeeze %dma_start3A_675 : memref<1x128x128xf32, #tpu.memory_space<vmem>> -> memref<128x128xf32, #tpu.memory_space<vmem>>
      %dma_start3A_677 = arith.constant 0 : i32
      %dma_start3A_678 = arith.constant 0 : i32
      %dma_start3A_679 = tpu.memref_slice %arg10[%run_scoped3A, %dma_start3A_677, %dma_start3A_678] : memref<2x128x128xf32, #tpu.memory_space<vmem>> -> memref<1x128x128xf32, #tpu.memory_space<vmem>>
      %dma_start3A_680 = tpu.memref_squeeze %dma_start3A_679 : memref<1x128x128xf32, #tpu.memory_space<vmem>> -> memref<128x128xf32, #tpu.memory_space<vmem>>
      tpu.enqueue_dma source(%arg5 : memref<128x128xf32, #tpu.memory_space<hbm>>) target(%dma_start3A_680 : memref<128x128xf32, #tpu.memory_space<vmem>>) target_semaphore(%run_scoped3A_672 : memref<!tpu.dma_semaphore, #tpu.memory_space<semaphore_mem>>)
      %dma_wait3A_681 = arith.constant 0 : i32
      %dma_wait3A_682 = arith.constant 0 : i32
      %dma_wait3A_683 = tpu.memref_slice %arg10[%run_scoped3A, %dma_wait3A_681, %dma_wait3A_682] : memref<2x128x128xf32, #tpu.memory_space<vmem>> -> memref<1x128x128xf32, #tpu.memory_space<vmem>>
      %dma_wait3A_684 = tpu.memref_squeeze %dma_wait3A_683 : memref<1x128x128xf32, #tpu.memory_space<vmem>> -> memref<128x128xf32, #tpu.memory_space<vmem>>
      %dma_wait3A_685 = arith.constant 0 : i32
      %dma_wait3A_686 = arith.constant 0 : i32
      %dma_wait3A_687 = tpu.memref_slice %arg10[%run_scoped3A, %dma_wait3A_685, %dma_wait3A_686] : memref<2x128x128xf32, #tpu.memory_space<vmem>> -> memref<1x128x128xf32, #tpu.memory_space<vmem>>
      %dma_wait3A_688 = tpu.memref_squeeze %dma_wait3A_687 : memref<1x128x128xf32, #tpu.memory_space<vmem>> -> memref<128x128xf32, #tpu.memory_space<vmem>>
      tpu.wait_dma2 semaphore(%run_scoped3A_672 : memref<!tpu.dma_semaphore, #tpu.memory_space<semaphore_mem>>) src(%arg5 : memref<128x128xf32, #tpu.memory_space<hbm>>) dst(%dma_wait3A_688 : memref<128x128xf32, #tpu.memory_space<vmem>>)
      tpu.yield
    }) : () -> ()
    %mul3A_1 = arith.constant 640 : i32
    %mul3A_2 = arith.muli %arg1, %mul3A_1 : i32
    %add3A_3 = arith.constant 0 : i32
    %add3A_4 = arith.addi %mul3A_2, %add3A_3 : i32
    %dma_start3A = arith.constant 0 : i32
    %dma_start3A_5 = arith.constant 0 : i32
    %dma_start3A_6 = arith.constant 0 : i32
    %dma_start3A_7 = tpu.memref_slice %arg10[%dma_start3A, %dma_start3A_5, %dma_start3A_6] : memref<2x128x128xf32, #tpu.memory_space<vmem>> -> memref<1x128x128xf32, #tpu.memory_space<vmem>>
    %dma_start3A_8 = tpu.memref_squeeze %dma_start3A_7 : memref<1x128x128xf32, #tpu.memory_space<vmem>> -> memref<128x128xf32, #tpu.memory_space<vmem>>
    %dma_start3A_9 = arith.constant 0 : i32
    %dma_start3A_10 = tpu.memref_slice %arg11[%add3A_4, %dma_start3A_9] : memref<10240x128xf32, #tpu.memory_space<vmem_shared>> -> memref<128x128xf32, #tpu.memory_space<vmem_shared>>
    %dma_start3A_11 = arith.constant 0 : i32
    %dma_start3A_12 = tpu.memref_slice %arg11[%add3A_4, %dma_start3A_11] : memref<10240x128xf32, #tpu.memory_space<vmem_shared>> -> memref<128x128xf32, #tpu.memory_space<vmem_shared>>
    %dma_start3A_13 = arith.constant 0 : i32
    %dma_start3A_14 = arith.constant 0 : i32
    %dma_start3A_15 = tpu.memref_slice %arg10[%dma_start3A, %dma_start3A_13, %dma_start3A_14] : memref<2x128x128xf32, #tpu.memory_space<vmem>> -> memref<1x128x128xf32, #tpu.memory_space<vmem>>
    %dma_start3A_16 = tpu.memref_squeeze %dma_start3A_15 : memref<1x128x128xf32, #tpu.memory_space<vmem>> -> memref<128x128xf32, #tpu.memory_space<vmem>>
    tpu.enqueue_dma source(%dma_start3A_16 : memref<128x128xf32, #tpu.memory_space<vmem>>) target(%dma_start3A_12 : memref<128x128xf32, #tpu.memory_space<vmem_shared>>) target_semaphore(%arg12 : memref<!tpu.dma_semaphore, #tpu.memory_space<semaphore_mem>>)
    %mul3A_17 = arith.constant 640 : i32
    %mul3A_18 = arith.muli %arg1, %mul3A_17 : i32
    %add3A_19 = arith.constant 128 : i32
    %add3A_20 = arith.addi %mul3A_18, %add3A_19 : i32
    %dma_start3A_21 = arith.constant 0 : i32
    %dma_start3A_22 = arith.constant 0 : i32
    %dma_start3A_23 = arith.constant 0 : i32
    %dma_start3A_24 = tpu.memref_slice %arg10[%dma_start3A_21, %dma_start3A_22, %dma_start3A_23] : memref<2x128x128xf32, #tpu.memory_space<vmem>> -> memref<1x128x128xf32, #tpu.memory_space<vmem>>
    %dma_start3A_25 = tpu.memref_squeeze %dma_start3A_24 : memref<1x128x128xf32, #tpu.memory_space<vmem>> -> memref<128x128xf32, #tpu.memory_space<vmem>>
    %dma_start3A_26 = arith.constant 0 : i32
    %dma_start3A_27 = tpu.memref_slice %arg11[%add3A_20, %dma_start3A_26] : memref<10240x128xf32, #tpu.memory_space<vmem_shared>> -> memref<128x128xf32, #tpu.memory_space<vmem_shared>>
    %dma_start3A_28 = arith.constant 0 : i32
    %dma_start3A_29 = tpu.memref_slice %arg11[%add3A_20, %dma_start3A_28] : memref<10240x128xf32, #tpu.memory_space<vmem_shared>> -> memref<128x128xf32, #tpu.memory_space<vmem_shared>>
    %dma_start3A_30 = arith.constant 0 : i32
    %dma_start3A_31 = arith.constant 0 : i32
    %dma_start3A_32 = tpu.memref_slice %arg10[%dma_start3A_21, %dma_start3A_30, %dma_start3A_31] : memref<2x128x128xf32, #tpu.memory_space<vmem>> -> memref<1x128x128xf32, #tpu.memory_space<vmem>>
    %dma_start3A_33 = tpu.memref_squeeze %dma_start3A_32 : memref<1x128x128xf32, #tpu.memory_space<vmem>> -> memref<128x128xf32, #tpu.memory_space<vmem>>
    tpu.enqueue_dma source(%dma_start3A_33 : memref<128x128xf32, #tpu.memory_space<vmem>>) target(%dma_start3A_29 : memref<128x128xf32, #tpu.memory_space<vmem_shared>>) target_semaphore(%arg12 : memref<!tpu.dma_semaphore, #tpu.memory_space<semaphore_mem>>)
    %mul3A_34 = arith.constant 640 : i32
    %mul3A_35 = arith.muli %arg1, %mul3A_34 : i32
    %add3A_36 = arith.constant 256 : i32
    %add3A_37 = arith.addi %mul3A_35, %add3A_36 : i32
    %dma_start3A_38 = arith.constant 0 : i32
    %dma_start3A_39 = arith.constant 0 : i32
    %dma_start3A_40 = arith.constant 0 : i32
    %dma_start3A_41 = tpu.memref_slice %arg10[%dma_start3A_38, %dma_start3A_39, %dma_start3A_40] : memref<2x128x128xf32, #tpu.memory_space<vmem>> -> memref<1x128x128xf32, #tpu.memory_space<vmem>>
    %dma_start3A_42 = tpu.memref_squeeze %dma_start3A_41 : memref<1x128x128xf32, #tpu.memory_space<vmem>> -> memref<128x128xf32, #tpu.memory_space<vmem>>
    %dma_start3A_43 = arith.constant 0 : i32
    %dma_start3A_44 = tpu.memref_slice %arg11[%add3A_37, %dma_start3A_43] : memref<10240x128xf32, #tpu.memory_space<vmem_shared>> -> memref<128x128xf32, #tpu.memory_space<vmem_shared>>
    %dma_start3A_45 = arith.constant 0 : i32
    %dma_start3A_46 = tpu.memref_slice %arg11[%add3A_37, %dma_start3A_45] : memref<10240x128xf32, #tpu.memory_space<vmem_shared>> -> memref<128x128xf32, #tpu.memory_space<vmem_shared>>
    %dma_start3A_47 = arith.constant 0 : i32
    %dma_start3A_48 = arith.constant 0 : i32
    %dma_start3A_49 = tpu.memref_slice %arg10[%dma_start3A_38, %dma_start3A_47, %dma_start3A_48] : memref<2x128x128xf32, #tpu.memory_space<vmem>> -> memref<1x128x128xf32, #tpu.memory_space<vmem>>
    %dma_start3A_50 = tpu.memref_squeeze %dma_start3A_49 : memref<1x128x128xf32, #tpu.memory_space<vmem>> -> memref<128x128xf32, #tpu.memory_space<vmem>>
    tpu.enqueue_dma source(%dma_start3A_50 : memref<128x128xf32, #tpu.memory_space<vmem>>) target(%dma_start3A_46 : memref<128x128xf32, #tpu.memory_space<vmem_shared>>) target_semaphore(%arg12 : memref<!tpu.dma_semaphore, #tpu.memory_space<semaphore_mem>>)
    %mul3A_51 = arith.constant 640 : i32
    %mul3A_52 = arith.muli %arg1, %mul3A_51 : i32
    %add3A_53 = arith.constant 384 : i32
    %add3A_54 = arith.addi %mul3A_52, %add3A_53 : i32
    %dma_start3A_55 = arith.constant 0 : i32
    %dma_start3A_56 = arith.constant 0 : i32
    %dma_start3A_57 = arith.constant 0 : i32
    %dma_start3A_58 = tpu.memref_slice %arg10[%dma_start3A_55, %dma_start3A_56, %dma_start3A_57] : memref<2x128x128xf32, #tpu.memory_space<vmem>> -> memref<1x128x128xf32, #tpu.memory_space<vmem>>
    %dma_start3A_59 = tpu.memref_squeeze %dma_start3A_58 : memref<1x128x128xf32, #tpu.memory_space<vmem>> -> memref<128x128xf32, #tpu.memory_space<vmem>>
    %dma_start3A_60 = arith.constant 0 : i32
    %dma_start3A_61 = tpu.memref_slice %arg11[%add3A_54, %dma_start3A_60] : memref<10240x128xf32, #tpu.memory_space<vmem_shared>> -> memref<128x128xf32, #tpu.memory_space<vmem_shared>>
    %dma_start3A_62 = arith.constant 0 : i32
    %dma_start3A_63 = tpu.memref_slice %arg11[%add3A_54, %dma_start3A_62] : memref<10240x128xf32, #tpu.memory_space<vmem_shared>> -> memref<128x128xf32, #tpu.memory_space<vmem_shared>>
    %dma_start3A_64 = arith.constant 0 : i32
    %dma_start3A_65 = arith.constant 0 : i32
    %dma_start3A_66 = tpu.memref_slice %arg10[%dma_start3A_55, %dma_start3A_64, %dma_start3A_65] : memref<2x128x128xf32, #tpu.memory_space<vmem>> -> memref<1x128x128xf32, #tpu.memory_space<vmem>>
    %dma_start3A_67 = tpu.memref_squeeze %dma_start3A_66 : memref<1x128x128xf32, #tpu.memory_space<vmem>> -> memref<128x128xf32, #tpu.memory_space<vmem>>
    tpu.enqueue_dma source(%dma_start3A_67 : memref<128x128xf32, #tpu.memory_space<vmem>>) target(%dma_start3A_63 : memref<128x128xf32, #tpu.memory_space<vmem_shared>>) target_semaphore(%arg12 : memref<!tpu.dma_semaphore, #tpu.memory_space<semaphore_mem>>)
    %mul3A_68 = arith.constant 640 : i32
    %mul3A_69 = arith.muli %arg1, %mul3A_68 : i32
    %add3A_70 = arith.constant 512 : i32
    %add3A_71 = arith.addi %mul3A_69, %add3A_70 : i32
    %dma_start3A_72 = arith.constant 0 : i32
    %dma_start3A_73 = arith.constant 0 : i32
    %dma_start3A_74 = arith.constant 0 : i32
    %dma_start3A_75 = tpu.memref_slice %arg10[%dma_start3A_72, %dma_start3A_73, %dma_start3A_74] : memref<2x128x128xf32, #tpu.memory_space<vmem>> -> memref<1x128x128xf32, #tpu.memory_space<vmem>>
    %dma_start3A_76 = tpu.memref_squeeze %dma_start3A_75 : memref<1x128x128xf32, #tpu.memory_space<vmem>> -> memref<128x128xf32, #tpu.memory_space<vmem>>
    %dma_start3A_77 = arith.constant 0 : i32
    %dma_start3A_78 = tpu.memref_slice %arg11[%add3A_71, %dma_start3A_77] : memref<10240x128xf32, #tpu.memory_space<vmem_shared>> -> memref<128x128xf32, #tpu.memory_space<vmem_shared>>
    %dma_start3A_79 = arith.constant 0 : i32
    %dma_start3A_80 = tpu.memref_slice %arg11[%add3A_71, %dma_start3A_79] : memref<10240x128xf32, #tpu.memory_space<vmem_shared>> -> memref<128x128xf32, #tpu.memory_space<vmem_shared>>
    %dma_start3A_81 = arith.constant 0 : i32
    %dma_start3A_82 = arith.constant 0 : i32
    %dma_start3A_83 = tpu.memref_slice %arg10[%dma_start3A_72, %dma_start3A_81, %dma_start3A_82] : memref<2x128x128xf32, #tpu.memory_space<vmem>> -> memref<1x128x128xf32, #tpu.memory_space<vmem>>
    %dma_start3A_84 = tpu.memref_squeeze %dma_start3A_83 : memref<1x128x128xf32, #tpu.memory_space<vmem>> -> memref<128x128xf32, #tpu.memory_space<vmem>>
    tpu.enqueue_dma source(%dma_start3A_84 : memref<128x128xf32, #tpu.memory_space<vmem>>) target(%dma_start3A_80 : memref<128x128xf32, #tpu.memory_space<vmem_shared>>) target_semaphore(%arg12 : memref<!tpu.dma_semaphore, #tpu.memory_space<semaphore_mem>>)
    %dma_wait3A = arith.constant 0 : i32
    %dma_wait3A_85 = arith.constant 0 : i32
    %dma_wait3A_86 = arith.constant 0 : i32
    %dma_wait3A_87 = tpu.memref_slice %arg10[%dma_wait3A, %dma_wait3A_85, %dma_wait3A_86] : memref<2x128x128xf32, #tpu.memory_space<vmem>> -> memref<1x128x128xf32, #tpu.memory_space<vmem>>
    %dma_wait3A_88 = tpu.memref_squeeze %dma_wait3A_87 : memref<1x128x128xf32, #tpu.memory_space<vmem>> -> memref<128x128xf32, #tpu.memory_space<vmem>>
    %dma_wait3A_89 = arith.constant 0 : i32
    %dma_wait3A_90 = tpu.memref_slice %arg11[%add3A_4, %dma_wait3A_89] : memref<10240x128xf32, #tpu.memory_space<vmem_shared>> -> memref<128x128xf32, #tpu.memory_space<vmem_shared>>
    %dma_wait3A_91 = arith.constant 0 : i32
    %dma_wait3A_92 = tpu.memref_slice %arg11[%add3A_4, %dma_wait3A_91] : memref<10240x128xf32, #tpu.memory_space<vmem_shared>> -> memref<128x128xf32, #tpu.memory_space<vmem_shared>>
    %dma_wait3A_93 = arith.constant 0 : i32
    %dma_wait3A_94 = arith.constant 0 : i32
    %dma_wait3A_95 = tpu.memref_slice %arg10[%dma_wait3A, %dma_wait3A_93, %dma_wait3A_94] : memref<2x128x128xf32, #tpu.memory_space<vmem>> -> memref<1x128x128xf32, #tpu.memory_space<vmem>>
    %dma_wait3A_96 = tpu.memref_squeeze %dma_wait3A_95 : memref<1x128x128xf32, #tpu.memory_space<vmem>> -> memref<128x128xf32, #tpu.memory_space<vmem>>
    tpu.wait_dma2 semaphore(%arg12 : memref<!tpu.dma_semaphore, #tpu.memory_space<semaphore_mem>>) src(%dma_wait3A_96 : memref<128x128xf32, #tpu.memory_space<vmem>>) dst(%dma_wait3A_92 : memref<128x128xf32, #tpu.memory_space<vmem_shared>>)
    %dma_wait3A_97 = arith.constant 0 : i32
    %dma_wait3A_98 = arith.constant 0 : i32
    %dma_wait3A_99 = arith.constant 0 : i32
    %dma_wait3A_100 = tpu.memref_slice %arg10[%dma_wait3A_97, %dma_wait3A_98, %dma_wait3A_99] : memref<2x128x128xf32, #tpu.memory_space<vmem>> -> memref<1x128x128xf32, #tpu.memory_space<vmem>>
    %dma_wait3A_101 = tpu.memref_squeeze %dma_wait3A_100 : memref<1x128x128xf32, #tpu.memory_space<vmem>> -> memref<128x128xf32, #tpu.memory_space<vmem>>
    %dma_wait3A_102 = arith.constant 0 : i32
    %dma_wait3A_103 = tpu.memref_slice %arg11[%add3A_20, %dma_wait3A_102] : memref<10240x128xf32, #tpu.memory_space<vmem_shared>> -> memref<128x128xf32, #tpu.memory_space<vmem_shared>>
    %dma_wait3A_104 = arith.constant 0 : i32
    %dma_wait3A_105 = tpu.memref_slice %arg11[%add3A_20, %dma_wait3A_104] : memref<10240x128xf32, #tpu.memory_space<vmem_shared>> -> memref<128x128xf32, #tpu.memory_space<vmem_shared>>
    %dma_wait3A_106 = arith.constant 0 : i32
    %dma_wait3A_107 = arith.constant 0 : i32
    %dma_wait3A_108 = tpu.memref_slice %arg10[%dma_wait3A_97, %dma_wait3A_106, %dma_wait3A_107] : memref<2x128x128xf32, #tpu.memory_space<vmem>> -> memref<1x128x128xf32, #tpu.memory_space<vmem>>
    %dma_wait3A_109 = tpu.memref_squeeze %dma_wait3A_108 : memref<1x128x128xf32, #tpu.memory_space<vmem>> -> memref<128x128xf32, #tpu.memory_space<vmem>>
    tpu.wait_dma2 semaphore(%arg12 : memref<!tpu.dma_semaphore, #tpu.memory_space<semaphore_mem>>) src(%dma_wait3A_109 : memref<128x128xf32, #tpu.memory_space<vmem>>) dst(%dma_wait3A_105 : memref<128x128xf32, #tpu.memory_space<vmem_shared>>)
    %dma_wait3A_110 = arith.constant 0 : i32
    %dma_wait3A_111 = arith.constant 0 : i32
    %dma_wait3A_112 = arith.constant 0 : i32
    %dma_wait3A_113 = tpu.memref_slice %arg10[%dma_wait3A_110, %dma_wait3A_111, %dma_wait3A_112] : memref<2x128x128xf32, #tpu.memory_space<vmem>> -> memref<1x128x128xf32, #tpu.memory_space<vmem>>
    %dma_wait3A_114 = tpu.memref_squeeze %dma_wait3A_113 : memref<1x128x128xf32, #tpu.memory_space<vmem>> -> memref<128x128xf32, #tpu.memory_space<vmem>>
    %dma_wait3A_115 = arith.constant 0 : i32
    %dma_wait3A_116 = tpu.memref_slice %arg11[%add3A_37, %dma_wait3A_115] : memref<10240x128xf32, #tpu.memory_space<vmem_shared>> -> memref<128x128xf32, #tpu.memory_space<vmem_shared>>
    %dma_wait3A_117 = arith.constant 0 : i32
    %dma_wait3A_118 = tpu.memref_slice %arg11[%add3A_37, %dma_wait3A_117] : memref<10240x128xf32, #tpu.memory_space<vmem_shared>> -> memref<128x128xf32, #tpu.memory_space<vmem_shared>>
    %dma_wait3A_119 = arith.constant 0 : i32
    %dma_wait3A_120 = arith.constant 0 : i32
    %dma_wait3A_121 = tpu.memref_slice %arg10[%dma_wait3A_110, %dma_wait3A_119, %dma_wait3A_120] : memref<2x128x128xf32, #tpu.memory_space<vmem>> -> memref<1x128x128xf32, #tpu.memory_space<vmem>>
    %dma_wait3A_122 = tpu.memref_squeeze %dma_wait3A_121 : memref<1x128x128xf32, #tpu.memory_space<vmem>> -> memref<128x128xf32, #tpu.memory_space<vmem>>
    tpu.wait_dma2 semaphore(%arg12 : memref<!tpu.dma_semaphore, #tpu.memory_space<semaphore_mem>>) src(%dma_wait3A_122 : memref<128x128xf32, #tpu.memory_space<vmem>>) dst(%dma_wait3A_118 : memref<128x128xf32, #tpu.memory_space<vmem_shared>>)
    %dma_wait3A_123 = arith.constant 0 : i32
    %dma_wait3A_124 = arith.constant 0 : i32
    %dma_wait3A_125 = arith.constant 0 : i32
    %dma_wait3A_126 = tpu.memref_slice %arg10[%dma_wait3A_123, %dma_wait3A_124, %dma_wait3A_125] : memref<2x128x128xf32, #tpu.memory_space<vmem>> -> memref<1x128x128xf32, #tpu.memory_space<vmem>>
    %dma_wait3A_127 = tpu.memref_squeeze %dma_wait3A_126 : memref<1x128x128xf32, #tpu.memory_space<vmem>> -> memref<128x128xf32, #tpu.memory_space<vmem>>
    %dma_wait3A_128 = arith.constant 0 : i32
    %dma_wait3A_129 = tpu.memref_slice %arg11[%add3A_54, %dma_wait3A_128] : memref<10240x128xf32, #tpu.memory_space<vmem_shared>> -> memref<128x128xf32, #tpu.memory_space<vmem_shared>>
    %dma_wait3A_130 = arith.constant 0 : i32
    %dma_wait3A_131 = tpu.memref_slice %arg11[%add3A_54, %dma_wait3A_130] : memref<10240x128xf32, #tpu.memory_space<vmem_shared>> -> memref<128x128xf32, #tpu.memory_space<vmem_shared>>
    %dma_wait3A_132 = arith.constant 0 : i32
    %dma_wait3A_133 = arith.constant 0 : i32
    %dma_wait3A_134 = tpu.memref_slice %arg10[%dma_wait3A_123, %dma_wait3A_132, %dma_wait3A_133] : memref<2x128x128xf32, #tpu.memory_space<vmem>> -> memref<1x128x128xf32, #tpu.memory_space<vmem>>
    %dma_wait3A_135 = tpu.memref_squeeze %dma_wait3A_134 : memref<1x128x128xf32, #tpu.memory_space<vmem>> -> memref<128x128xf32, #tpu.memory_space<vmem>>
    tpu.wait_dma2 semaphore(%arg12 : memref<!tpu.dma_semaphore, #tpu.memory_space<semaphore_mem>>) src(%dma_wait3A_135 : memref<128x128xf32, #tpu.memory_space<vmem>>) dst(%dma_wait3A_131 : memref<128x128xf32, #tpu.memory_space<vmem_shared>>)
    %dma_wait3A_136 = arith.constant 0 : i32
    %dma_wait3A_137 = arith.constant 0 : i32
    %dma_wait3A_138 = arith.constant 0 : i32
    %dma_wait3A_139 = tpu.memref_slice %arg10[%dma_wait3A_136, %dma_wait3A_137, %dma_wait3A_138] : memref<2x128x128xf32, #tpu.memory_space<vmem>> -> memref<1x128x128xf32, #tpu.memory_space<vmem>>
    %dma_wait3A_140 = tpu.memref_squeeze %dma_wait3A_139 : memref<1x128x128xf32, #tpu.memory_space<vmem>> -> memref<128x128xf32, #tpu.memory_space<vmem>>
    %dma_wait3A_141 = arith.constant 0 : i32
    %dma_wait3A_142 = tpu.memref_slice %arg11[%add3A_71, %dma_wait3A_141] : memref<10240x128xf32, #tpu.memory_space<vmem_shared>> -> memref<128x128xf32, #tpu.memory_space<vmem_shared>>
    %dma_wait3A_143 = arith.constant 0 : i32
    %dma_wait3A_144 = tpu.memref_slice %arg11[%add3A_71, %dma_wait3A_143] : memref<10240x128xf32, #tpu.memory_space<vmem_shared>> -> memref<128x128xf32, #tpu.memory_space<vmem_shared>>
    %dma_wait3A_145 = arith.constant 0 : i32
    %dma_wait3A_146 = arith.constant 0 : i32
    %dma_wait3A_147 = tpu.memref_slice %arg10[%dma_wait3A_136, %dma_wait3A_145, %dma_wait3A_146] : memref<2x128x128xf32, #tpu.memory_space<vmem>> -> memref<1x128x128xf32, #tpu.memory_space<vmem>>
    %dma_wait3A_148 = tpu.memref_squeeze %dma_wait3A_147 : memref<1x128x128xf32, #tpu.memory_space<vmem>> -> memref<128x128xf32, #tpu.memory_space<vmem>>
    tpu.wait_dma2 semaphore(%arg12 : memref<!tpu.dma_semaphore, #tpu.memory_space<semaphore_mem>>) src(%dma_wait3A_148 : memref<128x128xf32, #tpu.memory_space<vmem>>) dst(%dma_wait3A_144 : memref<128x128xf32, #tpu.memory_space<vmem_shared>>)
    %broadcast_in_dim3A = arith.constant 0.000000e+00 : f32
    %broadcast_in_dim3A_149 = vector.broadcast %broadcast_in_dim3A : f32 to vector<16xf32>
    %broadcast_in_dim3A_150 = arith.constant 1.000000e+00 : f32
    %broadcast_in_dim3A_151 = vector.broadcast %broadcast_in_dim3A_150 : f32 to vector<16xf32>
    %swap3A = arith.constant 0 : index
    %swap3A_152 = tpu.vector_load %arg16[%swap3A] {strides = array<i32>} : memref<128xf32, #tpu.memory_space<vmem>>, vector<16xf32>,
    %swap3A_153 = vector.shape_cast %swap3A_152 : vector<16xf32> to vector<16xf32>
    %swap3A_154 = vector.shape_cast %broadcast_in_dim3A_151 : vector<16xf32> to vector<16xf32>
    tpu.vector_store %arg16[%swap3A], %swap3A_154 {strides = array<i32>} : memref<128xf32, #tpu.memory_space<vmem>>, vector<16xf32>,
    %swap3A_155 = arith.constant 16 : index
    %swap3A_156 = tpu.vector_load %arg16[%swap3A_155] {strides = array<i32>} : memref<128xf32, #tpu.memory_space<vmem>>, vector<16xf32>,
    %swap3A_157 = vector.shape_cast %swap3A_156 : vector<16xf32> to vector<16xf32>
    %swap3A_158 = vector.shape_cast %broadcast_in_dim3A_151 : vector<16xf32> to vector<16xf32>
    tpu.vector_store %arg16[%swap3A_155], %swap3A_158 {strides = array<i32>} : memref<128xf32, #tpu.memory_space<vmem>>, vector<16xf32>,
    %swap3A_159 = arith.constant 32 : index
    %swap3A_160 = tpu.vector_load %arg16[%swap3A_159] {strides = array<i32>} : memref<128xf32, #tpu.memory_space<vmem>>, vector<16xf32>,
    %swap3A_161 = vector.shape_cast %swap3A_160 : vector<16xf32> to vector<16xf32>
    %swap3A_162 = vector.shape_cast %broadcast_in_dim3A_151 : vector<16xf32> to vector<16xf32>
    tpu.vector_store %arg16[%swap3A_159], %swap3A_162 {strides = array<i32>} : memref<128xf32, #tpu.memory_space<vmem>>, vector<16xf32>,
    %swap3A_163 = arith.constant 48 : index
    %swap3A_164 = tpu.vector_load %arg16[%swap3A_163] {strides = array<i32>} : memref<128xf32, #tpu.memory_space<vmem>>, vector<16xf32>,
    %swap3A_165 = vector.shape_cast %swap3A_164 : vector<16xf32> to vector<16xf32>
    %swap3A_166 = vector.shape_cast %broadcast_in_dim3A_151 : vector<16xf32> to vector<16xf32>
    tpu.vector_store %arg16[%swap3A_163], %swap3A_166 {strides = array<i32>} : memref<128xf32, #tpu.memory_space<vmem>>, vector<16xf32>,
    %swap3A_167 = arith.constant 64 : index
    %swap3A_168 = tpu.vector_load %arg16[%swap3A_167] {strides = array<i32>} : memref<128xf32, #tpu.memory_space<vmem>>, vector<16xf32>,
    %swap3A_169 = vector.shape_cast %swap3A_168 : vector<16xf32> to vector<16xf32>
    %swap3A_170 = vector.shape_cast %broadcast_in_dim3A_151 : vector<16xf32> to vector<16xf32>
    tpu.vector_store %arg16[%swap3A_167], %swap3A_170 {strides = array<i32>} : memref<128xf32, #tpu.memory_space<vmem>>, vector<16xf32>,
    %swap3A_171 = arith.constant 80 : index
    %swap3A_172 = tpu.vector_load %arg16[%swap3A_171] {strides = array<i32>} : memref<128xf32, #tpu.memory_space<vmem>>, vector<16xf32>,
    %swap3A_173 = vector.shape_cast %swap3A_172 : vector<16xf32> to vector<16xf32>
    %swap3A_174 = vector.shape_cast %broadcast_in_dim3A_151 : vector<16xf32> to vector<16xf32>
    tpu.vector_store %arg16[%swap3A_171], %swap3A_174 {strides = array<i32>} : memref<128xf32, #tpu.memory_space<vmem>>, vector<16xf32>,
    %swap3A_175 = arith.constant 96 : index
    %swap3A_176 = tpu.vector_load %arg16[%swap3A_175] {strides = array<i32>} : memref<128xf32, #tpu.memory_space<vmem>>, vector<16xf32>,
    %swap3A_177 = vector.shape_cast %swap3A_176 : vector<16xf32> to vector<16xf32>
    %swap3A_178 = vector.shape_cast %broadcast_in_dim3A_151 : vector<16xf32> to vector<16xf32>
    tpu.vector_store %arg16[%swap3A_175], %swap3A_178 {strides = array<i32>} : memref<128xf32, #tpu.memory_space<vmem>>, vector<16xf32>,
    %swap3A_179 = arith.constant 112 : index
    %swap3A_180 = tpu.vector_load %arg16[%swap3A_179] {strides = array<i32>} : memref<128xf32, #tpu.memory_space<vmem>>, vector<16xf32>,
    %swap3A_181 = vector.shape_cast %swap3A_180 : vector<16xf32> to vector<16xf32>
    %swap3A_182 = vector.shape_cast %broadcast_in_dim3A_151 : vector<16xf32> to vector<16xf32>
    tpu.vector_store %arg16[%swap3A_179], %swap3A_182 {strides = array<i32>} : memref<128xf32, #tpu.memory_space<vmem>>, vector<16xf32>,
    %swap3A_183 = arith.constant 0 : index
    %swap3A_184 = tpu.vector_load %arg17[%swap3A_183] {strides = array<i32>} : memref<640xf32, #tpu.memory_space<vmem>>, vector<16xf32>,
    %swap3A_185 = vector.shape_cast %swap3A_184 : vector<16xf32> to vector<16xf32>
    %swap3A_186 = vector.shape_cast %broadcast_in_dim3A_149 : vector<16xf32> to vector<16xf32>
    tpu.vector_store %arg17[%swap3A_183], %swap3A_186 {strides = array<i32>} : memref<640xf32, #tpu.memory_space<vmem>>, vector<16xf32>,
    %swap3A_187 = arith.constant 16 : index
    %swap3A_188 = tpu.vector_load %arg17[%swap3A_187] {strides = array<i32>} : memref<640xf32, #tpu.memory_space<vmem>>, vector<16xf32>,
    %swap3A_189 = vector.shape_cast %swap3A_188 : vector<16xf32> to vector<16xf32>
    %swap3A_190 = vector.shape_cast %broadcast_in_dim3A_149 : vector<16xf32> to vector<16xf32>
    tpu.vector_store %arg17[%swap3A_187], %swap3A_190 {strides = array<i32>} : memref<640xf32, #tpu.memory_space<vmem>>, vector<16xf32>,
    %swap3A_191 = arith.constant 32 : index
    %swap3A_192 = tpu.vector_load %arg17[%swap3A_191] {strides = array<i32>} : memref<640xf32, #tpu.memory_space<vmem>>, vector<16xf32>,
    %swap3A_193 = vector.shape_cast %swap3A_192 : vector<16xf32> to vector<16xf32>
    %swap3A_194 = vector.shape_cast %broadcast_in_dim3A_149 : vector<16xf32> to vector<16xf32>
    tpu.vector_store %arg17[%swap3A_191], %swap3A_194 {strides = array<i32>} : memref<640xf32, #tpu.memory_space<vmem>>, vector<16xf32>,
    %swap3A_195 = arith.constant 48 : index
    %swap3A_196 = tpu.vector_load %arg17[%swap3A_195] {strides = array<i32>} : memref<640xf32, #tpu.memory_space<vmem>>, vector<16xf32>,
    %swap3A_197 = vector.shape_cast %swap3A_196 : vector<16xf32> to vector<16xf32>
    %swap3A_198 = vector.shape_cast %broadcast_in_dim3A_149 : vector<16xf32> to vector<16xf32>
    tpu.vector_store %arg17[%swap3A_195], %swap3A_198 {strides = array<i32>} : memref<640xf32, #tpu.memory_space<vmem>>, vector<16xf32>,
    %swap3A_199 = arith.constant 64 : index
    %swap3A_200 = tpu.vector_load %arg17[%swap3A_199] {strides = array<i32>} : memref<640xf32, #tpu.memory_space<vmem>>, vector<16xf32>,
    %swap3A_201 = vector.shape_cast %swap3A_200 : vector<16xf32> to vector<16xf32>
    %swap3A_202 = vector.shape_cast %broadcast_in_dim3A_149 : vector<16xf32> to vector<16xf32>
    tpu.vector_store %arg17[%swap3A_199], %swap3A_202 {strides = array<i32>} : memref<640xf32, #tpu.memory_space<vmem>>, vector<16xf32>,
    %swap3A_203 = arith.constant 80 : index
    %swap3A_204 = tpu.vector_load %arg17[%swap3A_203] {strides = array<i32>} : memref<640xf32, #tpu.memory_space<vmem>>, vector<16xf32>,
    %swap3A_205 = vector.shape_cast %swap3A_204 : vector<16xf32> to vector<16xf32>
    %swap3A_206 = vector.shape_cast %broadcast_in_dim3A_149 : vector<16xf32> to vector<16xf32>
    tpu.vector_store %arg17[%swap3A_203], %swap3A_206 {strides = array<i32>} : memref<640xf32, #tpu.memory_space<vmem>>, vector<16xf32>,
    %swap3A_207 = arith.constant 96 : index
    %swap3A_208 = tpu.vector_load %arg17[%swap3A_207] {strides = array<i32>} : memref<640xf32, #tpu.memory_space<vmem>>, vector<16xf32>,
    %swap3A_209 = vector.shape_cast %swap3A_208 : vector<16xf32> to vector<16xf32>
    %swap3A_210 = vector.shape_cast %broadcast_in_dim3A_149 : vector<16xf32> to vector<16xf32>
    tpu.vector_store %arg17[%swap3A_207], %swap3A_210 {strides = array<i32>} : memref<640xf32, #tpu.memory_space<vmem>>, vector<16xf32>,
    %swap3A_211 = arith.constant 112 : index
    %swap3A_212 = tpu.vector_load %arg17[%swap3A_211] {strides = array<i32>} : memref<640xf32, #tpu.memory_space<vmem>>, vector<16xf32>,
    %swap3A_213 = vector.shape_cast %swap3A_212 : vector<16xf32> to vector<16xf32>
    %swap3A_214 = vector.shape_cast %broadcast_in_dim3A_149 : vector<16xf32> to vector<16xf32>
    tpu.vector_store %arg17[%swap3A_211], %swap3A_214 {strides = array<i32>} : memref<640xf32, #tpu.memory_space<vmem>>, vector<16xf32>,
    %swap3A_215 = arith.constant 128 : index
    %swap3A_216 = tpu.vector_load %arg17[%swap3A_215] {strides = array<i32>} : memref<640xf32, #tpu.memory_space<vmem>>, vector<16xf32>,
    %swap3A_217 = vector.shape_cast %swap3A_216 : vector<16xf32> to vector<16xf32>
    %swap3A_218 = vector.shape_cast %broadcast_in_dim3A_149 : vector<16xf32> to vector<16xf32>
    tpu.vector_store %arg17[%swap3A_215], %swap3A_218 {strides = array<i32>} : memref<640xf32, #tpu.memory_space<vmem>>, vector<16xf32>,
    %swap3A_219 = arith.constant 144 : index
    %swap3A_220 = tpu.vector_load %arg17[%swap3A_219] {strides = array<i32>} : memref<640xf32, #tpu.memory_space<vmem>>, vector<16xf32>,
    %swap3A_221 = vector.shape_cast %swap3A_220 : vector<16xf32> to vector<16xf32>
    %swap3A_222 = vector.shape_cast %broadcast_in_dim3A_149 : vector<16xf32> to vector<16xf32>
    tpu.vector_store %arg17[%swap3A_219], %swap3A_222 {strides = array<i32>} : memref<640xf32, #tpu.memory_space<vmem>>, vector<16xf32>,
    %swap3A_223 = arith.constant 160 : index
    %swap3A_224 = tpu.vector_load %arg17[%swap3A_223] {strides = array<i32>} : memref<640xf32, #tpu.memory_space<vmem>>, vector<16xf32>,
    %swap3A_225 = vector.shape_cast %swap3A_224 : vector<16xf32> to vector<16xf32>
    %swap3A_226 = vector.shape_cast %broadcast_in_dim3A_149 : vector<16xf32> to vector<16xf32>
    tpu.vector_store %arg17[%swap3A_223], %swap3A_226 {strides = array<i32>} : memref<640xf32, #tpu.memory_space<vmem>>, vector<16xf32>,
    %swap3A_227 = arith.constant 176 : index
    %swap3A_228 = tpu.vector_load %arg17[%swap3A_227] {strides = array<i32>} : memref<640xf32, #tpu.memory_space<vmem>>, vector<16xf32>,
    %swap3A_229 = vector.shape_cast %swap3A_228 : vector<16xf32> to vector<16xf32>
    %swap3A_230 = vector.shape_cast %broadcast_in_dim3A_149 : vector<16xf32> to vector<16xf32>
    tpu.vector_store %arg17[%swap3A_227], %swap3A_230 {strides = array<i32>} : memref<640xf32, #tpu.memory_space<vmem>>, vector<16xf32>,
    %swap3A_231 = arith.constant 192 : index
    %swap3A_232 = tpu.vector_load %arg17[%swap3A_231] {strides = array<i32>} : memref<640xf32, #tpu.memory_space<vmem>>, vector<16xf32>,
    %swap3A_233 = vector.shape_cast %swap3A_232 : vector<16xf32> to vector<16xf32>
    %swap3A_234 = vector.shape_cast %broadcast_in_dim3A_149 : vector<16xf32> to vector<16xf32>
    tpu.vector_store %arg17[%swap3A_231], %swap3A_234 {strides = array<i32>} : memref<640xf32, #tpu.memory_space<vmem>>, vector<16xf32>,
    %swap3A_235 = arith.constant 208 : index
    %swap3A_236 = tpu.vector_load %arg17[%swap3A_235] {strides = array<i32>} : memref<640xf32, #tpu.memory_space<vmem>>, vector<16xf32>,
    %swap3A_237 = vector.shape_cast %swap3A_236 : vector<16xf32> to vector<16xf32>
    %swap3A_238 = vector.shape_cast %broadcast_in_dim3A_149 : vector<16xf32> to vector<16xf32>
    tpu.vector_store %arg17[%swap3A_235], %swap3A_238 {strides = array<i32>} : memref<640xf32, #tpu.memory_space<vmem>>, vector<16xf32>,
    %swap3A_239 = arith.constant 224 : index
    %swap3A_240 = tpu.vector_load %arg17[%swap3A_239] {strides = array<i32>} : memref<640xf32, #tpu.memory_space<vmem>>, vector<16xf32>,
    %swap3A_241 = vector.shape_cast %swap3A_240 : vector<16xf32> to vector<16xf32>
    %swap3A_242 = vector.shape_cast %broadcast_in_dim3A_149 : vector<16xf32> to vector<16xf32>
    tpu.vector_store %arg17[%swap3A_239], %swap3A_242 {strides = array<i32>} : memref<640xf32, #tpu.memory_space<vmem>>, vector<16xf32>,
    %swap3A_243 = arith.constant 240 : index
    %swap3A_244 = tpu.vector_load %arg17[%swap3A_243] {strides = array<i32>} : memref<640xf32, #tpu.memory_space<vmem>>, vector<16xf32>,
    %swap3A_245 = vector.shape_cast %swap3A_244 : vector<16xf32> to vector<16xf32>
    %swap3A_246 = vector.shape_cast %broadcast_in_dim3A_149 : vector<16xf32> to vector<16xf32>
    tpu.vector_store %arg17[%swap3A_243], %swap3A_246 {strides = array<i32>} : memref<640xf32, #tpu.memory_space<vmem>>, vector<16xf32>,
    %swap3A_247 = arith.constant 256 : index
    %swap3A_248 = tpu.vector_load %arg17[%swap3A_247] {strides = array<i32>} : memref<640xf32, #tpu.memory_space<vmem>>, vector<16xf32>,
    %swap3A_249 = vector.shape_cast %swap3A_248 : vector<16xf32> to vector<16xf32>
    %swap3A_250 = vector.shape_cast %broadcast_in_dim3A_149 : vector<16xf32> to vector<16xf32>
    tpu.vector_store %arg17[%swap3A_247], %swap3A_250 {strides = array<i32>} : memref<640xf32, #tpu.memory_space<vmem>>, vector<16xf32>,
    %swap3A_251 = arith.constant 272 : index
    %swap3A_252 = tpu.vector_load %arg17[%swap3A_251] {strides = array<i32>} : memref<640xf32, #tpu.memory_space<vmem>>, vector<16xf32>,
    %swap3A_253 = vector.shape_cast %swap3A_252 : vector<16xf32> to vector<16xf32>
    %swap3A_254 = vector.shape_cast %broadcast_in_dim3A_149 : vector<16xf32> to vector<16xf32>
    tpu.vector_store %arg17[%swap3A_251], %swap3A_254 {strides = array<i32>} : memref<640xf32, #tpu.memory_space<vmem>>, vector<16xf32>,
    %swap3A_255 = arith.constant 288 : index
    %swap3A_256 = tpu.vector_load %arg17[%swap3A_255] {strides = array<i32>} : memref<640xf32, #tpu.memory_space<vmem>>, vector<16xf32>,
    %swap3A_257 = vector.shape_cast %swap3A_256 : vector<16xf32> to vector<16xf32>
    %swap3A_258 = vector.shape_cast %broadcast_in_dim3A_149 : vector<16xf32> to vector<16xf32>
    tpu.vector_store %arg17[%swap3A_255], %swap3A_258 {strides = array<i32>} : memref<640xf32, #tpu.memory_space<vmem>>, vector<16xf32>,
    %swap3A_259 = arith.constant 304 : index
    %swap3A_260 = tpu.vector_load %arg17[%swap3A_259] {strides = array<i32>} : memref<640xf32, #tpu.memory_space<vmem>>, vector<16xf32>,
    %swap3A_261 = vector.shape_cast %swap3A_260 : vector<16xf32> to vector<16xf32>
    %swap3A_262 = vector.shape_cast %broadcast_in_dim3A_149 : vector<16xf32> to vector<16xf32>
    tpu.vector_store %arg17[%swap3A_259], %swap3A_262 {strides = array<i32>} : memref<640xf32, #tpu.memory_space<vmem>>, vector<16xf32>,
    %swap3A_263 = arith.constant 320 : index
    %swap3A_264 = tpu.vector_load %arg17[%swap3A_263] {strides = array<i32>} : memref<640xf32, #tpu.memory_space<vmem>>, vector<16xf32>,
    %swap3A_265 = vector.shape_cast %swap3A_264 : vector<16xf32> to vector<16xf32>
    %swap3A_266 = vector.shape_cast %broadcast_in_dim3A_149 : vector<16xf32> to vector<16xf32>
    tpu.vector_store %arg17[%swap3A_263], %swap3A_266 {strides = array<i32>} : memref<640xf32, #tpu.memory_space<vmem>>, vector<16xf32>,
    %swap3A_267 = arith.constant 336 : index
    %swap3A_268 = tpu.vector_load %arg17[%swap3A_267] {strides = array<i32>} : memref<640xf32, #tpu.memory_space<vmem>>, vector<16xf32>,
    %swap3A_269 = vector.shape_cast %swap3A_268 : vector<16xf32> to vector<16xf32>
    %swap3A_270 = vector.shape_cast %broadcast_in_dim3A_149 : vector<16xf32> to vector<16xf32>
    tpu.vector_store %arg17[%swap3A_267], %swap3A_270 {strides = array<i32>} : memref<640xf32, #tpu.memory_space<vmem>>, vector<16xf32>,
    %swap3A_271 = arith.constant 352 : index
    %swap3A_272 = tpu.vector_load %arg17[%swap3A_271] {strides = array<i32>} : memref<640xf32, #tpu.memory_space<vmem>>, vector<16xf32>,
    %swap3A_273 = vector.shape_cast %swap3A_272 : vector<16xf32> to vector<16xf32>
    %swap3A_274 = vector.shape_cast %broadcast_in_dim3A_149 : vector<16xf32> to vector<16xf32>
    tpu.vector_store %arg17[%swap3A_271], %swap3A_274 {strides = array<i32>} : memref<640xf32, #tpu.memory_space<vmem>>, vector<16xf32>,
    %swap3A_275 = arith.constant 368 : index
    %swap3A_276 = tpu.vector_load %arg17[%swap3A_275] {strides = array<i32>} : memref<640xf32, #tpu.memory_space<vmem>>, vector<16xf32>,
    %swap3A_277 = vector.shape_cast %swap3A_276 : vector<16xf32> to vector<16xf32>
    %swap3A_278 = vector.shape_cast %broadcast_in_dim3A_149 : vector<16xf32> to vector<16xf32>
    tpu.vector_store %arg17[%swap3A_275], %swap3A_278 {strides = array<i32>} : memref<640xf32, #tpu.memory_space<vmem>>, vector<16xf32>,
    %swap3A_279 = arith.constant 384 : index
    %swap3A_280 = tpu.vector_load %arg17[%swap3A_279] {strides = array<i32>} : memref<640xf32, #tpu.memory_space<vmem>>, vector<16xf32>,
    %swap3A_281 = vector.shape_cast %swap3A_280 : vector<16xf32> to vector<16xf32>
    %swap3A_282 = vector.shape_cast %broadcast_in_dim3A_149 : vector<16xf32> to vector<16xf32>
    tpu.vector_store %arg17[%swap3A_279], %swap3A_282 {strides = array<i32>} : memref<640xf32, #tpu.memory_space<vmem>>, vector<16xf32>,
    %swap3A_283 = arith.constant 400 : index
    %swap3A_284 = tpu.vector_load %arg17[%swap3A_283] {strides = array<i32>} : memref<640xf32, #tpu.memory_space<vmem>>, vector<16xf32>,
    %swap3A_285 = vector.shape_cast %swap3A_284 : vector<16xf32> to vector<16xf32>
    %swap3A_286 = vector.shape_cast %broadcast_in_dim3A_149 : vector<16xf32> to vector<16xf32>
    tpu.vector_store %arg17[%swap3A_283], %swap3A_286 {strides = array<i32>} : memref<640xf32, #tpu.memory_space<vmem>>, vector<16xf32>,
    %swap3A_287 = arith.constant 416 : index
    %swap3A_288 = tpu.vector_load %arg17[%swap3A_287] {strides = array<i32>} : memref<640xf32, #tpu.memory_space<vmem>>, vector<16xf32>,
    %swap3A_289 = vector.shape_cast %swap3A_288 : vector<16xf32> to vector<16xf32>
    %swap3A_290 = vector.shape_cast %broadcast_in_dim3A_149 : vector<16xf32> to vector<16xf32>
    tpu.vector_store %arg17[%swap3A_287], %swap3A_290 {strides = array<i32>} : memref<640xf32, #tpu.memory_space<vmem>>, vector<16xf32>,
    %swap3A_291 = arith.constant 432 : index
    %swap3A_292 = tpu.vector_load %arg17[%swap3A_291] {strides = array<i32>} : memref<640xf32, #tpu.memory_space<vmem>>, vector<16xf32>,
    %swap3A_293 = vector.shape_cast %swap3A_292 : vector<16xf32> to vector<16xf32>
    %swap3A_294 = vector.shape_cast %broadcast_in_dim3A_149 : vector<16xf32> to vector<16xf32>
    tpu.vector_store %arg17[%swap3A_291], %swap3A_294 {strides = array<i32>} : memref<640xf32, #tpu.memory_space<vmem>>, vector<16xf32>,
    %swap3A_295 = arith.constant 448 : index
    %swap3A_296 = tpu.vector_load %arg17[%swap3A_295] {strides = array<i32>} : memref<640xf32, #tpu.memory_space<vmem>>, vector<16xf32>,
    %swap3A_297 = vector.shape_cast %swap3A_296 : vector<16xf32> to vector<16xf32>
    %swap3A_298 = vector.shape_cast %broadcast_in_dim3A_149 : vector<16xf32> to vector<16xf32>
    tpu.vector_store %arg17[%swap3A_295], %swap3A_298 {strides = array<i32>} : memref<640xf32, #tpu.memory_space<vmem>>, vector<16xf32>,
    %swap3A_299 = arith.constant 464 : index
    %swap3A_300 = tpu.vector_load %arg17[%swap3A_299] {strides = array<i32>} : memref<640xf32, #tpu.memory_space<vmem>>, vector<16xf32>,
    %swap3A_301 = vector.shape_cast %swap3A_300 : vector<16xf32> to vector<16xf32>
    %swap3A_302 = vector.shape_cast %broadcast_in_dim3A_149 : vector<16xf32> to vector<16xf32>
    tpu.vector_store %arg17[%swap3A_299], %swap3A_302 {strides = array<i32>} : memref<640xf32, #tpu.memory_space<vmem>>, vector<16xf32>,
    %swap3A_303 = arith.constant 480 : index
    %swap3A_304 = tpu.vector_load %arg17[%swap3A_303] {strides = array<i32>} : memref<640xf32, #tpu.memory_space<vmem>>, vector<16xf32>,
    %swap3A_305 = vector.shape_cast %swap3A_304 : vector<16xf32> to vector<16xf32>
    %swap3A_306 = vector.shape_cast %broadcast_in_dim3A_149 : vector<16xf32> to vector<16xf32>
    tpu.vector_store %arg17[%swap3A_303], %swap3A_306 {strides = array<i32>} : memref<640xf32, #tpu.memory_space<vmem>>, vector<16xf32>,
    %swap3A_307 = arith.constant 496 : index
    %swap3A_308 = tpu.vector_load %arg17[%swap3A_307] {strides = array<i32>} : memref<640xf32, #tpu.memory_space<vmem>>, vector<16xf32>,
    %swap3A_309 = vector.shape_cast %swap3A_308 : vector<16xf32> to vector<16xf32>
    %swap3A_310 = vector.shape_cast %broadcast_in_dim3A_149 : vector<16xf32> to vector<16xf32>
    tpu.vector_store %arg17[%swap3A_307], %swap3A_310 {strides = array<i32>} : memref<640xf32, #tpu.memory_space<vmem>>, vector<16xf32>,
    %swap3A_311 = arith.constant 512 : index
    %swap3A_312 = tpu.vector_load %arg17[%swap3A_311] {strides = array<i32>} : memref<640xf32, #tpu.memory_space<vmem>>, vector<16xf32>,
    %swap3A_313 = vector.shape_cast %swap3A_312 : vector<16xf32> to vector<16xf32>
    %swap3A_314 = vector.shape_cast %broadcast_in_dim3A_149 : vector<16xf32> to vector<16xf32>
    tpu.vector_store %arg17[%swap3A_311], %swap3A_314 {strides = array<i32>} : memref<640xf32, #tpu.memory_space<vmem>>, vector<16xf32>,
    %swap3A_315 = arith.constant 528 : index
    %swap3A_316 = tpu.vector_load %arg17[%swap3A_315] {strides = array<i32>} : memref<640xf32, #tpu.memory_space<vmem>>, vector<16xf32>,
    %swap3A_317 = vector.shape_cast %swap3A_316 : vector<16xf32> to vector<16xf32>
    %swap3A_318 = vector.shape_cast %broadcast_in_dim3A_149 : vector<16xf32> to vector<16xf32>
    tpu.vector_store %arg17[%swap3A_315], %swap3A_318 {strides = array<i32>} : memref<640xf32, #tpu.memory_space<vmem>>, vector<16xf32>,
    %swap3A_319 = arith.constant 544 : index
    %swap3A_320 = tpu.vector_load %arg17[%swap3A_319] {strides = array<i32>} : memref<640xf32, #tpu.memory_space<vmem>>, vector<16xf32>,
    %swap3A_321 = vector.shape_cast %swap3A_320 : vector<16xf32> to vector<16xf32>
    %swap3A_322 = vector.shape_cast %broadcast_in_dim3A_149 : vector<16xf32> to vector<16xf32>
    tpu.vector_store %arg17[%swap3A_319], %swap3A_322 {strides = array<i32>} : memref<640xf32, #tpu.memory_space<vmem>>, vector<16xf32>,
    %swap3A_323 = arith.constant 560 : index
    %swap3A_324 = tpu.vector_load %arg17[%swap3A_323] {strides = array<i32>} : memref<640xf32, #tpu.memory_space<vmem>>, vector<16xf32>,
    %swap3A_325 = vector.shape_cast %swap3A_324 : vector<16xf32> to vector<16xf32>
    %swap3A_326 = vector.shape_cast %broadcast_in_dim3A_149 : vector<16xf32> to vector<16xf32>
    tpu.vector_store %arg17[%swap3A_323], %swap3A_326 {strides = array<i32>} : memref<640xf32, #tpu.memory_space<vmem>>, vector<16xf32>,
    %swap3A_327 = arith.constant 576 : index
    %swap3A_328 = tpu.vector_load %arg17[%swap3A_327] {strides = array<i32>} : memref<640xf32, #tpu.memory_space<vmem>>, vector<16xf32>,
    %swap3A_329 = vector.shape_cast %swap3A_328 : vector<16xf32> to vector<16xf32>
    %swap3A_330 = vector.shape_cast %broadcast_in_dim3A_149 : vector<16xf32> to vector<16xf32>
    tpu.vector_store %arg17[%swap3A_327], %swap3A_330 {strides = array<i32>} : memref<640xf32, #tpu.memory_space<vmem>>, vector<16xf32>,
    %swap3A_331 = arith.constant 592 : index
    %swap3A_332 = tpu.vector_load %arg17[%swap3A_331] {strides = array<i32>} : memref<640xf32, #tpu.memory_space<vmem>>, vector<16xf32>,
    %swap3A_333 = vector.shape_cast %swap3A_332 : vector<16xf32> to vector<16xf32>
    %swap3A_334 = vector.shape_cast %broadcast_in_dim3A_149 : vector<16xf32> to vector<16xf32>
    tpu.vector_store %arg17[%swap3A_331], %swap3A_334 {strides = array<i32>} : memref<640xf32, #tpu.memory_space<vmem>>, vector<16xf32>,
    %swap3A_335 = arith.constant 608 : index
    %swap3A_336 = tpu.vector_load %arg17[%swap3A_335] {strides = array<i32>} : memref<640xf32, #tpu.memory_space<vmem>>, vector<16xf32>,
    %swap3A_337 = vector.shape_cast %swap3A_336 : vector<16xf32> to vector<16xf32>
    %swap3A_338 = vector.shape_cast %broadcast_in_dim3A_149 : vector<16xf32> to vector<16xf32>
    tpu.vector_store %arg17[%swap3A_335], %swap3A_338 {strides = array<i32>} : memref<640xf32, #tpu.memory_space<vmem>>, vector<16xf32>,
    %swap3A_339 = arith.constant 624 : index
    %swap3A_340 = tpu.vector_load %arg17[%swap3A_339] {strides = array<i32>} : memref<640xf32, #tpu.memory_space<vmem>>, vector<16xf32>,
    %swap3A_341 = vector.shape_cast %swap3A_340 : vector<16xf32> to vector<16xf32>
    %swap3A_342 = vector.shape_cast %broadcast_in_dim3A_149 : vector<16xf32> to vector<16xf32>
    tpu.vector_store %arg17[%swap3A_339], %swap3A_342 {strides = array<i32>} : memref<640xf32, #tpu.memory_space<vmem>>, vector<16xf32>,
    %mul3A_343 = arith.constant 640 : i32
    %mul3A_344 = arith.muli %arg1, %mul3A_343 : i32
    "tpu.region"() ({
      %run_scoped3A_672 = tpu.sem_alloc : memref<!tpu.dma_semaphore, #tpu.memory_space<semaphore_mem>>
      %dma_start3A_673 = tpu.memref_slice %arg18[%mul3A_344] : memref<10240xf32, #tpu.memory_space<vmem_shared>> -> memref<640xf32, #tpu.memory_space<vmem_shared>>
      %dma_start3A_674 = tpu.memref_slice %arg18[%mul3A_344] : memref<10240xf32, #tpu.memory_space<vmem_shared>> -> memref<640xf32, #tpu.memory_space<vmem_shared>>
      tpu.enqueue_dma source(%arg17 : memref<640xf32, #tpu.memory_space<vmem>>) target(%dma_start3A_674 : memref<640xf32, #tpu.memory_space<vmem_shared>>) target_semaphore(%run_scoped3A_672 : memref<!tpu.dma_semaphore, #tpu.memory_space<semaphore_mem>>)
      %dma_wait3A_675 = tpu.memref_slice %arg18[%mul3A_344] : memref<10240xf32, #tpu.memory_space<vmem_shared>> -> memref<640xf32, #tpu.memory_space<vmem_shared>>
      %dma_wait3A_676 = tpu.memref_slice %arg18[%mul3A_344] : memref<10240xf32, #tpu.memory_space<vmem_shared>> -> memref<640xf32, #tpu.memory_space<vmem_shared>>
      tpu.wait_dma2 semaphore(%run_scoped3A_672 : memref<!tpu.dma_semaphore, #tpu.memory_space<semaphore_mem>>) src(%arg17 : memref<640xf32, #tpu.memory_space<vmem>>) dst(%dma_wait3A_676 : memref<640xf32, #tpu.memory_space<vmem_shared>>)
      tpu.yield
    }) : () -> ()
    %barrier3A = arith.constant 0 : index
    tpu.barrier barrier_id(%barrier3A)
    %scan3A = arith.constant 0 : i32
    %scan3A_345 = arith.constant 2 : i32
    %scan3A_346 = arith.addi %scan3A, %scan3A_345 : i32
    %scan3A_347 = arith.constant 1 : i32
    scf.for %scan3A_672 = %scan3A to %scan3A_346 step %scan3A_347  : i32 {
      %mul3A_673 = arith.constant 1 : i32
      %mul3A_674 = arith.muli %scan3A_672, %mul3A_673 : i32
      %add3A_675 = arith.constant 0 : i32
      %add3A_676 = arith.addi %add3A_675, %mul3A_674 : i32
      %mul3A_677 = arith.constant 80 : i32
      %mul3A_678 = arith.muli %add3A, %mul3A_677 : i32
      %mul3A_679 = arith.constant 40 : i32
      %mul3A_680 = arith.muli %add3A_676, %mul3A_679 : i32
      %add3A_681 = arith.addi %mul3A_678, %mul3A_680 : i32
      "tpu.region"() ({
        %run_scoped3A_692 = tpu.sem_alloc : memref<!tpu.dma_semaphore, #tpu.memory_space<semaphore_mem>>
        %dma_start3A_693 = arith.constant 0 : i32
        %dma_start3A_694 = tpu.memref_slice %arg3[%add3A_681, %dma_start3A_693] : memref<2560x128xi32, #tpu.memory_space<hbm>> -> memref<40x128xi32, #tpu.memory_space<hbm>>
        %dma_start3A_695 = arith.constant 0 : i32
        %dma_start3A_696 = tpu.memref_slice %arg3[%add3A_681, %dma_start3A_695] : memref<2560x128xi32, #tpu.memory_space<hbm>> -> memref<40x128xi32, #tpu.memory_space<hbm>>
        tpu.enqueue_dma source(%dma_start3A_696 : memref<40x128xi32, #tpu.memory_space<hbm>>) target(%arg8 : memref<40x128xi32, #tpu.memory_space<vmem>>) target_semaphore(%run_scoped3A_692 : memref<!tpu.dma_semaphore, #tpu.memory_space<semaphore_mem>>)
        %dma_wait3A_697 = arith.constant 0 : i32
        %dma_wait3A_698 = tpu.memref_slice %arg3[%add3A_681, %dma_wait3A_697] : memref<2560x128xi32, #tpu.memory_space<hbm>> -> memref<40x128xi32, #tpu.memory_space<hbm>>
        %dma_wait3A_699 = arith.constant 0 : i32
        %dma_wait3A_700 = tpu.memref_slice %arg3[%add3A_681, %dma_wait3A_699] : memref<2560x128xi32, #tpu.memory_space<hbm>> -> memref<40x128xi32, #tpu.memory_space<hbm>>
        tpu.wait_dma2 semaphore(%run_scoped3A_692 : memref<!tpu.dma_semaphore, #tpu.memory_space<semaphore_mem>>) src(%dma_wait3A_700 : memref<40x128xi32, #tpu.memory_space<hbm>>) dst(%arg8 : memref<40x128xi32, #tpu.memory_space<vmem>>)
        tpu.yield
      }) : () -> ()
      %mul3A_682 = arith.constant 80 : i32
      %mul3A_683 = arith.muli %add3A, %mul3A_682 : i32
      %mul3A_684 = arith.constant 40 : i32
      %mul3A_685 = arith.muli %add3A_676, %mul3A_684 : i32
      %add3A_686 = arith.addi %mul3A_683, %mul3A_685 : i32
      "tpu.region"() ({
        %run_scoped3A_692 = tpu.sem_alloc : memref<!tpu.dma_semaphore, #tpu.memory_space<semaphore_mem>>
        %dma_start3A_693 = arith.constant 0 : i32
        %dma_start3A_694 = tpu.memref_slice %arg4[%add3A_686, %dma_start3A_693] : memref<2560x128xi32, #tpu.memory_space<hbm>> -> memref<40x128xi32, #tpu.memory_space<hbm>>
        %dma_start3A_695 = arith.constant 0 : i32
        %dma_start3A_696 = tpu.memref_slice %arg4[%add3A_686, %dma_start3A_695] : memref<2560x128xi32, #tpu.memory_space<hbm>> -> memref<40x128xi32, #tpu.memory_space<hbm>>
        tpu.enqueue_dma source(%dma_start3A_696 : memref<40x128xi32, #tpu.memory_space<hbm>>) target(%arg9 : memref<40x128xi32, #tpu.memory_space<vmem>>) target_semaphore(%run_scoped3A_692 : memref<!tpu.dma_semaphore, #tpu.memory_space<semaphore_mem>>)
        %dma_wait3A_697 = arith.constant 0 : i32
        %dma_wait3A_698 = tpu.memref_slice %arg4[%add3A_686, %dma_wait3A_697] : memref<2560x128xi32, #tpu.memory_space<hbm>> -> memref<40x128xi32, #tpu.memory_space<hbm>>
        %dma_wait3A_699 = arith.constant 0 : i32
        %dma_wait3A_700 = tpu.memref_slice %arg4[%add3A_686, %dma_wait3A_699] : memref<2560x128xi32, #tpu.memory_space<hbm>> -> memref<40x128xi32, #tpu.memory_space<hbm>>
        tpu.wait_dma2 semaphore(%run_scoped3A_692 : memref<!tpu.dma_semaphore, #tpu.memory_space<semaphore_mem>>) src(%dma_wait3A_700 : memref<40x128xi32, #tpu.memory_space<hbm>>) dst(%arg9 : memref<40x128xi32, #tpu.memory_space<vmem>>)
        tpu.yield
      }) : () -> ()
      %scan3A_687 = arith.constant 0 : i32
      %scan3A_688 = arith.constant 20 : i32
      %scan3A_689 = arith.addi %scan3A_687, %scan3A_688 : i32
      %scan3A_690 = arith.constant 1 : i32
      scf.for %scan3A_692 = %scan3A_687 to %scan3A_689 step %scan3A_690  : i32 {
        %mul3A_693 = arith.constant 2 : i32
        %mul3A_694 = arith.muli %scan3A_692, %mul3A_693 : i32
        %add3A_695 = arith.constant 0 : i32
        %add3A_696 = arith.addi %add3A_695, %mul3A_694 : i32
        %dma_start3A_697 = arith.constant 0 : i32
        %dma_start3A_698 = arith.constant 0 : i32
        %dma_start3A_699 = arith.constant 0 : i32
        %dma_start3A_700 = tpu.memref_slice %arg10[%dma_start3A_697, %dma_start3A_698, %dma_start3A_699] : memref<2x128x128xf32, #tpu.memory_space<vmem>> -> memref<1x128x128xf32, #tpu.memory_space<vmem>>
        %dma_start3A_701 = tpu.memref_squeeze %dma_start3A_700 : memref<1x128x128xf32, #tpu.memory_space<vmem>> -> memref<128x128xf32, #tpu.memory_space<vmem>>
        %dma_start3A_702 = arith.constant 0 : i32
        %dma_start3A_703 = tpu.memref_slice %arg8[%add3A_696, %dma_start3A_702] : memref<40x128xi32, #tpu.memory_space<vmem>> -> memref<1x128xi32, #tpu.memory_space<vmem>>
        %dma_start3A_704 = tpu.memref_squeeze %dma_start3A_703 : memref<1x128xi32, #tpu.memory_space<vmem>> -> memref<128xi32, #tpu.memory_space<vmem>>
        %dma_start3A_705 = arith.constant 0 : i32
        %dma_start3A_706 = arith.constant 0 : i32
        %dma_start3A_707 = tpu.memref_slice %arg2[%dma_start3A_705, %dma_start3A_706] : memref<10240x128xf32, #tpu.memory_space<hbm>> -> memref<10240x128xf32, #tpu.memory_space<hbm>>
        tpu.enqueue_indirect_dma source(%dma_start3A_707 : memref<10240x128xf32, #tpu.memory_space<hbm>>) target(%dma_start3A_701 : memref<128x128xf32, #tpu.memory_space<vmem>>) offsets(%dma_start3A_704 : memref<128xi32, #tpu.memory_space<vmem>>) semaphore(%arg12 : memref<!tpu.dma_semaphore, #tpu.memory_space<semaphore_mem>>)
        %add3A_708 = arith.constant 1 : i32
        %add3A_709 = arith.addi %add3A_696, %add3A_708 : i32
        %dma_start3A_710 = arith.constant 1 : i32
        %dma_start3A_711 = arith.constant 0 : i32
        %dma_start3A_712 = arith.constant 0 : i32
        %dma_start3A_713 = tpu.memref_slice %arg10[%dma_start3A_710, %dma_start3A_711, %dma_start3A_712] : memref<2x128x128xf32, #tpu.memory_space<vmem>> -> memref<1x128x128xf32, #tpu.memory_space<vmem>>
        %dma_start3A_714 = tpu.memref_squeeze %dma_start3A_713 : memref<1x128x128xf32, #tpu.memory_space<vmem>> -> memref<128x128xf32, #tpu.memory_space<vmem>>
        %dma_start3A_715 = arith.constant 0 : i32
        %dma_start3A_716 = tpu.memref_slice %arg8[%add3A_709, %dma_start3A_715] : memref<40x128xi32, #tpu.memory_space<vmem>> -> memref<1x128xi32, #tpu.memory_space<vmem>>
        %dma_start3A_717 = tpu.memref_squeeze %dma_start3A_716 : memref<1x128xi32, #tpu.memory_space<vmem>> -> memref<128xi32, #tpu.memory_space<vmem>>
        %dma_start3A_718 = arith.constant 0 : i32
        %dma_start3A_719 = arith.constant 0 : i32
        %dma_start3A_720 = tpu.memref_slice %arg2[%dma_start3A_718, %dma_start3A_719] : memref<10240x128xf32, #tpu.memory_space<hbm>> -> memref<10240x128xf32, #tpu.memory_space<hbm>>
        tpu.enqueue_indirect_dma source(%dma_start3A_720 : memref<10240x128xf32, #tpu.memory_space<hbm>>) target(%dma_start3A_714 : memref<128x128xf32, #tpu.memory_space<vmem>>) offsets(%dma_start3A_717 : memref<128xi32, #tpu.memory_space<vmem>>) semaphore(%arg13 : memref<!tpu.dma_semaphore, #tpu.memory_space<semaphore_mem>>)
        %dma_wait3A_721 = arith.constant 0 : i32
        %dma_wait3A_722 = arith.constant 0 : i32
        %dma_wait3A_723 = arith.constant 0 : i32
        %dma_wait3A_724 = tpu.memref_slice %arg10[%dma_wait3A_721, %dma_wait3A_722, %dma_wait3A_723] : memref<2x128x128xf32, #tpu.memory_space<vmem>> -> memref<1x128x128xf32, #tpu.memory_space<vmem>>
        %dma_wait3A_725 = tpu.memref_squeeze %dma_wait3A_724 : memref<1x128x128xf32, #tpu.memory_space<vmem>> -> memref<128x128xf32, #tpu.memory_space<vmem>>
        %dma_wait3A_726 = arith.constant 0 : i32
        %dma_wait3A_727 = tpu.memref_slice %arg8[%add3A_696, %dma_wait3A_726] : memref<40x128xi32, #tpu.memory_space<vmem>> -> memref<1x128xi32, #tpu.memory_space<vmem>>
        %dma_wait3A_728 = tpu.memref_squeeze %dma_wait3A_727 : memref<1x128xi32, #tpu.memory_space<vmem>> -> memref<128xi32, #tpu.memory_space<vmem>>
        %dma_wait3A_729 = arith.constant 0 : i32
        %dma_wait3A_730 = arith.constant 0 : i32
        %dma_wait3A_731 = tpu.memref_slice %arg2[%dma_wait3A_729, %dma_wait3A_730] : memref<10240x128xf32, #tpu.memory_space<hbm>> -> memref<10240x128xf32, #tpu.memory_space<hbm>>
        tpu.wait_indirect_dma semaphore(%arg12 : memref<!tpu.dma_semaphore, #tpu.memory_space<semaphore_mem>>) src(%dma_wait3A_731 : memref<10240x128xf32, #tpu.memory_space<hbm>>) dst(%dma_wait3A_725 : memref<128x128xf32, #tpu.memory_space<vmem>>)
        %dma_start3A_732 = arith.constant 0 : i32
        %dma_start3A_733 = arith.constant 0 : i32
        %dma_start3A_734 = arith.constant 0 : i32
        %dma_start3A_735 = tpu.memref_slice %arg10[%dma_start3A_732, %dma_start3A_733, %dma_start3A_734] : memref<2x128x128xf32, #tpu.memory_space<vmem>> -> memref<1x128x128xf32, #tpu.memory_space<vmem>>
        %dma_start3A_736 = tpu.memref_squeeze %dma_start3A_735 : memref<1x128x128xf32, #tpu.memory_space<vmem>> -> memref<128x128xf32, #tpu.memory_space<vmem>>
        %dma_start3A_737 = arith.constant 0 : i32
        %dma_start3A_738 = tpu.memref_slice %arg9[%add3A_696, %dma_start3A_737] : memref<40x128xi32, #tpu.memory_space<vmem>> -> memref<1x128xi32, #tpu.memory_space<vmem>>
        %dma_start3A_739 = tpu.memref_squeeze %dma_start3A_738 : memref<1x128xi32, #tpu.memory_space<vmem>> -> memref<128xi32, #tpu.memory_space<vmem>>
        %dma_start3A_740 = arith.constant 0 : i32
        %dma_start3A_741 = arith.constant 0 : i32
        %dma_start3A_742 = tpu.memref_slice %arg11[%dma_start3A_740, %dma_start3A_741] : memref<10240x128xf32, #tpu.memory_space<vmem_shared>> -> memref<10240x128xf32, #tpu.memory_space<vmem_shared>>
        tpu.enqueue_indirect_dma source(%dma_start3A_736 : memref<128x128xf32, #tpu.memory_space<vmem>>) target(%dma_start3A_742 : memref<10240x128xf32, #tpu.memory_space<vmem_shared>>) offsets(%dma_start3A_739 : memref<128xi32, #tpu.memory_space<vmem>>) semaphore(%arg14 : memref<!tpu.dma_semaphore, #tpu.memory_space<semaphore_mem>>) {add = true}
        %dma_wait3A_743 = arith.constant 1 : i32
        %dma_wait3A_744 = arith.constant 0 : i32
        %dma_wait3A_745 = arith.constant 0 : i32
        %dma_wait3A_746 = tpu.memref_slice %arg10[%dma_wait3A_743, %dma_wait3A_744, %dma_wait3A_745] : memref<2x128x128xf32, #tpu.memory_space<vmem>> -> memref<1x128x128xf32, #tpu.memory_space<vmem>>
        %dma_wait3A_747 = tpu.memref_squeeze %dma_wait3A_746 : memref<1x128x128xf32, #tpu.memory_space<vmem>> -> memref<128x128xf32, #tpu.memory_space<vmem>>
        %dma_wait3A_748 = arith.constant 0 : i32
        %dma_wait3A_749 = tpu.memref_slice %arg8[%add3A_709, %dma_wait3A_748] : memref<40x128xi32, #tpu.memory_space<vmem>> -> memref<1x128xi32, #tpu.memory_space<vmem>>
        %dma_wait3A_750 = tpu.memref_squeeze %dma_wait3A_749 : memref<1x128xi32, #tpu.memory_space<vmem>> -> memref<128xi32, #tpu.memory_space<vmem>>
        %dma_wait3A_751 = arith.constant 0 : i32
        %dma_wait3A_752 = arith.constant 0 : i32
        %dma_wait3A_753 = tpu.memref_slice %arg2[%dma_wait3A_751, %dma_wait3A_752] : memref<10240x128xf32, #tpu.memory_space<hbm>> -> memref<10240x128xf32, #tpu.memory_space<hbm>>
        tpu.wait_indirect_dma semaphore(%arg13 : memref<!tpu.dma_semaphore, #tpu.memory_space<semaphore_mem>>) src(%dma_wait3A_753 : memref<10240x128xf32, #tpu.memory_space<hbm>>) dst(%dma_wait3A_747 : memref<128x128xf32, #tpu.memory_space<vmem>>)
        %add3A_754 = arith.constant 1 : i32
        %add3A_755 = arith.addi %add3A_696, %add3A_754 : i32
        %dma_start3A_756 = arith.constant 1 : i32
        %dma_start3A_757 = arith.constant 0 : i32
        %dma_start3A_758 = arith.constant 0 : i32
        %dma_start3A_759 = tpu.memref_slice %arg10[%dma_start3A_756, %dma_start3A_757, %dma_start3A_758] : memref<2x128x128xf32, #tpu.memory_space<vmem>> -> memref<1x128x128xf32, #tpu.memory_space<vmem>>
        %dma_start3A_760 = tpu.memref_squeeze %dma_start3A_759 : memref<1x128x128xf32, #tpu.memory_space<vmem>> -> memref<128x128xf32, #tpu.memory_space<vmem>>
        %dma_start3A_761 = arith.constant 0 : i32
        %dma_start3A_762 = tpu.memref_slice %arg9[%add3A_755, %dma_start3A_761] : memref<40x128xi32, #tpu.memory_space<vmem>> -> memref<1x128xi32, #tpu.memory_space<vmem>>
        %dma_start3A_763 = tpu.memref_squeeze %dma_start3A_762 : memref<1x128xi32, #tpu.memory_space<vmem>> -> memref<128xi32, #tpu.memory_space<vmem>>
        %dma_start3A_764 = arith.constant 0 : i32
        %dma_start3A_765 = arith.constant 0 : i32
        %dma_start3A_766 = tpu.memref_slice %arg11[%dma_start3A_764, %dma_start3A_765] : memref<10240x128xf32, #tpu.memory_space<vmem_shared>> -> memref<10240x128xf32, #tpu.memory_space<vmem_shared>>
        tpu.enqueue_indirect_dma source(%dma_start3A_760 : memref<128x128xf32, #tpu.memory_space<vmem>>) target(%dma_start3A_766 : memref<10240x128xf32, #tpu.memory_space<vmem_shared>>) offsets(%dma_start3A_763 : memref<128xi32, #tpu.memory_space<vmem>>) semaphore(%arg15 : memref<!tpu.dma_semaphore, #tpu.memory_space<semaphore_mem>>) {add = true}
        "tpu.region"() ({
          %run_scoped3A_791 = tpu.sem_alloc : memref<!tpu.dma_semaphore, #tpu.memory_space<semaphore_mem>>
          %dma_start3A_792 = arith.constant 0 : i32
          %dma_start3A_793 = tpu.memref_slice %arg9[%add3A_696, %dma_start3A_792] : memref<40x128xi32, #tpu.memory_space<vmem>> -> memref<1x128xi32, #tpu.memory_space<vmem>>
          %dma_start3A_794 = tpu.memref_squeeze %dma_start3A_793 : memref<1x128xi32, #tpu.memory_space<vmem>> -> memref<128xi32, #tpu.memory_space<vmem>>
          %dma_start3A_795 = arith.constant 0 : i32
          %dma_start3A_796 = tpu.memref_slice %arg18[%dma_start3A_795] : memref<10240xf32, #tpu.memory_space<vmem_shared>> -> memref<10240xf32, #tpu.memory_space<vmem_shared>>
          tpu.enqueue_indirect_dma source(%arg16 : memref<128xf32, #tpu.memory_space<vmem>>) target(%dma_start3A_796 : memref<10240xf32, #tpu.memory_space<vmem_shared>>) offsets(%dma_start3A_794 : memref<128xi32, #tpu.memory_space<vmem>>) semaphore(%run_scoped3A_791 : memref<!tpu.dma_semaphore, #tpu.memory_space<semaphore_mem>>) {add = true}
          %dma_wait3A_797 = arith.constant 0 : i32
          %dma_wait3A_798 = tpu.memref_slice %arg9[%add3A_696, %dma_wait3A_797] : memref<40x128xi32, #tpu.memory_space<vmem>> -> memref<1x128xi32, #tpu.memory_space<vmem>>
          %dma_wait3A_799 = tpu.memref_squeeze %dma_wait3A_798 : memref<1x128xi32, #tpu.memory_space<vmem>> -> memref<128xi32, #tpu.memory_space<vmem>>
          %dma_wait3A_800 = arith.constant 0 : i32
          %dma_wait3A_801 = tpu.memref_slice %arg18[%dma_wait3A_800] : memref<10240xf32, #tpu.memory_space<vmem_shared>> -> memref<10240xf32, #tpu.memory_space<vmem_shared>>
          tpu.wait_indirect_dma semaphore(%run_scoped3A_791 : memref<!tpu.dma_semaphore, #tpu.memory_space<semaphore_mem>>) src(%arg16 : memref<128xf32, #tpu.memory_space<vmem>>) dst(%dma_wait3A_801 : memref<10240xf32, #tpu.memory_space<vmem_shared>>)
          tpu.yield
        }) : () -> ()
        %add3A_767 = arith.constant 1 : i32
        %add3A_768 = arith.addi %add3A_696, %add3A_767 : i32
        "tpu.region"() ({
          %run_scoped3A_791 = tpu.sem_alloc : memref<!tpu.dma_semaphore, #tpu.memory_space<semaphore_mem>>
          %dma_start3A_792 = arith.constant 0 : i32
          %dma_start3A_793 = tpu.memref_slice %arg9[%add3A_768, %dma_start3A_792] : memref<40x128xi32, #tpu.memory_space<vmem>> -> memref<1x128xi32, #tpu.memory_space<vmem>>
          %dma_start3A_794 = tpu.memref_squeeze %dma_start3A_793 : memref<1x128xi32, #tpu.memory_space<vmem>> -> memref<128xi32, #tpu.memory_space<vmem>>
          %dma_start3A_795 = arith.constant 0 : i32
          %dma_start3A_796 = tpu.memref_slice %arg18[%dma_start3A_795] : memref<10240xf32, #tpu.memory_space<vmem_shared>> -> memref<10240xf32, #tpu.memory_space<vmem_shared>>
          tpu.enqueue_indirect_dma source(%arg16 : memref<128xf32, #tpu.memory_space<vmem>>) target(%dma_start3A_796 : memref<10240xf32, #tpu.memory_space<vmem_shared>>) offsets(%dma_start3A_794 : memref<128xi32, #tpu.memory_space<vmem>>) semaphore(%run_scoped3A_791 : memref<!tpu.dma_semaphore, #tpu.memory_space<semaphore_mem>>) {add = true}
          %dma_wait3A_797 = arith.constant 0 : i32
          %dma_wait3A_798 = tpu.memref_slice %arg9[%add3A_768, %dma_wait3A_797] : memref<40x128xi32, #tpu.memory_space<vmem>> -> memref<1x128xi32, #tpu.memory_space<vmem>>
          %dma_wait3A_799 = tpu.memref_squeeze %dma_wait3A_798 : memref<1x128xi32, #tpu.memory_space<vmem>> -> memref<128xi32, #tpu.memory_space<vmem>>
          %dma_wait3A_800 = arith.constant 0 : i32
          %dma_wait3A_801 = tpu.memref_slice %arg18[%dma_wait3A_800] : memref<10240xf32, #tpu.memory_space<vmem_shared>> -> memref<10240xf32, #tpu.memory_space<vmem_shared>>
          tpu.wait_indirect_dma semaphore(%run_scoped3A_791 : memref<!tpu.dma_semaphore, #tpu.memory_space<semaphore_mem>>) src(%arg16 : memref<128xf32, #tpu.memory_space<vmem>>) dst(%dma_wait3A_801 : memref<10240xf32, #tpu.memory_space<vmem_shared>>)
          tpu.yield
        }) : () -> ()
        %dma_wait3A_769 = arith.constant 0 : i32
        %dma_wait3A_770 = arith.constant 0 : i32
        %dma_wait3A_771 = arith.constant 0 : i32
        %dma_wait3A_772 = tpu.memref_slice %arg10[%dma_wait3A_769, %dma_wait3A_770, %dma_wait3A_771] : memref<2x128x128xf32, #tpu.memory_space<vmem>> -> memref<1x128x128xf32, #tpu.memory_space<vmem>>
        %dma_wait3A_773 = tpu.memref_squeeze %dma_wait3A_772 : memref<1x128x128xf32, #tpu.memory_space<vmem>> -> memref<128x128xf32, #tpu.memory_space<vmem>>
        %dma_wait3A_774 = arith.constant 0 : i32
        %dma_wait3A_775 = tpu.memref_slice %arg9[%add3A_696, %dma_wait3A_774] : memref<40x128xi32, #tpu.memory_space<vmem>> -> memref<1x128xi32, #tpu.memory_space<vmem>>
        %dma_wait3A_776 = tpu.memref_squeeze %dma_wait3A_775 : memref<1x128xi32, #tpu.memory_space<vmem>> -> memref<128xi32, #tpu.memory_space<vmem>>
        %dma_wait3A_777 = arith.constant 0 : i32
        %dma_wait3A_778 = arith.constant 0 : i32
        %dma_wait3A_779 = tpu.memref_slice %arg11[%dma_wait3A_777, %dma_wait3A_778] : memref<10240x128xf32, #tpu.memory_space<vmem_shared>> -> memref<10240x128xf32, #tpu.memory_space<vmem_shared>>
        tpu.wait_indirect_dma semaphore(%arg14 : memref<!tpu.dma_semaphore, #tpu.memory_space<semaphore_mem>>) src(%dma_wait3A_773 : memref<128x128xf32, #tpu.memory_space<vmem>>) dst(%dma_wait3A_779 : memref<10240x128xf32, #tpu.memory_space<vmem_shared>>)
        %dma_wait3A_780 = arith.constant 1 : i32
        %dma_wait3A_781 = arith.constant 0 : i32
        %dma_wait3A_782 = arith.constant 0 : i32
        %dma_wait3A_783 = tpu.memref_slice %arg10[%dma_wait3A_780, %dma_wait3A_781, %dma_wait3A_782] : memref<2x128x128xf32, #tpu.memory_space<vmem>> -> memref<1x128x128xf32, #tpu.memory_space<vmem>>
        %dma_wait3A_784 = tpu.memref_squeeze %dma_wait3A_783 : memref<1x128x128xf32, #tpu.memory_space<vmem>> -> memref<128x128xf32, #tpu.memory_space<vmem>>
        %dma_wait3A_785 = arith.constant 0 : i32
        %dma_wait3A_786 = tpu.memref_slice %arg9[%add3A_755, %dma_wait3A_785] : memref<40x128xi32, #tpu.memory_space<vmem>> -> memref<1x128xi32, #tpu.memory_space<vmem>>
        %dma_wait3A_787 = tpu.memref_squeeze %dma_wait3A_786 : memref<1x128xi32, #tpu.memory_space<vmem>> -> memref<128xi32, #tpu.memory_space<vmem>>
        %dma_wait3A_788 = arith.constant 0 : i32
        %dma_wait3A_789 = arith.constant 0 : i32
        %dma_wait3A_790 = tpu.memref_slice %arg11[%dma_wait3A_788, %dma_wait3A_789] : memref<10240x128xf32, #tpu.memory_space<vmem_shared>> -> memref<10240x128xf32, #tpu.memory_space<vmem_shared>>
        tpu.wait_indirect_dma semaphore(%arg15 : memref<!tpu.dma_semaphore, #tpu.memory_space<semaphore_mem>>) src(%dma_wait3A_784 : memref<128x128xf32, #tpu.memory_space<vmem>>) dst(%dma_wait3A_790 : memref<10240x128xf32, #tpu.memory_space<vmem_shared>>)
      }
      %scan3A_691 = arith.constant 20 : i32
    }
    %scan3A_348 = arith.constant 2 : i32
    %barrier3A_349 = arith.constant 0 : index
    tpu.barrier barrier_id(%barrier3A_349)
    %mul3A_350 = arith.constant 640 : i32
    %mul3A_351 = arith.muli %arg1, %mul3A_350 : i32
    %add3A_352 = arith.constant 0 : i32
    %add3A_353 = arith.addi %mul3A_351, %add3A_352 : i32
    %dma_start3A_354 = arith.constant 0 : i32
    %dma_start3A_355 = arith.constant 0 : i32
    %dma_start3A_356 = arith.constant 0 : i32
    %dma_start3A_357 = tpu.memref_slice %arg10[%dma_start3A_354, %dma_start3A_355, %dma_start3A_356] : memref<2x128x128xf32, #tpu.memory_space<vmem>> -> memref<1x128x128xf32, #tpu.memory_space<vmem>>
    %dma_start3A_358 = tpu.memref_squeeze %dma_start3A_357 : memref<1x128x128xf32, #tpu.memory_space<vmem>> -> memref<128x128xf32, #tpu.memory_space<vmem>>
    %dma_start3A_359 = arith.constant 0 : i32
    %dma_start3A_360 = tpu.memref_slice %arg11[%add3A_353, %dma_start3A_359] : memref<10240x128xf32, #tpu.memory_space<vmem_shared>> -> memref<128x128xf32, #tpu.memory_space<vmem_shared>>
    %dma_start3A_361 = arith.constant 0 : i32
    %dma_start3A_362 = arith.constant 0 : i32
    %dma_start3A_363 = tpu.memref_slice %arg10[%dma_start3A_354, %dma_start3A_361, %dma_start3A_362] : memref<2x128x128xf32, #tpu.memory_space<vmem>> -> memref<1x128x128xf32, #tpu.memory_space<vmem>>
    %dma_start3A_364 = tpu.memref_squeeze %dma_start3A_363 : memref<1x128x128xf32, #tpu.memory_space<vmem>> -> memref<128x128xf32, #tpu.memory_space<vmem>>
    %dma_start3A_365 = arith.constant 0 : i32
    %dma_start3A_366 = tpu.memref_slice %arg11[%add3A_353, %dma_start3A_365] : memref<10240x128xf32, #tpu.memory_space<vmem_shared>> -> memref<128x128xf32, #tpu.memory_space<vmem_shared>>
    tpu.enqueue_dma source(%dma_start3A_366 : memref<128x128xf32, #tpu.memory_space<vmem_shared>>) target(%dma_start3A_364 : memref<128x128xf32, #tpu.memory_space<vmem>>) target_semaphore(%arg12 : memref<!tpu.dma_semaphore, #tpu.memory_space<semaphore_mem>>)
    %dma_wait3A_367 = arith.constant 0 : i32
    %dma_wait3A_368 = arith.constant 0 : i32
    %dma_wait3A_369 = arith.constant 0 : i32
    %dma_wait3A_370 = tpu.memref_slice %arg10[%dma_wait3A_367, %dma_wait3A_368, %dma_wait3A_369] : memref<2x128x128xf32, #tpu.memory_space<vmem>> -> memref<1x128x128xf32, #tpu.memory_space<vmem>>
    %dma_wait3A_371 = tpu.memref_squeeze %dma_wait3A_370 : memref<1x128x128xf32, #tpu.memory_space<vmem>> -> memref<128x128xf32, #tpu.memory_space<vmem>>
    %dma_wait3A_372 = arith.constant 0 : i32
    %dma_wait3A_373 = tpu.memref_slice %arg11[%add3A_353, %dma_wait3A_372] : memref<10240x128xf32, #tpu.memory_space<vmem_shared>> -> memref<128x128xf32, #tpu.memory_space<vmem_shared>>
    %dma_wait3A_374 = arith.constant 0 : i32
    %dma_wait3A_375 = arith.constant 0 : i32
    %dma_wait3A_376 = tpu.memref_slice %arg10[%dma_wait3A_367, %dma_wait3A_374, %dma_wait3A_375] : memref<2x128x128xf32, #tpu.memory_space<vmem>> -> memref<1x128x128xf32, #tpu.memory_space<vmem>>
    %dma_wait3A_377 = tpu.memref_squeeze %dma_wait3A_376 : memref<1x128x128xf32, #tpu.memory_space<vmem>> -> memref<128x128xf32, #tpu.memory_space<vmem>>
    %dma_wait3A_378 = arith.constant 0 : i32
    %dma_wait3A_379 = tpu.memref_slice %arg11[%add3A_353, %dma_wait3A_378] : memref<10240x128xf32, #tpu.memory_space<vmem_shared>> -> memref<128x128xf32, #tpu.memory_space<vmem_shared>>
    tpu.wait_dma2 semaphore(%arg12 : memref<!tpu.dma_semaphore, #tpu.memory_space<semaphore_mem>>) src(%dma_wait3A_379 : memref<128x128xf32, #tpu.memory_space<vmem_shared>>) dst(%dma_wait3A_377 : memref<128x128xf32, #tpu.memory_space<vmem>>)
    %mul3A_380 = arith.constant 10240 : i32
    %mul3A_381 = arith.muli %arg0, %mul3A_380 : i32
    %mul3A_382 = arith.constant 640 : i32
    %mul3A_383 = arith.muli %arg1, %mul3A_382 : i32
    %add3A_384 = arith.addi %mul3A_381, %mul3A_383 : i32
    %add3A_385 = arith.constant 0 : i32
    %add3A_386 = arith.addi %add3A_384, %add3A_385 : i32
    %dma_start3A_387 = arith.constant 0 : i32
    %dma_start3A_388 = arith.constant 0 : i32
    %dma_start3A_389 = arith.constant 0 : i32
    %dma_start3A_390 = tpu.memref_slice %arg10[%dma_start3A_387, %dma_start3A_388, %dma_start3A_389] : memref<2x128x128xf32, #tpu.memory_space<vmem>> -> memref<1x128x128xf32, #tpu.memory_space<vmem>>
    %dma_start3A_391 = tpu.memref_squeeze %dma_start3A_390 : memref<1x128x128xf32, #tpu.memory_space<vmem>> -> memref<128x128xf32, #tpu.memory_space<vmem>>
    %dma_start3A_392 = arith.constant 0 : i32
    %dma_start3A_393 = tpu.memref_slice %arg6[%add3A_386, %dma_start3A_392] : memref<20480x128xf32, #tpu.memory_space<hbm>> -> memref<128x128xf32, #tpu.memory_space<hbm>>
    %dma_start3A_394 = arith.constant 0 : i32
    %dma_start3A_395 = tpu.memref_slice %arg6[%add3A_386, %dma_start3A_394] : memref<20480x128xf32, #tpu.memory_space<hbm>> -> memref<128x128xf32, #tpu.memory_space<hbm>>
    %dma_start3A_396 = arith.constant 0 : i32
    %dma_start3A_397 = arith.constant 0 : i32
    %dma_start3A_398 = tpu.memref_slice %arg10[%dma_start3A_387, %dma_start3A_396, %dma_start3A_397] : memref<2x128x128xf32, #tpu.memory_space<vmem>> -> memref<1x128x128xf32, #tpu.memory_space<vmem>>
    %dma_start3A_399 = tpu.memref_squeeze %dma_start3A_398 : memref<1x128x128xf32, #tpu.memory_space<vmem>> -> memref<128x128xf32, #tpu.memory_space<vmem>>
    tpu.enqueue_dma source(%dma_start3A_399 : memref<128x128xf32, #tpu.memory_space<vmem>>) target(%dma_start3A_395 : memref<128x128xf32, #tpu.memory_space<hbm>>) target_semaphore(%arg14 : memref<!tpu.dma_semaphore, #tpu.memory_space<semaphore_mem>>)
    %mul3A_400 = arith.constant 640 : i32
    %mul3A_401 = arith.muli %arg1, %mul3A_400 : i32
    %add3A_402 = arith.constant 128 : i32
    %add3A_403 = arith.addi %mul3A_401, %add3A_402 : i32
    %dma_start3A_404 = arith.constant 1 : i32
    %dma_start3A_405 = arith.constant 0 : i32
    %dma_start3A_406 = arith.constant 0 : i32
    %dma_start3A_407 = tpu.memref_slice %arg10[%dma_start3A_404, %dma_start3A_405, %dma_start3A_406] : memref<2x128x128xf32, #tpu.memory_space<vmem>> -> memref<1x128x128xf32, #tpu.memory_space<vmem>>
    %dma_start3A_408 = tpu.memref_squeeze %dma_start3A_407 : memref<1x128x128xf32, #tpu.memory_space<vmem>> -> memref<128x128xf32, #tpu.memory_space<vmem>>
    %dma_start3A_409 = arith.constant 0 : i32
    %dma_start3A_410 = tpu.memref_slice %arg11[%add3A_403, %dma_start3A_409] : memref<10240x128xf32, #tpu.memory_space<vmem_shared>> -> memref<128x128xf32, #tpu.memory_space<vmem_shared>>
    %dma_start3A_411 = arith.constant 0 : i32
    %dma_start3A_412 = arith.constant 0 : i32
    %dma_start3A_413 = tpu.memref_slice %arg10[%dma_start3A_404, %dma_start3A_411, %dma_start3A_412] : memref<2x128x128xf32, #tpu.memory_space<vmem>> -> memref<1x128x128xf32, #tpu.memory_space<vmem>>
    %dma_start3A_414 = tpu.memref_squeeze %dma_start3A_413 : memref<1x128x128xf32, #tpu.memory_space<vmem>> -> memref<128x128xf32, #tpu.memory_space<vmem>>
    %dma_start3A_415 = arith.constant 0 : i32
    %dma_start3A_416 = tpu.memref_slice %arg11[%add3A_403, %dma_start3A_415] : memref<10240x128xf32, #tpu.memory_space<vmem_shared>> -> memref<128x128xf32, #tpu.memory_space<vmem_shared>>
    tpu.enqueue_dma source(%dma_start3A_416 : memref<128x128xf32, #tpu.memory_space<vmem_shared>>) target(%dma_start3A_414 : memref<128x128xf32, #tpu.memory_space<vmem>>) target_semaphore(%arg13 : memref<!tpu.dma_semaphore, #tpu.memory_space<semaphore_mem>>)
    %dma_wait3A_417 = arith.constant 1 : i32
    %dma_wait3A_418 = arith.constant 0 : i32
    %dma_wait3A_419 = arith.constant 0 : i32
    %dma_wait3A_420 = tpu.memref_slice %arg10[%dma_wait3A_417, %dma_wait3A_418, %dma_wait3A_419] : memref<2x128x128xf32, #tpu.memory_space<vmem>> -> memref<1x128x128xf32, #tpu.memory_space<vmem>>
    %dma_wait3A_421 = tpu.memref_squeeze %dma_wait3A_420 : memref<1x128x128xf32, #tpu.memory_space<vmem>> -> memref<128x128xf32, #tpu.memory_space<vmem>>
    %dma_wait3A_422 = arith.constant 0 : i32
    %dma_wait3A_423 = tpu.memref_slice %arg11[%add3A_403, %dma_wait3A_422] : memref<10240x128xf32, #tpu.memory_space<vmem_shared>> -> memref<128x128xf32, #tpu.memory_space<vmem_shared>>
    %dma_wait3A_424 = arith.constant 0 : i32
    %dma_wait3A_425 = arith.constant 0 : i32
    %dma_wait3A_426 = tpu.memref_slice %arg10[%dma_wait3A_417, %dma_wait3A_424, %dma_wait3A_425] : memref<2x128x128xf32, #tpu.memory_space<vmem>> -> memref<1x128x128xf32, #tpu.memory_space<vmem>>
    %dma_wait3A_427 = tpu.memref_squeeze %dma_wait3A_426 : memref<1x128x128xf32, #tpu.memory_space<vmem>> -> memref<128x128xf32, #tpu.memory_space<vmem>>
    %dma_wait3A_428 = arith.constant 0 : i32
    %dma_wait3A_429 = tpu.memref_slice %arg11[%add3A_403, %dma_wait3A_428] : memref<10240x128xf32, #tpu.memory_space<vmem_shared>> -> memref<128x128xf32, #tpu.memory_space<vmem_shared>>
    tpu.wait_dma2 semaphore(%arg13 : memref<!tpu.dma_semaphore, #tpu.memory_space<semaphore_mem>>) src(%dma_wait3A_429 : memref<128x128xf32, #tpu.memory_space<vmem_shared>>) dst(%dma_wait3A_427 : memref<128x128xf32, #tpu.memory_space<vmem>>)
    %mul3A_430 = arith.constant 10240 : i32
    %mul3A_431 = arith.muli %arg0, %mul3A_430 : i32
    %mul3A_432 = arith.constant 640 : i32
    %mul3A_433 = arith.muli %arg1, %mul3A_432 : i32
    %add3A_434 = arith.addi %mul3A_431, %mul3A_433 : i32
    %add3A_435 = arith.constant 128 : i32
    %add3A_436 = arith.addi %add3A_434, %add3A_435 : i32
    %dma_start3A_437 = arith.constant 1 : i32
    %dma_start3A_438 = arith.constant 0 : i32
    %dma_start3A_439 = arith.constant 0 : i32
    %dma_start3A_440 = tpu.memref_slice %arg10[%dma_start3A_437, %dma_start3A_438, %dma_start3A_439] : memref<2x128x128xf32, #tpu.memory_space<vmem>> -> memref<1x128x128xf32, #tpu.memory_space<vmem>>
    %dma_start3A_441 = tpu.memref_squeeze %dma_start3A_440 : memref<1x128x128xf32, #tpu.memory_space<vmem>> -> memref<128x128xf32, #tpu.memory_space<vmem>>
    %dma_start3A_442 = arith.constant 0 : i32
    %dma_start3A_443 = tpu.memref_slice %arg6[%add3A_436, %dma_start3A_442] : memref<20480x128xf32, #tpu.memory_space<hbm>> -> memref<128x128xf32, #tpu.memory_space<hbm>>
    %dma_start3A_444 = arith.constant 0 : i32
    %dma_start3A_445 = tpu.memref_slice %arg6[%add3A_436, %dma_start3A_444] : memref<20480x128xf32, #tpu.memory_space<hbm>> -> memref<128x128xf32, #tpu.memory_space<hbm>>
    %dma_start3A_446 = arith.constant 0 : i32
    %dma_start3A_447 = arith.constant 0 : i32
    %dma_start3A_448 = tpu.memref_slice %arg10[%dma_start3A_437, %dma_start3A_446, %dma_start3A_447] : memref<2x128x128xf32, #tpu.memory_space<vmem>> -> memref<1x128x128xf32, #tpu.memory_space<vmem>>
    %dma_start3A_449 = tpu.memref_squeeze %dma_start3A_448 : memref<1x128x128xf32, #tpu.memory_space<vmem>> -> memref<128x128xf32, #tpu.memory_space<vmem>>
    tpu.enqueue_dma source(%dma_start3A_449 : memref<128x128xf32, #tpu.memory_space<vmem>>) target(%dma_start3A_445 : memref<128x128xf32, #tpu.memory_space<hbm>>) target_semaphore(%arg15 : memref<!tpu.dma_semaphore, #tpu.memory_space<semaphore_mem>>)
    %dma_wait3A_450 = arith.constant 0 : i32
    %dma_wait3A_451 = arith.constant 0 : i32
    %dma_wait3A_452 = arith.constant 0 : i32
    %dma_wait3A_453 = tpu.memref_slice %arg10[%dma_wait3A_450, %dma_wait3A_451, %dma_wait3A_452] : memref<2x128x128xf32, #tpu.memory_space<vmem>> -> memref<1x128x128xf32, #tpu.memory_space<vmem>>
    %dma_wait3A_454 = tpu.memref_squeeze %dma_wait3A_453 : memref<1x128x128xf32, #tpu.memory_space<vmem>> -> memref<128x128xf32, #tpu.memory_space<vmem>>
    %dma_wait3A_455 = arith.constant 0 : i32
    %dma_wait3A_456 = tpu.memref_slice %arg6[%add3A_386, %dma_wait3A_455] : memref<20480x128xf32, #tpu.memory_space<hbm>> -> memref<128x128xf32, #tpu.memory_space<hbm>>
    %dma_wait3A_457 = arith.constant 0 : i32
    %dma_wait3A_458 = tpu.memref_slice %arg6[%add3A_386, %dma_wait3A_457] : memref<20480x128xf32, #tpu.memory_space<hbm>> -> memref<128x128xf32, #tpu.memory_space<hbm>>
    %dma_wait3A_459 = arith.constant 0 : i32
    %dma_wait3A_460 = arith.constant 0 : i32
    %dma_wait3A_461 = tpu.memref_slice %arg10[%dma_wait3A_450, %dma_wait3A_459, %dma_wait3A_460] : memref<2x128x128xf32, #tpu.memory_space<vmem>> -> memref<1x128x128xf32, #tpu.memory_space<vmem>>
    %dma_wait3A_462 = tpu.memref_squeeze %dma_wait3A_461 : memref<1x128x128xf32, #tpu.memory_space<vmem>> -> memref<128x128xf32, #tpu.memory_space<vmem>>
    tpu.wait_dma2 semaphore(%arg14 : memref<!tpu.dma_semaphore, #tpu.memory_space<semaphore_mem>>) src(%dma_wait3A_462 : memref<128x128xf32, #tpu.memory_space<vmem>>) dst(%dma_wait3A_458 : memref<128x128xf32, #tpu.memory_space<hbm>>)
    %mul3A_463 = arith.constant 640 : i32
    %mul3A_464 = arith.muli %arg1, %mul3A_463 : i32
    %add3A_465 = arith.constant 256 : i32
    %add3A_466 = arith.addi %mul3A_464, %add3A_465 : i32
    %dma_start3A_467 = arith.constant 0 : i32
    %dma_start3A_468 = arith.constant 0 : i32
    %dma_start3A_469 = arith.constant 0 : i32
    %dma_start3A_470 = tpu.memref_slice %arg10[%dma_start3A_467, %dma_start3A_468, %dma_start3A_469] : memref<2x128x128xf32, #tpu.memory_space<vmem>> -> memref<1x128x128xf32, #tpu.memory_space<vmem>>
    %dma_start3A_471 = tpu.memref_squeeze %dma_start3A_470 : memref<1x128x128xf32, #tpu.memory_space<vmem>> -> memref<128x128xf32, #tpu.memory_space<vmem>>
    %dma_start3A_472 = arith.constant 0 : i32
    %dma_start3A_473 = tpu.memref_slice %arg11[%add3A_466, %dma_start3A_472] : memref<10240x128xf32, #tpu.memory_space<vmem_shared>> -> memref<128x128xf32, #tpu.memory_space<vmem_shared>>
    %dma_start3A_474 = arith.constant 0 : i32
    %dma_start3A_475 = arith.constant 0 : i32
    %dma_start3A_476 = tpu.memref_slice %arg10[%dma_start3A_467, %dma_start3A_474, %dma_start3A_475] : memref<2x128x128xf32, #tpu.memory_space<vmem>> -> memref<1x128x128xf32, #tpu.memory_space<vmem>>
    %dma_start3A_477 = tpu.memref_squeeze %dma_start3A_476 : memref<1x128x128xf32, #tpu.memory_space<vmem>> -> memref<128x128xf32, #tpu.memory_space<vmem>>
    %dma_start3A_478 = arith.constant 0 : i32
    %dma_start3A_479 = tpu.memref_slice %arg11[%add3A_466, %dma_start3A_478] : memref<10240x128xf32, #tpu.memory_space<vmem_shared>> -> memref<128x128xf32, #tpu.memory_space<vmem_shared>>
    tpu.enqueue_dma source(%dma_start3A_479 : memref<128x128xf32, #tpu.memory_space<vmem_shared>>) target(%dma_start3A_477 : memref<128x128xf32, #tpu.memory_space<vmem>>) target_semaphore(%arg12 : memref<!tpu.dma_semaphore, #tpu.memory_space<semaphore_mem>>)
    %dma_wait3A_480 = arith.constant 0 : i32
    %dma_wait3A_481 = arith.constant 0 : i32
    %dma_wait3A_482 = arith.constant 0 : i32
    %dma_wait3A_483 = tpu.memref_slice %arg10[%dma_wait3A_480, %dma_wait3A_481, %dma_wait3A_482] : memref<2x128x128xf32, #tpu.memory_space<vmem>> -> memref<1x128x128xf32, #tpu.memory_space<vmem>>
    %dma_wait3A_484 = tpu.memref_squeeze %dma_wait3A_483 : memref<1x128x128xf32, #tpu.memory_space<vmem>> -> memref<128x128xf32, #tpu.memory_space<vmem>>
    %dma_wait3A_485 = arith.constant 0 : i32
    %dma_wait3A_486 = tpu.memref_slice %arg11[%add3A_466, %dma_wait3A_485] : memref<10240x128xf32, #tpu.memory_space<vmem_shared>> -> memref<128x128xf32, #tpu.memory_space<vmem_shared>>
    %dma_wait3A_487 = arith.constant 0 : i32
    %dma_wait3A_488 = arith.constant 0 : i32
    %dma_wait3A_489 = tpu.memref_slice %arg10[%dma_wait3A_480, %dma_wait3A_487, %dma_wait3A_488] : memref<2x128x128xf32, #tpu.memory_space<vmem>> -> memref<1x128x128xf32, #tpu.memory_space<vmem>>
    %dma_wait3A_490 = tpu.memref_squeeze %dma_wait3A_489 : memref<1x128x128xf32, #tpu.memory_space<vmem>> -> memref<128x128xf32, #tpu.memory_space<vmem>>
    %dma_wait3A_491 = arith.constant 0 : i32
    %dma_wait3A_492 = tpu.memref_slice %arg11[%add3A_466, %dma_wait3A_491] : memref<10240x128xf32, #tpu.memory_space<vmem_shared>> -> memref<128x128xf32, #tpu.memory_space<vmem_shared>>
    tpu.wait_dma2 semaphore(%arg12 : memref<!tpu.dma_semaphore, #tpu.memory_space<semaphore_mem>>) src(%dma_wait3A_492 : memref<128x128xf32, #tpu.memory_space<vmem_shared>>) dst(%dma_wait3A_490 : memref<128x128xf32, #tpu.memory_space<vmem>>)
    %mul3A_493 = arith.constant 10240 : i32
    %mul3A_494 = arith.muli %arg0, %mul3A_493 : i32
    %mul3A_495 = arith.constant 640 : i32
    %mul3A_496 = arith.muli %arg1, %mul3A_495 : i32
    %add3A_497 = arith.addi %mul3A_494, %mul3A_496 : i32
    %add3A_498 = arith.constant 256 : i32
    %add3A_499 = arith.addi %add3A_497, %add3A_498 : i32
    %dma_start3A_500 = arith.constant 0 : i32
    %dma_start3A_501 = arith.constant 0 : i32
    %dma_start3A_502 = arith.constant 0 : i32
    %dma_start3A_503 = tpu.memref_slice %arg10[%dma_start3A_500, %dma_start3A_501, %dma_start3A_502] : memref<2x128x128xf32, #tpu.memory_space<vmem>> -> memref<1x128x128xf32, #tpu.memory_space<vmem>>
    %dma_start3A_504 = tpu.memref_squeeze %dma_start3A_503 : memref<1x128x128xf32, #tpu.memory_space<vmem>> -> memref<128x128xf32, #tpu.memory_space<vmem>>
    %dma_start3A_505 = arith.constant 0 : i32
    %dma_start3A_506 = tpu.memref_slice %arg6[%add3A_499, %dma_start3A_505] : memref<20480x128xf32, #tpu.memory_space<hbm>> -> memref<128x128xf32, #tpu.memory_space<hbm>>
    %dma_start3A_507 = arith.constant 0 : i32
    %dma_start3A_508 = tpu.memref_slice %arg6[%add3A_499, %dma_start3A_507] : memref<20480x128xf32, #tpu.memory_space<hbm>> -> memref<128x128xf32, #tpu.memory_space<hbm>>
    %dma_start3A_509 = arith.constant 0 : i32
    %dma_start3A_510 = arith.constant 0 : i32
    %dma_start3A_511 = tpu.memref_slice %arg10[%dma_start3A_500, %dma_start3A_509, %dma_start3A_510] : memref<2x128x128xf32, #tpu.memory_space<vmem>> -> memref<1x128x128xf32, #tpu.memory_space<vmem>>
    %dma_start3A_512 = tpu.memref_squeeze %dma_start3A_511 : memref<1x128x128xf32, #tpu.memory_space<vmem>> -> memref<128x128xf32, #tpu.memory_space<vmem>>
    tpu.enqueue_dma source(%dma_start3A_512 : memref<128x128xf32, #tpu.memory_space<vmem>>) target(%dma_start3A_508 : memref<128x128xf32, #tpu.memory_space<hbm>>) target_semaphore(%arg14 : memref<!tpu.dma_semaphore, #tpu.memory_space<semaphore_mem>>)
    %dma_wait3A_513 = arith.constant 1 : i32
    %dma_wait3A_514 = arith.constant 0 : i32
    %dma_wait3A_515 = arith.constant 0 : i32
    %dma_wait3A_516 = tpu.memref_slice %arg10[%dma_wait3A_513, %dma_wait3A_514, %dma_wait3A_515] : memref<2x128x128xf32, #tpu.memory_space<vmem>> -> memref<1x128x128xf32, #tpu.memory_space<vmem>>
    %dma_wait3A_517 = tpu.memref_squeeze %dma_wait3A_516 : memref<1x128x128xf32, #tpu.memory_space<vmem>> -> memref<128x128xf32, #tpu.memory_space<vmem>>
    %dma_wait3A_518 = arith.constant 0 : i32
    %dma_wait3A_519 = tpu.memref_slice %arg6[%add3A_436, %dma_wait3A_518] : memref<20480x128xf32, #tpu.memory_space<hbm>> -> memref<128x128xf32, #tpu.memory_space<hbm>>
    %dma_wait3A_520 = arith.constant 0 : i32
    %dma_wait3A_521 = tpu.memref_slice %arg6[%add3A_436, %dma_wait3A_520] : memref<20480x128xf32, #tpu.memory_space<hbm>> -> memref<128x128xf32, #tpu.memory_space<hbm>>
    %dma_wait3A_522 = arith.constant 0 : i32
    %dma_wait3A_523 = arith.constant 0 : i32
    %dma_wait3A_524 = tpu.memref_slice %arg10[%dma_wait3A_513, %dma_wait3A_522, %dma_wait3A_523] : memref<2x128x128xf32, #tpu.memory_space<vmem>> -> memref<1x128x128xf32, #tpu.memory_space<vmem>>
    %dma_wait3A_525 = tpu.memref_squeeze %dma_wait3A_524 : memref<1x128x128xf32, #tpu.memory_space<vmem>> -> memref<128x128xf32, #tpu.memory_space<vmem>>
    tpu.wait_dma2 semaphore(%arg15 : memref<!tpu.dma_semaphore, #tpu.memory_space<semaphore_mem>>) src(%dma_wait3A_525 : memref<128x128xf32, #tpu.memory_space<vmem>>) dst(%dma_wait3A_521 : memref<128x128xf32, #tpu.memory_space<hbm>>)
    %mul3A_526 = arith.constant 640 : i32
    %mul3A_527 = arith.muli %arg1, %mul3A_526 : i32
    %add3A_528 = arith.constant 384 : i32
    %add3A_529 = arith.addi %mul3A_527, %add3A_528 : i32
    %dma_start3A_530 = arith.constant 1 : i32
    %dma_start3A_531 = arith.constant 0 : i32
    %dma_start3A_532 = arith.constant 0 : i32
    %dma_start3A_533 = tpu.memref_slice %arg10[%dma_start3A_530, %dma_start3A_531, %dma_start3A_532] : memref<2x128x128xf32, #tpu.memory_space<vmem>> -> memref<1x128x128xf32, #tpu.memory_space<vmem>>
    %dma_start3A_534 = tpu.memref_squeeze %dma_start3A_533 : memref<1x128x128xf32, #tpu.memory_space<vmem>> -> memref<128x128xf32, #tpu.memory_space<vmem>>
    %dma_start3A_535 = arith.constant 0 : i32
    %dma_start3A_536 = tpu.memref_slice %arg11[%add3A_529, %dma_start3A_535] : memref<10240x128xf32, #tpu.memory_space<vmem_shared>> -> memref<128x128xf32, #tpu.memory_space<vmem_shared>>
    %dma_start3A_537 = arith.constant 0 : i32
    %dma_start3A_538 = arith.constant 0 : i32
    %dma_start3A_539 = tpu.memref_slice %arg10[%dma_start3A_530, %dma_start3A_537, %dma_start3A_538] : memref<2x128x128xf32, #tpu.memory_space<vmem>> -> memref<1x128x128xf32, #tpu.memory_space<vmem>>
    %dma_start3A_540 = tpu.memref_squeeze %dma_start3A_539 : memref<1x128x128xf32, #tpu.memory_space<vmem>> -> memref<128x128xf32, #tpu.memory_space<vmem>>
    %dma_start3A_541 = arith.constant 0 : i32
    %dma_start3A_542 = tpu.memref_slice %arg11[%add3A_529, %dma_start3A_541] : memref<10240x128xf32, #tpu.memory_space<vmem_shared>> -> memref<128x128xf32, #tpu.memory_space<vmem_shared>>
    tpu.enqueue_dma source(%dma_start3A_542 : memref<128x128xf32, #tpu.memory_space<vmem_shared>>) target(%dma_start3A_540 : memref<128x128xf32, #tpu.memory_space<vmem>>) target_semaphore(%arg13 : memref<!tpu.dma_semaphore, #tpu.memory_space<semaphore_mem>>)
    %dma_wait3A_543 = arith.constant 1 : i32
    %dma_wait3A_544 = arith.constant 0 : i32
    %dma_wait3A_545 = arith.constant 0 : i32
    %dma_wait3A_546 = tpu.memref_slice %arg10[%dma_wait3A_543, %dma_wait3A_544, %dma_wait3A_545] : memref<2x128x128xf32, #tpu.memory_space<vmem>> -> memref<1x128x128xf32, #tpu.memory_space<vmem>>
    %dma_wait3A_547 = tpu.memref_squeeze %dma_wait3A_546 : memref<1x128x128xf32, #tpu.memory_space<vmem>> -> memref<128x128xf32, #tpu.memory_space<vmem>>
    %dma_wait3A_548 = arith.constant 0 : i32
    %dma_wait3A_549 = tpu.memref_slice %arg11[%add3A_529, %dma_wait3A_548] : memref<10240x128xf32, #tpu.memory_space<vmem_shared>> -> memref<128x128xf32, #tpu.memory_space<vmem_shared>>
    %dma_wait3A_550 = arith.constant 0 : i32
    %dma_wait3A_551 = arith.constant 0 : i32
    %dma_wait3A_552 = tpu.memref_slice %arg10[%dma_wait3A_543, %dma_wait3A_550, %dma_wait3A_551] : memref<2x128x128xf32, #tpu.memory_space<vmem>> -> memref<1x128x128xf32, #tpu.memory_space<vmem>>
    %dma_wait3A_553 = tpu.memref_squeeze %dma_wait3A_552 : memref<1x128x128xf32, #tpu.memory_space<vmem>> -> memref<128x128xf32, #tpu.memory_space<vmem>>
    %dma_wait3A_554 = arith.constant 0 : i32
    %dma_wait3A_555 = tpu.memref_slice %arg11[%add3A_529, %dma_wait3A_554] : memref<10240x128xf32, #tpu.memory_space<vmem_shared>> -> memref<128x128xf32, #tpu.memory_space<vmem_shared>>
    tpu.wait_dma2 semaphore(%arg13 : memref<!tpu.dma_semaphore, #tpu.memory_space<semaphore_mem>>) src(%dma_wait3A_555 : memref<128x128xf32, #tpu.memory_space<vmem_shared>>) dst(%dma_wait3A_553 : memref<128x128xf32, #tpu.memory_space<vmem>>)
    %mul3A_556 = arith.constant 10240 : i32
    %mul3A_557 = arith.muli %arg0, %mul3A_556 : i32
    %mul3A_558 = arith.constant 640 : i32
    %mul3A_559 = arith.muli %arg1, %mul3A_558 : i32
    %add3A_560 = arith.addi %mul3A_557, %mul3A_559 : i32
    %add3A_561 = arith.constant 384 : i32
    %add3A_562 = arith.addi %add3A_560, %add3A_561 : i32
    %dma_start3A_563 = arith.constant 1 : i32
    %dma_start3A_564 = arith.constant 0 : i32
    %dma_start3A_565 = arith.constant 0 : i32
    %dma_start3A_566 = tpu.memref_slice %arg10[%dma_start3A_563, %dma_start3A_564, %dma_start3A_565] : memref<2x128x128xf32, #tpu.memory_space<vmem>> -> memref<1x128x128xf32, #tpu.memory_space<vmem>>
    %dma_start3A_567 = tpu.memref_squeeze %dma_start3A_566 : memref<1x128x128xf32, #tpu.memory_space<vmem>> -> memref<128x128xf32, #tpu.memory_space<vmem>>
    %dma_start3A_568 = arith.constant 0 : i32
    %dma_start3A_569 = tpu.memref_slice %arg6[%add3A_562, %dma_start3A_568] : memref<20480x128xf32, #tpu.memory_space<hbm>> -> memref<128x128xf32, #tpu.memory_space<hbm>>
    %dma_start3A_570 = arith.constant 0 : i32
    %dma_start3A_571 = tpu.memref_slice %arg6[%add3A_562, %dma_start3A_570] : memref<20480x128xf32, #tpu.memory_space<hbm>> -> memref<128x128xf32, #tpu.memory_space<hbm>>
    %dma_start3A_572 = arith.constant 0 : i32
    %dma_start3A_573 = arith.constant 0 : i32
    %dma_start3A_574 = tpu.memref_slice %arg10[%dma_start3A_563, %dma_start3A_572, %dma_start3A_573] : memref<2x128x128xf32, #tpu.memory_space<vmem>> -> memref<1x128x128xf32, #tpu.memory_space<vmem>>
    %dma_start3A_575 = tpu.memref_squeeze %dma_start3A_574 : memref<1x128x128xf32, #tpu.memory_space<vmem>> -> memref<128x128xf32, #tpu.memory_space<vmem>>
    tpu.enqueue_dma source(%dma_start3A_575 : memref<128x128xf32, #tpu.memory_space<vmem>>) target(%dma_start3A_571 : memref<128x128xf32, #tpu.memory_space<hbm>>) target_semaphore(%arg15 : memref<!tpu.dma_semaphore, #tpu.memory_space<semaphore_mem>>)
    %dma_wait3A_576 = arith.constant 0 : i32
    %dma_wait3A_577 = arith.constant 0 : i32
    %dma_wait3A_578 = arith.constant 0 : i32
    %dma_wait3A_579 = tpu.memref_slice %arg10[%dma_wait3A_576, %dma_wait3A_577, %dma_wait3A_578] : memref<2x128x128xf32, #tpu.memory_space<vmem>> -> memref<1x128x128xf32, #tpu.memory_space<vmem>>
    %dma_wait3A_580 = tpu.memref_squeeze %dma_wait3A_579 : memref<1x128x128xf32, #tpu.memory_space<vmem>> -> memref<128x128xf32, #tpu.memory_space<vmem>>
    %dma_wait3A_581 = arith.constant 0 : i32
    %dma_wait3A_582 = tpu.memref_slice %arg6[%add3A_499, %dma_wait3A_581] : memref<20480x128xf32, #tpu.memory_space<hbm>> -> memref<128x128xf32, #tpu.memory_space<hbm>>
    %dma_wait3A_583 = arith.constant 0 : i32
    %dma_wait3A_584 = tpu.memref_slice %arg6[%add3A_499, %dma_wait3A_583] : memref<20480x128xf32, #tpu.memory_space<hbm>> -> memref<128x128xf32, #tpu.memory_space<hbm>>
    %dma_wait3A_585 = arith.constant 0 : i32
    %dma_wait3A_586 = arith.constant 0 : i32
    %dma_wait3A_587 = tpu.memref_slice %arg10[%dma_wait3A_576, %dma_wait3A_585, %dma_wait3A_586] : memref<2x128x128xf32, #tpu.memory_space<vmem>> -> memref<1x128x128xf32, #tpu.memory_space<vmem>>
    %dma_wait3A_588 = tpu.memref_squeeze %dma_wait3A_587 : memref<1x128x128xf32, #tpu.memory_space<vmem>> -> memref<128x128xf32, #tpu.memory_space<vmem>>
    tpu.wait_dma2 semaphore(%arg14 : memref<!tpu.dma_semaphore, #tpu.memory_space<semaphore_mem>>) src(%dma_wait3A_588 : memref<128x128xf32, #tpu.memory_space<vmem>>) dst(%dma_wait3A_584 : memref<128x128xf32, #tpu.memory_space<hbm>>)
    %mul3A_589 = arith.constant 640 : i32
    %mul3A_590 = arith.muli %arg1, %mul3A_589 : i32
    %add3A_591 = arith.constant 512 : i32
    %add3A_592 = arith.addi %mul3A_590, %add3A_591 : i32
    %dma_start3A_593 = arith.constant 0 : i32
    %dma_start3A_594 = arith.constant 0 : i32
    %dma_start3A_595 = arith.constant 0 : i32
    %dma_start3A_596 = tpu.memref_slice %arg10[%dma_start3A_593, %dma_start3A_594, %dma_start3A_595] : memref<2x128x128xf32, #tpu.memory_space<vmem>> -> memref<1x128x128xf32, #tpu.memory_space<vmem>>
    %dma_start3A_597 = tpu.memref_squeeze %dma_start3A_596 : memref<1x128x128xf32, #tpu.memory_space<vmem>> -> memref<128x128xf32, #tpu.memory_space<vmem>>
    %dma_start3A_598 = arith.constant 0 : i32
    %dma_start3A_599 = tpu.memref_slice %arg11[%add3A_592, %dma_start3A_598] : memref<10240x128xf32, #tpu.memory_space<vmem_shared>> -> memref<128x128xf32, #tpu.memory_space<vmem_shared>>
    %dma_start3A_600 = arith.constant 0 : i32
    %dma_start3A_601 = arith.constant 0 : i32
    %dma_start3A_602 = tpu.memref_slice %arg10[%dma_start3A_593, %dma_start3A_600, %dma_start3A_601] : memref<2x128x128xf32, #tpu.memory_space<vmem>> -> memref<1x128x128xf32, #tpu.memory_space<vmem>>
    %dma_start3A_603 = tpu.memref_squeeze %dma_start3A_602 : memref<1x128x128xf32, #tpu.memory_space<vmem>> -> memref<128x128xf32, #tpu.memory_space<vmem>>
    %dma_start3A_604 = arith.constant 0 : i32
    %dma_start3A_605 = tpu.memref_slice %arg11[%add3A_592, %dma_start3A_604] : memref<10240x128xf32, #tpu.memory_space<vmem_shared>> -> memref<128x128xf32, #tpu.memory_space<vmem_shared>>
    tpu.enqueue_dma source(%dma_start3A_605 : memref<128x128xf32, #tpu.memory_space<vmem_shared>>) target(%dma_start3A_603 : memref<128x128xf32, #tpu.memory_space<vmem>>) target_semaphore(%arg12 : memref<!tpu.dma_semaphore, #tpu.memory_space<semaphore_mem>>)
    %dma_wait3A_606 = arith.constant 0 : i32
    %dma_wait3A_607 = arith.constant 0 : i32
    %dma_wait3A_608 = arith.constant 0 : i32
    %dma_wait3A_609 = tpu.memref_slice %arg10[%dma_wait3A_606, %dma_wait3A_607, %dma_wait3A_608] : memref<2x128x128xf32, #tpu.memory_space<vmem>> -> memref<1x128x128xf32, #tpu.memory_space<vmem>>
    %dma_wait3A_610 = tpu.memref_squeeze %dma_wait3A_609 : memref<1x128x128xf32, #tpu.memory_space<vmem>> -> memref<128x128xf32, #tpu.memory_space<vmem>>
    %dma_wait3A_611 = arith.constant 0 : i32
    %dma_wait3A_612 = tpu.memref_slice %arg11[%add3A_592, %dma_wait3A_611] : memref<10240x128xf32, #tpu.memory_space<vmem_shared>> -> memref<128x128xf32, #tpu.memory_space<vmem_shared>>
    %dma_wait3A_613 = arith.constant 0 : i32
    %dma_wait3A_614 = arith.constant 0 : i32
    %dma_wait3A_615 = tpu.memref_slice %arg10[%dma_wait3A_606, %dma_wait3A_613, %dma_wait3A_614] : memref<2x128x128xf32, #tpu.memory_space<vmem>> -> memref<1x128x128xf32, #tpu.memory_space<vmem>>
    %dma_wait3A_616 = tpu.memref_squeeze %dma_wait3A_615 : memref<1x128x128xf32, #tpu.memory_space<vmem>> -> memref<128x128xf32, #tpu.memory_space<vmem>>
    %dma_wait3A_617 = arith.constant 0 : i32
    %dma_wait3A_618 = tpu.memref_slice %arg11[%add3A_592, %dma_wait3A_617] : memref<10240x128xf32, #tpu.memory_space<vmem_shared>> -> memref<128x128xf32, #tpu.memory_space<vmem_shared>>
    tpu.wait_dma2 semaphore(%arg12 : memref<!tpu.dma_semaphore, #tpu.memory_space<semaphore_mem>>) src(%dma_wait3A_618 : memref<128x128xf32, #tpu.memory_space<vmem_shared>>) dst(%dma_wait3A_616 : memref<128x128xf32, #tpu.memory_space<vmem>>)
    %mul3A_619 = arith.constant 10240 : i32
    %mul3A_620 = arith.muli %arg0, %mul3A_619 : i32
    %mul3A_621 = arith.constant 640 : i32
    %mul3A_622 = arith.muli %arg1, %mul3A_621 : i32
    %add3A_623 = arith.addi %mul3A_620, %mul3A_622 : i32
    %add3A_624 = arith.constant 512 : i32
    %add3A_625 = arith.addi %add3A_623, %add3A_624 : i32
    %dma_start3A_626 = arith.constant 0 : i32
    %dma_start3A_627 = arith.constant 0 : i32
    %dma_start3A_628 = arith.constant 0 : i32
    %dma_start3A_629 = tpu.memref_slice %arg10[%dma_start3A_626, %dma_start3A_627, %dma_start3A_628] : memref<2x128x128xf32, #tpu.memory_space<vmem>> -> memref<1x128x128xf32, #tpu.memory_space<vmem>>
    %dma_start3A_630 = tpu.memref_squeeze %dma_start3A_629 : memref<1x128x128xf32, #tpu.memory_space<vmem>> -> memref<128x128xf32, #tpu.memory_space<vmem>>
    %dma_start3A_631 = arith.constant 0 : i32
    %dma_start3A_632 = tpu.memref_slice %arg6[%add3A_625, %dma_start3A_631] : memref<20480x128xf32, #tpu.memory_space<hbm>> -> memref<128x128xf32, #tpu.memory_space<hbm>>
    %dma_start3A_633 = arith.constant 0 : i32
    %dma_start3A_634 = tpu.memref_slice %arg6[%add3A_625, %dma_start3A_633] : memref<20480x128xf32, #tpu.memory_space<hbm>> -> memref<128x128xf32, #tpu.memory_space<hbm>>
    %dma_start3A_635 = arith.constant 0 : i32
    %dma_start3A_636 = arith.constant 0 : i32
    %dma_start3A_637 = tpu.memref_slice %arg10[%dma_start3A_626, %dma_start3A_635, %dma_start3A_636] : memref<2x128x128xf32, #tpu.memory_space<vmem>> -> memref<1x128x128xf32, #tpu.memory_space<vmem>>
    %dma_start3A_638 = tpu.memref_squeeze %dma_start3A_637 : memref<1x128x128xf32, #tpu.memory_space<vmem>> -> memref<128x128xf32, #tpu.memory_space<vmem>>
    tpu.enqueue_dma source(%dma_start3A_638 : memref<128x128xf32, #tpu.memory_space<vmem>>) target(%dma_start3A_634 : memref<128x128xf32, #tpu.memory_space<hbm>>) target_semaphore(%arg14 : memref<!tpu.dma_semaphore, #tpu.memory_space<semaphore_mem>>)
    %dma_wait3A_639 = arith.constant 1 : i32
    %dma_wait3A_640 = arith.constant 0 : i32
    %dma_wait3A_641 = arith.constant 0 : i32
    %dma_wait3A_642 = tpu.memref_slice %arg10[%dma_wait3A_639, %dma_wait3A_640, %dma_wait3A_641] : memref<2x128x128xf32, #tpu.memory_space<vmem>> -> memref<1x128x128xf32, #tpu.memory_space<vmem>>
    %dma_wait3A_643 = tpu.memref_squeeze %dma_wait3A_642 : memref<1x128x128xf32, #tpu.memory_space<vmem>> -> memref<128x128xf32, #tpu.memory_space<vmem>>
    %dma_wait3A_644 = arith.constant 0 : i32
    %dma_wait3A_645 = tpu.memref_slice %arg6[%add3A_562, %dma_wait3A_644] : memref<20480x128xf32, #tpu.memory_space<hbm>> -> memref<128x128xf32, #tpu.memory_space<hbm>>
    %dma_wait3A_646 = arith.constant 0 : i32
    %dma_wait3A_647 = tpu.memref_slice %arg6[%add3A_562, %dma_wait3A_646] : memref<20480x128xf32, #tpu.memory_space<hbm>> -> memref<128x128xf32, #tpu.memory_space<hbm>>
    %dma_wait3A_648 = arith.constant 0 : i32
    %dma_wait3A_649 = arith.constant 0 : i32
    %dma_wait3A_650 = tpu.memref_slice %arg10[%dma_wait3A_639, %dma_wait3A_648, %dma_wait3A_649] : memref<2x128x128xf32, #tpu.memory_space<vmem>> -> memref<1x128x128xf32, #tpu.memory_space<vmem>>
    %dma_wait3A_651 = tpu.memref_squeeze %dma_wait3A_650 : memref<1x128x128xf32, #tpu.memory_space<vmem>> -> memref<128x128xf32, #tpu.memory_space<vmem>>
    tpu.wait_dma2 semaphore(%arg15 : memref<!tpu.dma_semaphore, #tpu.memory_space<semaphore_mem>>) src(%dma_wait3A_651 : memref<128x128xf32, #tpu.memory_space<vmem>>) dst(%dma_wait3A_647 : memref<128x128xf32, #tpu.memory_space<hbm>>)
    %dma_wait3A_652 = arith.constant 0 : i32
    %dma_wait3A_653 = arith.constant 0 : i32
    %dma_wait3A_654 = arith.constant 0 : i32
    %dma_wait3A_655 = tpu.memref_slice %arg10[%dma_wait3A_652, %dma_wait3A_653, %dma_wait3A_654] : memref<2x128x128xf32, #tpu.memory_space<vmem>> -> memref<1x128x128xf32, #tpu.memory_space<vmem>>
    %dma_wait3A_656 = tpu.memref_squeeze %dma_wait3A_655 : memref<1x128x128xf32, #tpu.memory_space<vmem>> -> memref<128x128xf32, #tpu.memory_space<vmem>>
    %dma_wait3A_657 = arith.constant 0 : i32
    %dma_wait3A_658 = tpu.memref_slice %arg6[%add3A_625, %dma_wait3A_657] : memref<20480x128xf32, #tpu.memory_space<hbm>> -> memref<128x128xf32, #tpu.memory_space<hbm>>
    %dma_wait3A_659 = arith.constant 0 : i32
    %dma_wait3A_660 = tpu.memref_slice %arg6[%add3A_625, %dma_wait3A_659] : memref<20480x128xf32, #tpu.memory_space<hbm>> -> memref<128x128xf32, #tpu.memory_space<hbm>>
    %dma_wait3A_661 = arith.constant 0 : i32
    %dma_wait3A_662 = arith.constant 0 : i32
    %dma_wait3A_663 = tpu.memref_slice %arg10[%dma_wait3A_652, %dma_wait3A_661, %dma_wait3A_662] : memref<2x128x128xf32, #tpu.memory_space<vmem>> -> memref<1x128x128xf32, #tpu.memory_space<vmem>>
    %dma_wait3A_664 = tpu.memref_squeeze %dma_wait3A_663 : memref<1x128x128xf32, #tpu.memory_space<vmem>> -> memref<128x128xf32, #tpu.memory_space<vmem>>
    tpu.wait_dma2 semaphore(%arg14 : memref<!tpu.dma_semaphore, #tpu.memory_space<semaphore_mem>>) src(%dma_wait3A_664 : memref<128x128xf32, #tpu.memory_space<vmem>>) dst(%dma_wait3A_660 : memref<128x128xf32, #tpu.memory_space<hbm>>)
    %mul3A_665 = arith.constant 640 : i32
    %mul3A_666 = arith.muli %arg1, %mul3A_665 : i32
    "tpu.region"() ({
      %run_scoped3A_672 = tpu.sem_alloc : memref<!tpu.dma_semaphore, #tpu.memory_space<semaphore_mem>>
      %dma_start3A_673 = tpu.memref_slice %arg18[%mul3A_666] : memref<10240xf32, #tpu.memory_space<vmem_shared>> -> memref<640xf32, #tpu.memory_space<vmem_shared>>
      %dma_start3A_674 = tpu.memref_slice %arg18[%mul3A_666] : memref<10240xf32, #tpu.memory_space<vmem_shared>> -> memref<640xf32, #tpu.memory_space<vmem_shared>>
      tpu.enqueue_dma source(%dma_start3A_674 : memref<640xf32, #tpu.memory_space<vmem_shared>>) target(%arg17 : memref<640xf32, #tpu.memory_space<vmem>>) target_semaphore(%run_scoped3A_672 : memref<!tpu.dma_semaphore, #tpu.memory_space<semaphore_mem>>)
      %dma_wait3A_675 = tpu.memref_slice %arg18[%mul3A_666] : memref<10240xf32, #tpu.memory_space<vmem_shared>> -> memref<640xf32, #tpu.memory_space<vmem_shared>>
      %dma_wait3A_676 = tpu.memref_slice %arg18[%mul3A_666] : memref<10240xf32, #tpu.memory_space<vmem_shared>> -> memref<640xf32, #tpu.memory_space<vmem_shared>>
      tpu.wait_dma2 semaphore(%run_scoped3A_672 : memref<!tpu.dma_semaphore, #tpu.memory_space<semaphore_mem>>) src(%dma_wait3A_676 : memref<640xf32, #tpu.memory_space<vmem_shared>>) dst(%arg17 : memref<640xf32, #tpu.memory_space<vmem>>)
      tpu.yield
    }) : () -> ()
    %mul3A_667 = arith.constant 10240 : i32
    %mul3A_668 = arith.muli %arg0, %mul3A_667 : i32
    %mul3A_669 = arith.constant 640 : i32
    %mul3A_670 = arith.muli %arg1, %mul3A_669 : i32
    %add3A_671 = arith.addi %mul3A_668, %mul3A_670 : i32
    "tpu.region"() ({
      %run_scoped3A_672 = tpu.sem_alloc : memref<!tpu.dma_semaphore, #tpu.memory_space<semaphore_mem>>
      %dma_start3A_673 = tpu.memref_slice %arg7[%add3A_671] : memref<20480xf32, #tpu.memory_space<hbm>> -> memref<640xf32, #tpu.memory_space<hbm>>
      %dma_start3A_674 = tpu.memref_slice %arg7[%add3A_671] : memref<20480xf32, #tpu.memory_space<hbm>> -> memref<640xf32, #tpu.memory_space<hbm>>
      tpu.enqueue_dma source(%arg17 : memref<640xf32, #tpu.memory_space<vmem>>) target(%dma_start3A_674 : memref<640xf32, #tpu.memory_space<hbm>>) target_semaphore(%run_scoped3A_672 : memref<!tpu.dma_semaphore, #tpu.memory_space<semaphore_mem>>)
      %dma_wait3A_675 = tpu.memref_slice %arg7[%add3A_671] : memref<20480xf32, #tpu.memory_space<hbm>> -> memref<640xf32, #tpu.memory_space<hbm>>
      %dma_wait3A_676 = tpu.memref_slice %arg7[%add3A_671] : memref<20480xf32, #tpu.memory_space<hbm>> -> memref<640xf32, #tpu.memory_space<hbm>>
      tpu.wait_dma2 semaphore(%run_scoped3A_672 : memref<!tpu.dma_semaphore, #tpu.memory_space<semaphore_mem>>) src(%arg17 : memref<640xf32, #tpu.memory_space<vmem>>) dst(%dma_wait3A_676 : memref<640xf32, #tpu.memory_space<hbm>>)
      tpu.yield
    }) : () -> ()
    return
  }
}

#map = affine_map<(d0, d1) -> (0, 0)>
module attributes {stable_mosaic.version = 14 : i64} {
  func.func @body(%arg0: i32, %arg1: i32, %arg2: memref<10240x128xf32, #tpu.memory_space<hbm>>, %arg3: memref<2560x128xi32, #tpu.memory_space<hbm>>, %arg4: memref<2560x128xi32, #tpu.memory_space<hbm>>, %arg5: memref<128x128xf32, #tpu.memory_space<hbm>>, %arg6: memref<20480x128xf32, #tpu.memory_space<hbm>>, %arg7: memref<40x128xi32, #tpu.memory_space<vmem>>, %arg8: memref<40x128xi32, #tpu.memory_space<vmem>>, %arg9: memref<2x128x128xf32, #tpu.memory_space<vmem>>, %arg10: memref<10240x128xf32, #tpu.memory_space<vmem_shared>>, %arg11: memref<!tpu.dma_semaphore, #tpu.memory_space<semaphore_mem>>, %arg12: memref<!tpu.dma_semaphore, #tpu.memory_space<semaphore_mem>>, %arg13: memref<!tpu.dma_semaphore, #tpu.memory_space<semaphore_mem>>, %arg14: memref<!tpu.dma_semaphore, #tpu.memory_space<semaphore_mem>>) attributes {dimension_semantics = [#tpu.dimension_semantics<core_parallel>, #tpu.dimension_semantics<subcore_parallel>], iteration_bounds = array<i64: 2, 16>, scalar_prefetch = 0 : i64, scratch_operands = 8 : i64, tpu.core_type = #tpu.core_type<sc_vector_subcore>, window_params = [{transform_indices = #map}, {transform_indices = #map}, {transform_indices = #map}, {transform_indices = #map}, {transform_indices = #map}]} {
    %mul3A = arith.constant 16 : i32
    %mul3A_0 = arith.muli %arg0, %mul3A : i32
    %add3A = arith.addi %mul3A_0, %arg1 : i32
    %run_scoped3A = arith.constant 0 : i32
    "tpu.region"() ({
      %run_scoped3A_469 = tpu.sem_alloc : memref<!tpu.dma_semaphore, #tpu.memory_space<semaphore_mem>>
      %dma_start3A_470 = arith.constant 0 : i32
      %dma_start3A_471 = arith.constant 0 : i32
      %dma_start3A_472 = tpu.memref_slice %arg9[%run_scoped3A, %dma_start3A_470, %dma_start3A_471] : memref<2x128x128xf32, #tpu.memory_space<vmem>> -> memref<1x128x128xf32, #tpu.memory_space<vmem>>
      %dma_start3A_473 = tpu.memref_squeeze %dma_start3A_472 : memref<1x128x128xf32, #tpu.memory_space<vmem>> -> memref<128x128xf32, #tpu.memory_space<vmem>>
      %dma_start3A_474 = arith.constant 0 : i32
      %dma_start3A_475 = arith.constant 0 : i32
      %dma_start3A_476 = tpu.memref_slice %arg9[%run_scoped3A, %dma_start3A_474, %dma_start3A_475] : memref<2x128x128xf32, #tpu.memory_space<vmem>> -> memref<1x128x128xf32, #tpu.memory_space<vmem>>
      %dma_start3A_477 = tpu.memref_squeeze %dma_start3A_476 : memref<1x128x128xf32, #tpu.memory_space<vmem>> -> memref<128x128xf32, #tpu.memory_space<vmem>>
      tpu.enqueue_dma source(%arg5 : memref<128x128xf32, #tpu.memory_space<hbm>>) target(%dma_start3A_477 : memref<128x128xf32, #tpu.memory_space<vmem>>) target_semaphore(%run_scoped3A_469 : memref<!tpu.dma_semaphore, #tpu.memory_space<semaphore_mem>>)
      %dma_wait3A_478 = arith.constant 0 : i32
      %dma_wait3A_479 = arith.constant 0 : i32
      %dma_wait3A_480 = tpu.memref_slice %arg9[%run_scoped3A, %dma_wait3A_478, %dma_wait3A_479] : memref<2x128x128xf32, #tpu.memory_space<vmem>> -> memref<1x128x128xf32, #tpu.memory_space<vmem>>
      %dma_wait3A_481 = tpu.memref_squeeze %dma_wait3A_480 : memref<1x128x128xf32, #tpu.memory_space<vmem>> -> memref<128x128xf32, #tpu.memory_space<vmem>>
      %dma_wait3A_482 = arith.constant 0 : i32
      %dma_wait3A_483 = arith.constant 0 : i32
      %dma_wait3A_484 = tpu.memref_slice %arg9[%run_scoped3A, %dma_wait3A_482, %dma_wait3A_483] : memref<2x128x128xf32, #tpu.memory_space<vmem>> -> memref<1x128x128xf32, #tpu.memory_space<vmem>>
      %dma_wait3A_485 = tpu.memref_squeeze %dma_wait3A_484 : memref<1x128x128xf32, #tpu.memory_space<vmem>> -> memref<128x128xf32, #tpu.memory_space<vmem>>
      tpu.wait_dma2 semaphore(%run_scoped3A_469 : memref<!tpu.dma_semaphore, #tpu.memory_space<semaphore_mem>>) src(%arg5 : memref<128x128xf32, #tpu.memory_space<hbm>>) dst(%dma_wait3A_485 : memref<128x128xf32, #tpu.memory_space<vmem>>)
      tpu.yield
    }) : () -> ()
    %mul3A_1 = arith.constant 640 : i32
    %mul3A_2 = arith.muli %arg1, %mul3A_1 : i32
    %add3A_3 = arith.constant 0 : i32
    %add3A_4 = arith.addi %mul3A_2, %add3A_3 : i32
    %dma_start3A = arith.constant 0 : i32
    %dma_start3A_5 = arith.constant 0 : i32
    %dma_start3A_6 = arith.constant 0 : i32
    %dma_start3A_7 = tpu.memref_slice %arg9[%dma_start3A, %dma_start3A_5, %dma_start3A_6] : memref<2x128x128xf32, #tpu.memory_space<vmem>> -> memref<1x128x128xf32, #tpu.memory_space<vmem>>
    %dma_start3A_8 = tpu.memref_squeeze %dma_start3A_7 : memref<1x128x128xf32, #tpu.memory_space<vmem>> -> memref<128x128xf32, #tpu.memory_space<vmem>>
    %dma_start3A_9 = arith.constant 0 : i32
    %dma_start3A_10 = tpu.memref_slice %arg10[%add3A_4, %dma_start3A_9] : memref<10240x128xf32, #tpu.memory_space<vmem_shared>> -> memref<128x128xf32, #tpu.memory_space<vmem_shared>>
    %dma_start3A_11 = arith.constant 0 : i32
    %dma_start3A_12 = tpu.memref_slice %arg10[%add3A_4, %dma_start3A_11] : memref<10240x128xf32, #tpu.memory_space<vmem_shared>> -> memref<128x128xf32, #tpu.memory_space<vmem_shared>>
    %dma_start3A_13 = arith.constant 0 : i32
    %dma_start3A_14 = arith.constant 0 : i32
    %dma_start3A_15 = tpu.memref_slice %arg9[%dma_start3A, %dma_start3A_13, %dma_start3A_14] : memref<2x128x128xf32, #tpu.memory_space<vmem>> -> memref<1x128x128xf32, #tpu.memory_space<vmem>>
    %dma_start3A_16 = tpu.memref_squeeze %dma_start3A_15 : memref<1x128x128xf32, #tpu.memory_space<vmem>> -> memref<128x128xf32, #tpu.memory_space<vmem>>
    tpu.enqueue_dma source(%dma_start3A_16 : memref<128x128xf32, #tpu.memory_space<vmem>>) target(%dma_start3A_12 : memref<128x128xf32, #tpu.memory_space<vmem_shared>>) target_semaphore(%arg11 : memref<!tpu.dma_semaphore, #tpu.memory_space<semaphore_mem>>)
    %mul3A_17 = arith.constant 640 : i32
    %mul3A_18 = arith.muli %arg1, %mul3A_17 : i32
    %add3A_19 = arith.constant 128 : i32
    %add3A_20 = arith.addi %mul3A_18, %add3A_19 : i32
    %dma_start3A_21 = arith.constant 0 : i32
    %dma_start3A_22 = arith.constant 0 : i32
    %dma_start3A_23 = arith.constant 0 : i32
    %dma_start3A_24 = tpu.memref_slice %arg9[%dma_start3A_21, %dma_start3A_22, %dma_start3A_23] : memref<2x128x128xf32, #tpu.memory_space<vmem>> -> memref<1x128x128xf32, #tpu.memory_space<vmem>>
    %dma_start3A_25 = tpu.memref_squeeze %dma_start3A_24 : memref<1x128x128xf32, #tpu.memory_space<vmem>> -> memref<128x128xf32, #tpu.memory_space<vmem>>
    %dma_start3A_26 = arith.constant 0 : i32
    %dma_start3A_27 = tpu.memref_slice %arg10[%add3A_20, %dma_start3A_26] : memref<10240x128xf32, #tpu.memory_space<vmem_shared>> -> memref<128x128xf32, #tpu.memory_space<vmem_shared>>
    %dma_start3A_28 = arith.constant 0 : i32
    %dma_start3A_29 = tpu.memref_slice %arg10[%add3A_20, %dma_start3A_28] : memref<10240x128xf32, #tpu.memory_space<vmem_shared>> -> memref<128x128xf32, #tpu.memory_space<vmem_shared>>
    %dma_start3A_30 = arith.constant 0 : i32
    %dma_start3A_31 = arith.constant 0 : i32
    %dma_start3A_32 = tpu.memref_slice %arg9[%dma_start3A_21, %dma_start3A_30, %dma_start3A_31] : memref<2x128x128xf32, #tpu.memory_space<vmem>> -> memref<1x128x128xf32, #tpu.memory_space<vmem>>
    %dma_start3A_33 = tpu.memref_squeeze %dma_start3A_32 : memref<1x128x128xf32, #tpu.memory_space<vmem>> -> memref<128x128xf32, #tpu.memory_space<vmem>>
    tpu.enqueue_dma source(%dma_start3A_33 : memref<128x128xf32, #tpu.memory_space<vmem>>) target(%dma_start3A_29 : memref<128x128xf32, #tpu.memory_space<vmem_shared>>) target_semaphore(%arg11 : memref<!tpu.dma_semaphore, #tpu.memory_space<semaphore_mem>>)
    %mul3A_34 = arith.constant 640 : i32
    %mul3A_35 = arith.muli %arg1, %mul3A_34 : i32
    %add3A_36 = arith.constant 256 : i32
    %add3A_37 = arith.addi %mul3A_35, %add3A_36 : i32
    %dma_start3A_38 = arith.constant 0 : i32
    %dma_start3A_39 = arith.constant 0 : i32
    %dma_start3A_40 = arith.constant 0 : i32
    %dma_start3A_41 = tpu.memref_slice %arg9[%dma_start3A_38, %dma_start3A_39, %dma_start3A_40] : memref<2x128x128xf32, #tpu.memory_space<vmem>> -> memref<1x128x128xf32, #tpu.memory_space<vmem>>
    %dma_start3A_42 = tpu.memref_squeeze %dma_start3A_41 : memref<1x128x128xf32, #tpu.memory_space<vmem>> -> memref<128x128xf32, #tpu.memory_space<vmem>>
    %dma_start3A_43 = arith.constant 0 : i32
    %dma_start3A_44 = tpu.memref_slice %arg10[%add3A_37, %dma_start3A_43] : memref<10240x128xf32, #tpu.memory_space<vmem_shared>> -> memref<128x128xf32, #tpu.memory_space<vmem_shared>>
    %dma_start3A_45 = arith.constant 0 : i32
    %dma_start3A_46 = tpu.memref_slice %arg10[%add3A_37, %dma_start3A_45] : memref<10240x128xf32, #tpu.memory_space<vmem_shared>> -> memref<128x128xf32, #tpu.memory_space<vmem_shared>>
    %dma_start3A_47 = arith.constant 0 : i32
    %dma_start3A_48 = arith.constant 0 : i32
    %dma_start3A_49 = tpu.memref_slice %arg9[%dma_start3A_38, %dma_start3A_47, %dma_start3A_48] : memref<2x128x128xf32, #tpu.memory_space<vmem>> -> memref<1x128x128xf32, #tpu.memory_space<vmem>>
    %dma_start3A_50 = tpu.memref_squeeze %dma_start3A_49 : memref<1x128x128xf32, #tpu.memory_space<vmem>> -> memref<128x128xf32, #tpu.memory_space<vmem>>
    tpu.enqueue_dma source(%dma_start3A_50 : memref<128x128xf32, #tpu.memory_space<vmem>>) target(%dma_start3A_46 : memref<128x128xf32, #tpu.memory_space<vmem_shared>>) target_semaphore(%arg11 : memref<!tpu.dma_semaphore, #tpu.memory_space<semaphore_mem>>)
    %mul3A_51 = arith.constant 640 : i32
    %mul3A_52 = arith.muli %arg1, %mul3A_51 : i32
    %add3A_53 = arith.constant 384 : i32
    %add3A_54 = arith.addi %mul3A_52, %add3A_53 : i32
    %dma_start3A_55 = arith.constant 0 : i32
    %dma_start3A_56 = arith.constant 0 : i32
    %dma_start3A_57 = arith.constant 0 : i32
    %dma_start3A_58 = tpu.memref_slice %arg9[%dma_start3A_55, %dma_start3A_56, %dma_start3A_57] : memref<2x128x128xf32, #tpu.memory_space<vmem>> -> memref<1x128x128xf32, #tpu.memory_space<vmem>>
    %dma_start3A_59 = tpu.memref_squeeze %dma_start3A_58 : memref<1x128x128xf32, #tpu.memory_space<vmem>> -> memref<128x128xf32, #tpu.memory_space<vmem>>
    %dma_start3A_60 = arith.constant 0 : i32
    %dma_start3A_61 = tpu.memref_slice %arg10[%add3A_54, %dma_start3A_60] : memref<10240x128xf32, #tpu.memory_space<vmem_shared>> -> memref<128x128xf32, #tpu.memory_space<vmem_shared>>
    %dma_start3A_62 = arith.constant 0 : i32
    %dma_start3A_63 = tpu.memref_slice %arg10[%add3A_54, %dma_start3A_62] : memref<10240x128xf32, #tpu.memory_space<vmem_shared>> -> memref<128x128xf32, #tpu.memory_space<vmem_shared>>
    %dma_start3A_64 = arith.constant 0 : i32
    %dma_start3A_65 = arith.constant 0 : i32
    %dma_start3A_66 = tpu.memref_slice %arg9[%dma_start3A_55, %dma_start3A_64, %dma_start3A_65] : memref<2x128x128xf32, #tpu.memory_space<vmem>> -> memref<1x128x128xf32, #tpu.memory_space<vmem>>
    %dma_start3A_67 = tpu.memref_squeeze %dma_start3A_66 : memref<1x128x128xf32, #tpu.memory_space<vmem>> -> memref<128x128xf32, #tpu.memory_space<vmem>>
    tpu.enqueue_dma source(%dma_start3A_67 : memref<128x128xf32, #tpu.memory_space<vmem>>) target(%dma_start3A_63 : memref<128x128xf32, #tpu.memory_space<vmem_shared>>) target_semaphore(%arg11 : memref<!tpu.dma_semaphore, #tpu.memory_space<semaphore_mem>>)
    %mul3A_68 = arith.constant 640 : i32
    %mul3A_69 = arith.muli %arg1, %mul3A_68 : i32
    %add3A_70 = arith.constant 512 : i32
    %add3A_71 = arith.addi %mul3A_69, %add3A_70 : i32
    %dma_start3A_72 = arith.constant 0 : i32
    %dma_start3A_73 = arith.constant 0 : i32
    %dma_start3A_74 = arith.constant 0 : i32
    %dma_start3A_75 = tpu.memref_slice %arg9[%dma_start3A_72, %dma_start3A_73, %dma_start3A_74] : memref<2x128x128xf32, #tpu.memory_space<vmem>> -> memref<1x128x128xf32, #tpu.memory_space<vmem>>
    %dma_start3A_76 = tpu.memref_squeeze %dma_start3A_75 : memref<1x128x128xf32, #tpu.memory_space<vmem>> -> memref<128x128xf32, #tpu.memory_space<vmem>>
    %dma_start3A_77 = arith.constant 0 : i32
    %dma_start3A_78 = tpu.memref_slice %arg10[%add3A_71, %dma_start3A_77] : memref<10240x128xf32, #tpu.memory_space<vmem_shared>> -> memref<128x128xf32, #tpu.memory_space<vmem_shared>>
    %dma_start3A_79 = arith.constant 0 : i32
    %dma_start3A_80 = tpu.memref_slice %arg10[%add3A_71, %dma_start3A_79] : memref<10240x128xf32, #tpu.memory_space<vmem_shared>> -> memref<128x128xf32, #tpu.memory_space<vmem_shared>>
    %dma_start3A_81 = arith.constant 0 : i32
    %dma_start3A_82 = arith.constant 0 : i32
    %dma_start3A_83 = tpu.memref_slice %arg9[%dma_start3A_72, %dma_start3A_81, %dma_start3A_82] : memref<2x128x128xf32, #tpu.memory_space<vmem>> -> memref<1x128x128xf32, #tpu.memory_space<vmem>>
    %dma_start3A_84 = tpu.memref_squeeze %dma_start3A_83 : memref<1x128x128xf32, #tpu.memory_space<vmem>> -> memref<128x128xf32, #tpu.memory_space<vmem>>
    tpu.enqueue_dma source(%dma_start3A_84 : memref<128x128xf32, #tpu.memory_space<vmem>>) target(%dma_start3A_80 : memref<128x128xf32, #tpu.memory_space<vmem_shared>>) target_semaphore(%arg11 : memref<!tpu.dma_semaphore, #tpu.memory_space<semaphore_mem>>)
    %dma_wait3A = arith.constant 0 : i32
    %dma_wait3A_85 = arith.constant 0 : i32
    %dma_wait3A_86 = arith.constant 0 : i32
    %dma_wait3A_87 = tpu.memref_slice %arg9[%dma_wait3A, %dma_wait3A_85, %dma_wait3A_86] : memref<2x128x128xf32, #tpu.memory_space<vmem>> -> memref<1x128x128xf32, #tpu.memory_space<vmem>>
    %dma_wait3A_88 = tpu.memref_squeeze %dma_wait3A_87 : memref<1x128x128xf32, #tpu.memory_space<vmem>> -> memref<128x128xf32, #tpu.memory_space<vmem>>
    %dma_wait3A_89 = arith.constant 0 : i32
    %dma_wait3A_90 = tpu.memref_slice %arg10[%add3A_4, %dma_wait3A_89] : memref<10240x128xf32, #tpu.memory_space<vmem_shared>> -> memref<128x128xf32, #tpu.memory_space<vmem_shared>>
    %dma_wait3A_91 = arith.constant 0 : i32
    %dma_wait3A_92 = tpu.memref_slice %arg10[%add3A_4, %dma_wait3A_91] : memref<10240x128xf32, #tpu.memory_space<vmem_shared>> -> memref<128x128xf32, #tpu.memory_space<vmem_shared>>
    %dma_wait3A_93 = arith.constant 0 : i32
    %dma_wait3A_94 = arith.constant 0 : i32
    %dma_wait3A_95 = tpu.memref_slice %arg9[%dma_wait3A, %dma_wait3A_93, %dma_wait3A_94] : memref<2x128x128xf32, #tpu.memory_space<vmem>> -> memref<1x128x128xf32, #tpu.memory_space<vmem>>
    %dma_wait3A_96 = tpu.memref_squeeze %dma_wait3A_95 : memref<1x128x128xf32, #tpu.memory_space<vmem>> -> memref<128x128xf32, #tpu.memory_space<vmem>>
    tpu.wait_dma2 semaphore(%arg11 : memref<!tpu.dma_semaphore, #tpu.memory_space<semaphore_mem>>) src(%dma_wait3A_96 : memref<128x128xf32, #tpu.memory_space<vmem>>) dst(%dma_wait3A_92 : memref<128x128xf32, #tpu.memory_space<vmem_shared>>)
    %dma_wait3A_97 = arith.constant 0 : i32
    %dma_wait3A_98 = arith.constant 0 : i32
    %dma_wait3A_99 = arith.constant 0 : i32
    %dma_wait3A_100 = tpu.memref_slice %arg9[%dma_wait3A_97, %dma_wait3A_98, %dma_wait3A_99] : memref<2x128x128xf32, #tpu.memory_space<vmem>> -> memref<1x128x128xf32, #tpu.memory_space<vmem>>
    %dma_wait3A_101 = tpu.memref_squeeze %dma_wait3A_100 : memref<1x128x128xf32, #tpu.memory_space<vmem>> -> memref<128x128xf32, #tpu.memory_space<vmem>>
    %dma_wait3A_102 = arith.constant 0 : i32
    %dma_wait3A_103 = tpu.memref_slice %arg10[%add3A_20, %dma_wait3A_102] : memref<10240x128xf32, #tpu.memory_space<vmem_shared>> -> memref<128x128xf32, #tpu.memory_space<vmem_shared>>
    %dma_wait3A_104 = arith.constant 0 : i32
    %dma_wait3A_105 = tpu.memref_slice %arg10[%add3A_20, %dma_wait3A_104] : memref<10240x128xf32, #tpu.memory_space<vmem_shared>> -> memref<128x128xf32, #tpu.memory_space<vmem_shared>>
    %dma_wait3A_106 = arith.constant 0 : i32
    %dma_wait3A_107 = arith.constant 0 : i32
    %dma_wait3A_108 = tpu.memref_slice %arg9[%dma_wait3A_97, %dma_wait3A_106, %dma_wait3A_107] : memref<2x128x128xf32, #tpu.memory_space<vmem>> -> memref<1x128x128xf32, #tpu.memory_space<vmem>>
    %dma_wait3A_109 = tpu.memref_squeeze %dma_wait3A_108 : memref<1x128x128xf32, #tpu.memory_space<vmem>> -> memref<128x128xf32, #tpu.memory_space<vmem>>
    tpu.wait_dma2 semaphore(%arg11 : memref<!tpu.dma_semaphore, #tpu.memory_space<semaphore_mem>>) src(%dma_wait3A_109 : memref<128x128xf32, #tpu.memory_space<vmem>>) dst(%dma_wait3A_105 : memref<128x128xf32, #tpu.memory_space<vmem_shared>>)
    %dma_wait3A_110 = arith.constant 0 : i32
    %dma_wait3A_111 = arith.constant 0 : i32
    %dma_wait3A_112 = arith.constant 0 : i32
    %dma_wait3A_113 = tpu.memref_slice %arg9[%dma_wait3A_110, %dma_wait3A_111, %dma_wait3A_112] : memref<2x128x128xf32, #tpu.memory_space<vmem>> -> memref<1x128x128xf32, #tpu.memory_space<vmem>>
    %dma_wait3A_114 = tpu.memref_squeeze %dma_wait3A_113 : memref<1x128x128xf32, #tpu.memory_space<vmem>> -> memref<128x128xf32, #tpu.memory_space<vmem>>
    %dma_wait3A_115 = arith.constant 0 : i32
    %dma_wait3A_116 = tpu.memref_slice %arg10[%add3A_37, %dma_wait3A_115] : memref<10240x128xf32, #tpu.memory_space<vmem_shared>> -> memref<128x128xf32, #tpu.memory_space<vmem_shared>>
    %dma_wait3A_117 = arith.constant 0 : i32
    %dma_wait3A_118 = tpu.memref_slice %arg10[%add3A_37, %dma_wait3A_117] : memref<10240x128xf32, #tpu.memory_space<vmem_shared>> -> memref<128x128xf32, #tpu.memory_space<vmem_shared>>
    %dma_wait3A_119 = arith.constant 0 : i32
    %dma_wait3A_120 = arith.constant 0 : i32
    %dma_wait3A_121 = tpu.memref_slice %arg9[%dma_wait3A_110, %dma_wait3A_119, %dma_wait3A_120] : memref<2x128x128xf32, #tpu.memory_space<vmem>> -> memref<1x128x128xf32, #tpu.memory_space<vmem>>
    %dma_wait3A_122 = tpu.memref_squeeze %dma_wait3A_121 : memref<1x128x128xf32, #tpu.memory_space<vmem>> -> memref<128x128xf32, #tpu.memory_space<vmem>>
    tpu.wait_dma2 semaphore(%arg11 : memref<!tpu.dma_semaphore, #tpu.memory_space<semaphore_mem>>) src(%dma_wait3A_122 : memref<128x128xf32, #tpu.memory_space<vmem>>) dst(%dma_wait3A_118 : memref<128x128xf32, #tpu.memory_space<vmem_shared>>)
    %dma_wait3A_123 = arith.constant 0 : i32
    %dma_wait3A_124 = arith.constant 0 : i32
    %dma_wait3A_125 = arith.constant 0 : i32
    %dma_wait3A_126 = tpu.memref_slice %arg9[%dma_wait3A_123, %dma_wait3A_124, %dma_wait3A_125] : memref<2x128x128xf32, #tpu.memory_space<vmem>> -> memref<1x128x128xf32, #tpu.memory_space<vmem>>
    %dma_wait3A_127 = tpu.memref_squeeze %dma_wait3A_126 : memref<1x128x128xf32, #tpu.memory_space<vmem>> -> memref<128x128xf32, #tpu.memory_space<vmem>>
    %dma_wait3A_128 = arith.constant 0 : i32
    %dma_wait3A_129 = tpu.memref_slice %arg10[%add3A_54, %dma_wait3A_128] : memref<10240x128xf32, #tpu.memory_space<vmem_shared>> -> memref<128x128xf32, #tpu.memory_space<vmem_shared>>
    %dma_wait3A_130 = arith.constant 0 : i32
    %dma_wait3A_131 = tpu.memref_slice %arg10[%add3A_54, %dma_wait3A_130] : memref<10240x128xf32, #tpu.memory_space<vmem_shared>> -> memref<128x128xf32, #tpu.memory_space<vmem_shared>>
    %dma_wait3A_132 = arith.constant 0 : i32
    %dma_wait3A_133 = arith.constant 0 : i32
    %dma_wait3A_134 = tpu.memref_slice %arg9[%dma_wait3A_123, %dma_wait3A_132, %dma_wait3A_133] : memref<2x128x128xf32, #tpu.memory_space<vmem>> -> memref<1x128x128xf32, #tpu.memory_space<vmem>>
    %dma_wait3A_135 = tpu.memref_squeeze %dma_wait3A_134 : memref<1x128x128xf32, #tpu.memory_space<vmem>> -> memref<128x128xf32, #tpu.memory_space<vmem>>
    tpu.wait_dma2 semaphore(%arg11 : memref<!tpu.dma_semaphore, #tpu.memory_space<semaphore_mem>>) src(%dma_wait3A_135 : memref<128x128xf32, #tpu.memory_space<vmem>>) dst(%dma_wait3A_131 : memref<128x128xf32, #tpu.memory_space<vmem_shared>>)
    %dma_wait3A_136 = arith.constant 0 : i32
    %dma_wait3A_137 = arith.constant 0 : i32
    %dma_wait3A_138 = arith.constant 0 : i32
    %dma_wait3A_139 = tpu.memref_slice %arg9[%dma_wait3A_136, %dma_wait3A_137, %dma_wait3A_138] : memref<2x128x128xf32, #tpu.memory_space<vmem>> -> memref<1x128x128xf32, #tpu.memory_space<vmem>>
    %dma_wait3A_140 = tpu.memref_squeeze %dma_wait3A_139 : memref<1x128x128xf32, #tpu.memory_space<vmem>> -> memref<128x128xf32, #tpu.memory_space<vmem>>
    %dma_wait3A_141 = arith.constant 0 : i32
    %dma_wait3A_142 = tpu.memref_slice %arg10[%add3A_71, %dma_wait3A_141] : memref<10240x128xf32, #tpu.memory_space<vmem_shared>> -> memref<128x128xf32, #tpu.memory_space<vmem_shared>>
    %dma_wait3A_143 = arith.constant 0 : i32
    %dma_wait3A_144 = tpu.memref_slice %arg10[%add3A_71, %dma_wait3A_143] : memref<10240x128xf32, #tpu.memory_space<vmem_shared>> -> memref<128x128xf32, #tpu.memory_space<vmem_shared>>
    %dma_wait3A_145 = arith.constant 0 : i32
    %dma_wait3A_146 = arith.constant 0 : i32
    %dma_wait3A_147 = tpu.memref_slice %arg9[%dma_wait3A_136, %dma_wait3A_145, %dma_wait3A_146] : memref<2x128x128xf32, #tpu.memory_space<vmem>> -> memref<1x128x128xf32, #tpu.memory_space<vmem>>
    %dma_wait3A_148 = tpu.memref_squeeze %dma_wait3A_147 : memref<1x128x128xf32, #tpu.memory_space<vmem>> -> memref<128x128xf32, #tpu.memory_space<vmem>>
    tpu.wait_dma2 semaphore(%arg11 : memref<!tpu.dma_semaphore, #tpu.memory_space<semaphore_mem>>) src(%dma_wait3A_148 : memref<128x128xf32, #tpu.memory_space<vmem>>) dst(%dma_wait3A_144 : memref<128x128xf32, #tpu.memory_space<vmem_shared>>)
    %barrier3A = arith.constant 0 : index
    tpu.barrier barrier_id(%barrier3A)
    %scan3A = arith.constant 0 : i32
    %scan3A_149 = arith.constant 2 : i32
    %scan3A_150 = arith.addi %scan3A, %scan3A_149 : i32
    %scan3A_151 = arith.constant 1 : i32
    scf.for %scan3A_469 = %scan3A to %scan3A_150 step %scan3A_151  : i32 {
      %mul3A_470 = arith.constant 1 : i32
      %mul3A_471 = arith.muli %scan3A_469, %mul3A_470 : i32
      %add3A_472 = arith.constant 0 : i32
      %add3A_473 = arith.addi %add3A_472, %mul3A_471 : i32
      %mul3A_474 = arith.constant 80 : i32
      %mul3A_475 = arith.muli %add3A, %mul3A_474 : i32
      %mul3A_476 = arith.constant 40 : i32
      %mul3A_477 = arith.muli %add3A_473, %mul3A_476 : i32
      %add3A_478 = arith.addi %mul3A_475, %mul3A_477 : i32
      "tpu.region"() ({
        %run_scoped3A_489 = tpu.sem_alloc : memref<!tpu.dma_semaphore, #tpu.memory_space<semaphore_mem>>
        %dma_start3A_490 = arith.constant 0 : i32
        %dma_start3A_491 = tpu.memref_slice %arg3[%add3A_478, %dma_start3A_490] : memref<2560x128xi32, #tpu.memory_space<hbm>> -> memref<40x128xi32, #tpu.memory_space<hbm>>
        %dma_start3A_492 = arith.constant 0 : i32
        %dma_start3A_493 = tpu.memref_slice %arg3[%add3A_478, %dma_start3A_492] : memref<2560x128xi32, #tpu.memory_space<hbm>> -> memref<40x128xi32, #tpu.memory_space<hbm>>
        tpu.enqueue_dma source(%dma_start3A_493 : memref<40x128xi32, #tpu.memory_space<hbm>>) target(%arg7 : memref<40x128xi32, #tpu.memory_space<vmem>>) target_semaphore(%run_scoped3A_489 : memref<!tpu.dma_semaphore, #tpu.memory_space<semaphore_mem>>)
        %dma_wait3A_494 = arith.constant 0 : i32
        %dma_wait3A_495 = tpu.memref_slice %arg3[%add3A_478, %dma_wait3A_494] : memref<2560x128xi32, #tpu.memory_space<hbm>> -> memref<40x128xi32, #tpu.memory_space<hbm>>
        %dma_wait3A_496 = arith.constant 0 : i32
        %dma_wait3A_497 = tpu.memref_slice %arg3[%add3A_478, %dma_wait3A_496] : memref<2560x128xi32, #tpu.memory_space<hbm>> -> memref<40x128xi32, #tpu.memory_space<hbm>>
        tpu.wait_dma2 semaphore(%run_scoped3A_489 : memref<!tpu.dma_semaphore, #tpu.memory_space<semaphore_mem>>) src(%dma_wait3A_497 : memref<40x128xi32, #tpu.memory_space<hbm>>) dst(%arg7 : memref<40x128xi32, #tpu.memory_space<vmem>>)
        tpu.yield
      }) : () -> ()
      %mul3A_479 = arith.constant 80 : i32
      %mul3A_480 = arith.muli %add3A, %mul3A_479 : i32
      %mul3A_481 = arith.constant 40 : i32
      %mul3A_482 = arith.muli %add3A_473, %mul3A_481 : i32
      %add3A_483 = arith.addi %mul3A_480, %mul3A_482 : i32
      "tpu.region"() ({
        %run_scoped3A_489 = tpu.sem_alloc : memref<!tpu.dma_semaphore, #tpu.memory_space<semaphore_mem>>
        %dma_start3A_490 = arith.constant 0 : i32
        %dma_start3A_491 = tpu.memref_slice %arg4[%add3A_483, %dma_start3A_490] : memref<2560x128xi32, #tpu.memory_space<hbm>> -> memref<40x128xi32, #tpu.memory_space<hbm>>
        %dma_start3A_492 = arith.constant 0 : i32
        %dma_start3A_493 = tpu.memref_slice %arg4[%add3A_483, %dma_start3A_492] : memref<2560x128xi32, #tpu.memory_space<hbm>> -> memref<40x128xi32, #tpu.memory_space<hbm>>
        tpu.enqueue_dma source(%dma_start3A_493 : memref<40x128xi32, #tpu.memory_space<hbm>>) target(%arg8 : memref<40x128xi32, #tpu.memory_space<vmem>>) target_semaphore(%run_scoped3A_489 : memref<!tpu.dma_semaphore, #tpu.memory_space<semaphore_mem>>)
        %dma_wait3A_494 = arith.constant 0 : i32
        %dma_wait3A_495 = tpu.memref_slice %arg4[%add3A_483, %dma_wait3A_494] : memref<2560x128xi32, #tpu.memory_space<hbm>> -> memref<40x128xi32, #tpu.memory_space<hbm>>
        %dma_wait3A_496 = arith.constant 0 : i32
        %dma_wait3A_497 = tpu.memref_slice %arg4[%add3A_483, %dma_wait3A_496] : memref<2560x128xi32, #tpu.memory_space<hbm>> -> memref<40x128xi32, #tpu.memory_space<hbm>>
        tpu.wait_dma2 semaphore(%run_scoped3A_489 : memref<!tpu.dma_semaphore, #tpu.memory_space<semaphore_mem>>) src(%dma_wait3A_497 : memref<40x128xi32, #tpu.memory_space<hbm>>) dst(%arg8 : memref<40x128xi32, #tpu.memory_space<vmem>>)
        tpu.yield
      }) : () -> ()
      %scan3A_484 = arith.constant 0 : i32
      %scan3A_485 = arith.constant 20 : i32
      %scan3A_486 = arith.addi %scan3A_484, %scan3A_485 : i32
      %scan3A_487 = arith.constant 1 : i32
      scf.for %scan3A_489 = %scan3A_484 to %scan3A_486 step %scan3A_487  : i32 {
        %mul3A_490 = arith.constant 2 : i32
        %mul3A_491 = arith.muli %scan3A_489, %mul3A_490 : i32
        %add3A_492 = arith.constant 0 : i32
        %add3A_493 = arith.addi %add3A_492, %mul3A_491 : i32
        %dma_start3A_494 = arith.constant 0 : i32
        %dma_start3A_495 = arith.constant 0 : i32
        %dma_start3A_496 = arith.constant 0 : i32
        %dma_start3A_497 = tpu.memref_slice %arg9[%dma_start3A_494, %dma_start3A_495, %dma_start3A_496] : memref<2x128x128xf32, #tpu.memory_space<vmem>> -> memref<1x128x128xf32, #tpu.memory_space<vmem>>
        %dma_start3A_498 = tpu.memref_squeeze %dma_start3A_497 : memref<1x128x128xf32, #tpu.memory_space<vmem>> -> memref<128x128xf32, #tpu.memory_space<vmem>>
        %dma_start3A_499 = arith.constant 0 : i32
        %dma_start3A_500 = tpu.memref_slice %arg7[%add3A_493, %dma_start3A_499] : memref<40x128xi32, #tpu.memory_space<vmem>> -> memref<1x128xi32, #tpu.memory_space<vmem>>
        %dma_start3A_501 = tpu.memref_squeeze %dma_start3A_500 : memref<1x128xi32, #tpu.memory_space<vmem>> -> memref<128xi32, #tpu.memory_space<vmem>>
        %dma_start3A_502 = arith.constant 0 : i32
        %dma_start3A_503 = arith.constant 0 : i32
        %dma_start3A_504 = tpu.memref_slice %arg2[%dma_start3A_502, %dma_start3A_503] : memref<10240x128xf32, #tpu.memory_space<hbm>> -> memref<10240x128xf32, #tpu.memory_space<hbm>>
        tpu.enqueue_indirect_dma source(%dma_start3A_504 : memref<10240x128xf32, #tpu.memory_space<hbm>>) target(%dma_start3A_498 : memref<128x128xf32, #tpu.memory_space<vmem>>) offsets(%dma_start3A_501 : memref<128xi32, #tpu.memory_space<vmem>>) semaphore(%arg11 : memref<!tpu.dma_semaphore, #tpu.memory_space<semaphore_mem>>)
        %add3A_505 = arith.constant 1 : i32
        %add3A_506 = arith.addi %add3A_493, %add3A_505 : i32
        %dma_start3A_507 = arith.constant 1 : i32
        %dma_start3A_508 = arith.constant 0 : i32
        %dma_start3A_509 = arith.constant 0 : i32
        %dma_start3A_510 = tpu.memref_slice %arg9[%dma_start3A_507, %dma_start3A_508, %dma_start3A_509] : memref<2x128x128xf32, #tpu.memory_space<vmem>> -> memref<1x128x128xf32, #tpu.memory_space<vmem>>
        %dma_start3A_511 = tpu.memref_squeeze %dma_start3A_510 : memref<1x128x128xf32, #tpu.memory_space<vmem>> -> memref<128x128xf32, #tpu.memory_space<vmem>>
        %dma_start3A_512 = arith.constant 0 : i32
        %dma_start3A_513 = tpu.memref_slice %arg7[%add3A_506, %dma_start3A_512] : memref<40x128xi32, #tpu.memory_space<vmem>> -> memref<1x128xi32, #tpu.memory_space<vmem>>
        %dma_start3A_514 = tpu.memref_squeeze %dma_start3A_513 : memref<1x128xi32, #tpu.memory_space<vmem>> -> memref<128xi32, #tpu.memory_space<vmem>>
        %dma_start3A_515 = arith.constant 0 : i32
        %dma_start3A_516 = arith.constant 0 : i32
        %dma_start3A_517 = tpu.memref_slice %arg2[%dma_start3A_515, %dma_start3A_516] : memref<10240x128xf32, #tpu.memory_space<hbm>> -> memref<10240x128xf32, #tpu.memory_space<hbm>>
        tpu.enqueue_indirect_dma source(%dma_start3A_517 : memref<10240x128xf32, #tpu.memory_space<hbm>>) target(%dma_start3A_511 : memref<128x128xf32, #tpu.memory_space<vmem>>) offsets(%dma_start3A_514 : memref<128xi32, #tpu.memory_space<vmem>>) semaphore(%arg12 : memref<!tpu.dma_semaphore, #tpu.memory_space<semaphore_mem>>)
        %dma_wait3A_518 = arith.constant 0 : i32
        %dma_wait3A_519 = arith.constant 0 : i32
        %dma_wait3A_520 = arith.constant 0 : i32
        %dma_wait3A_521 = tpu.memref_slice %arg9[%dma_wait3A_518, %dma_wait3A_519, %dma_wait3A_520] : memref<2x128x128xf32, #tpu.memory_space<vmem>> -> memref<1x128x128xf32, #tpu.memory_space<vmem>>
        %dma_wait3A_522 = tpu.memref_squeeze %dma_wait3A_521 : memref<1x128x128xf32, #tpu.memory_space<vmem>> -> memref<128x128xf32, #tpu.memory_space<vmem>>
        %dma_wait3A_523 = arith.constant 0 : i32
        %dma_wait3A_524 = tpu.memref_slice %arg7[%add3A_493, %dma_wait3A_523] : memref<40x128xi32, #tpu.memory_space<vmem>> -> memref<1x128xi32, #tpu.memory_space<vmem>>
        %dma_wait3A_525 = tpu.memref_squeeze %dma_wait3A_524 : memref<1x128xi32, #tpu.memory_space<vmem>> -> memref<128xi32, #tpu.memory_space<vmem>>
        %dma_wait3A_526 = arith.constant 0 : i32
        %dma_wait3A_527 = arith.constant 0 : i32
        %dma_wait3A_528 = tpu.memref_slice %arg2[%dma_wait3A_526, %dma_wait3A_527] : memref<10240x128xf32, #tpu.memory_space<hbm>> -> memref<10240x128xf32, #tpu.memory_space<hbm>>
        tpu.wait_indirect_dma semaphore(%arg11 : memref<!tpu.dma_semaphore, #tpu.memory_space<semaphore_mem>>) src(%dma_wait3A_528 : memref<10240x128xf32, #tpu.memory_space<hbm>>) dst(%dma_wait3A_522 : memref<128x128xf32, #tpu.memory_space<vmem>>)
        %dma_start3A_529 = arith.constant 0 : i32
        %dma_start3A_530 = arith.constant 0 : i32
        %dma_start3A_531 = arith.constant 0 : i32
        %dma_start3A_532 = tpu.memref_slice %arg9[%dma_start3A_529, %dma_start3A_530, %dma_start3A_531] : memref<2x128x128xf32, #tpu.memory_space<vmem>> -> memref<1x128x128xf32, #tpu.memory_space<vmem>>
        %dma_start3A_533 = tpu.memref_squeeze %dma_start3A_532 : memref<1x128x128xf32, #tpu.memory_space<vmem>> -> memref<128x128xf32, #tpu.memory_space<vmem>>
        %dma_start3A_534 = arith.constant 0 : i32
        %dma_start3A_535 = tpu.memref_slice %arg8[%add3A_493, %dma_start3A_534] : memref<40x128xi32, #tpu.memory_space<vmem>> -> memref<1x128xi32, #tpu.memory_space<vmem>>
        %dma_start3A_536 = tpu.memref_squeeze %dma_start3A_535 : memref<1x128xi32, #tpu.memory_space<vmem>> -> memref<128xi32, #tpu.memory_space<vmem>>
        %dma_start3A_537 = arith.constant 0 : i32
        %dma_start3A_538 = arith.constant 0 : i32
        %dma_start3A_539 = tpu.memref_slice %arg10[%dma_start3A_537, %dma_start3A_538] : memref<10240x128xf32, #tpu.memory_space<vmem_shared>> -> memref<10240x128xf32, #tpu.memory_space<vmem_shared>>
        tpu.enqueue_indirect_dma source(%dma_start3A_533 : memref<128x128xf32, #tpu.memory_space<vmem>>) target(%dma_start3A_539 : memref<10240x128xf32, #tpu.memory_space<vmem_shared>>) offsets(%dma_start3A_536 : memref<128xi32, #tpu.memory_space<vmem>>) semaphore(%arg13 : memref<!tpu.dma_semaphore, #tpu.memory_space<semaphore_mem>>) {add = true}
        %dma_wait3A_540 = arith.constant 1 : i32
        %dma_wait3A_541 = arith.constant 0 : i32
        %dma_wait3A_542 = arith.constant 0 : i32
        %dma_wait3A_543 = tpu.memref_slice %arg9[%dma_wait3A_540, %dma_wait3A_541, %dma_wait3A_542] : memref<2x128x128xf32, #tpu.memory_space<vmem>> -> memref<1x128x128xf32, #tpu.memory_space<vmem>>
        %dma_wait3A_544 = tpu.memref_squeeze %dma_wait3A_543 : memref<1x128x128xf32, #tpu.memory_space<vmem>> -> memref<128x128xf32, #tpu.memory_space<vmem>>
        %dma_wait3A_545 = arith.constant 0 : i32
        %dma_wait3A_546 = tpu.memref_slice %arg7[%add3A_506, %dma_wait3A_545] : memref<40x128xi32, #tpu.memory_space<vmem>> -> memref<1x128xi32, #tpu.memory_space<vmem>>
        %dma_wait3A_547 = tpu.memref_squeeze %dma_wait3A_546 : memref<1x128xi32, #tpu.memory_space<vmem>> -> memref<128xi32, #tpu.memory_space<vmem>>
        %dma_wait3A_548 = arith.constant 0 : i32
        %dma_wait3A_549 = arith.constant 0 : i32
        %dma_wait3A_550 = tpu.memref_slice %arg2[%dma_wait3A_548, %dma_wait3A_549] : memref<10240x128xf32, #tpu.memory_space<hbm>> -> memref<10240x128xf32, #tpu.memory_space<hbm>>
        tpu.wait_indirect_dma semaphore(%arg12 : memref<!tpu.dma_semaphore, #tpu.memory_space<semaphore_mem>>) src(%dma_wait3A_550 : memref<10240x128xf32, #tpu.memory_space<hbm>>) dst(%dma_wait3A_544 : memref<128x128xf32, #tpu.memory_space<vmem>>)
        %add3A_551 = arith.constant 1 : i32
        %add3A_552 = arith.addi %add3A_493, %add3A_551 : i32
        %dma_start3A_553 = arith.constant 1 : i32
        %dma_start3A_554 = arith.constant 0 : i32
        %dma_start3A_555 = arith.constant 0 : i32
        %dma_start3A_556 = tpu.memref_slice %arg9[%dma_start3A_553, %dma_start3A_554, %dma_start3A_555] : memref<2x128x128xf32, #tpu.memory_space<vmem>> -> memref<1x128x128xf32, #tpu.memory_space<vmem>>
        %dma_start3A_557 = tpu.memref_squeeze %dma_start3A_556 : memref<1x128x128xf32, #tpu.memory_space<vmem>> -> memref<128x128xf32, #tpu.memory_space<vmem>>
        %dma_start3A_558 = arith.constant 0 : i32
        %dma_start3A_559 = tpu.memref_slice %arg8[%add3A_552, %dma_start3A_558] : memref<40x128xi32, #tpu.memory_space<vmem>> -> memref<1x128xi32, #tpu.memory_space<vmem>>
        %dma_start3A_560 = tpu.memref_squeeze %dma_start3A_559 : memref<1x128xi32, #tpu.memory_space<vmem>> -> memref<128xi32, #tpu.memory_space<vmem>>
        %dma_start3A_561 = arith.constant 0 : i32
        %dma_start3A_562 = arith.constant 0 : i32
        %dma_start3A_563 = tpu.memref_slice %arg10[%dma_start3A_561, %dma_start3A_562] : memref<10240x128xf32, #tpu.memory_space<vmem_shared>> -> memref<10240x128xf32, #tpu.memory_space<vmem_shared>>
        tpu.enqueue_indirect_dma source(%dma_start3A_557 : memref<128x128xf32, #tpu.memory_space<vmem>>) target(%dma_start3A_563 : memref<10240x128xf32, #tpu.memory_space<vmem_shared>>) offsets(%dma_start3A_560 : memref<128xi32, #tpu.memory_space<vmem>>) semaphore(%arg14 : memref<!tpu.dma_semaphore, #tpu.memory_space<semaphore_mem>>) {add = true}
        %dma_wait3A_564 = arith.constant 0 : i32
        %dma_wait3A_565 = arith.constant 0 : i32
        %dma_wait3A_566 = arith.constant 0 : i32
        %dma_wait3A_567 = tpu.memref_slice %arg9[%dma_wait3A_564, %dma_wait3A_565, %dma_wait3A_566] : memref<2x128x128xf32, #tpu.memory_space<vmem>> -> memref<1x128x128xf32, #tpu.memory_space<vmem>>
        %dma_wait3A_568 = tpu.memref_squeeze %dma_wait3A_567 : memref<1x128x128xf32, #tpu.memory_space<vmem>> -> memref<128x128xf32, #tpu.memory_space<vmem>>
        %dma_wait3A_569 = arith.constant 0 : i32
        %dma_wait3A_570 = tpu.memref_slice %arg8[%add3A_493, %dma_wait3A_569] : memref<40x128xi32, #tpu.memory_space<vmem>> -> memref<1x128xi32, #tpu.memory_space<vmem>>
        %dma_wait3A_571 = tpu.memref_squeeze %dma_wait3A_570 : memref<1x128xi32, #tpu.memory_space<vmem>> -> memref<128xi32, #tpu.memory_space<vmem>>
        %dma_wait3A_572 = arith.constant 0 : i32
        %dma_wait3A_573 = arith.constant 0 : i32
        %dma_wait3A_574 = tpu.memref_slice %arg10[%dma_wait3A_572, %dma_wait3A_573] : memref<10240x128xf32, #tpu.memory_space<vmem_shared>> -> memref<10240x128xf32, #tpu.memory_space<vmem_shared>>
        tpu.wait_indirect_dma semaphore(%arg13 : memref<!tpu.dma_semaphore, #tpu.memory_space<semaphore_mem>>) src(%dma_wait3A_568 : memref<128x128xf32, #tpu.memory_space<vmem>>) dst(%dma_wait3A_574 : memref<10240x128xf32, #tpu.memory_space<vmem_shared>>)
        %dma_wait3A_575 = arith.constant 1 : i32
        %dma_wait3A_576 = arith.constant 0 : i32
        %dma_wait3A_577 = arith.constant 0 : i32
        %dma_wait3A_578 = tpu.memref_slice %arg9[%dma_wait3A_575, %dma_wait3A_576, %dma_wait3A_577] : memref<2x128x128xf32, #tpu.memory_space<vmem>> -> memref<1x128x128xf32, #tpu.memory_space<vmem>>
        %dma_wait3A_579 = tpu.memref_squeeze %dma_wait3A_578 : memref<1x128x128xf32, #tpu.memory_space<vmem>> -> memref<128x128xf32, #tpu.memory_space<vmem>>
        %dma_wait3A_580 = arith.constant 0 : i32
        %dma_wait3A_581 = tpu.memref_slice %arg8[%add3A_552, %dma_wait3A_580] : memref<40x128xi32, #tpu.memory_space<vmem>> -> memref<1x128xi32, #tpu.memory_space<vmem>>
        %dma_wait3A_582 = tpu.memref_squeeze %dma_wait3A_581 : memref<1x128xi32, #tpu.memory_space<vmem>> -> memref<128xi32, #tpu.memory_space<vmem>>
        %dma_wait3A_583 = arith.constant 0 : i32
        %dma_wait3A_584 = arith.constant 0 : i32
        %dma_wait3A_585 = tpu.memref_slice %arg10[%dma_wait3A_583, %dma_wait3A_584] : memref<10240x128xf32, #tpu.memory_space<vmem_shared>> -> memref<10240x128xf32, #tpu.memory_space<vmem_shared>>
        tpu.wait_indirect_dma semaphore(%arg14 : memref<!tpu.dma_semaphore, #tpu.memory_space<semaphore_mem>>) src(%dma_wait3A_579 : memref<128x128xf32, #tpu.memory_space<vmem>>) dst(%dma_wait3A_585 : memref<10240x128xf32, #tpu.memory_space<vmem_shared>>)
      }
      %scan3A_488 = arith.constant 20 : i32
    }
    %scan3A_152 = arith.constant 2 : i32
    %barrier3A_153 = arith.constant 0 : index
    tpu.barrier barrier_id(%barrier3A_153)
    %mul3A_154 = arith.constant 640 : i32
    %mul3A_155 = arith.muli %arg1, %mul3A_154 : i32
    %add3A_156 = arith.constant 0 : i32
    %add3A_157 = arith.addi %mul3A_155, %add3A_156 : i32
    %dma_start3A_158 = arith.constant 0 : i32
    %dma_start3A_159 = arith.constant 0 : i32
    %dma_start3A_160 = arith.constant 0 : i32
    %dma_start3A_161 = tpu.memref_slice %arg9[%dma_start3A_158, %dma_start3A_159, %dma_start3A_160] : memref<2x128x128xf32, #tpu.memory_space<vmem>> -> memref<1x128x128xf32, #tpu.memory_space<vmem>>
    %dma_start3A_162 = tpu.memref_squeeze %dma_start3A_161 : memref<1x128x128xf32, #tpu.memory_space<vmem>> -> memref<128x128xf32, #tpu.memory_space<vmem>>
    %dma_start3A_163 = arith.constant 0 : i32
    %dma_start3A_164 = tpu.memref_slice %arg10[%add3A_157, %dma_start3A_163] : memref<10240x128xf32, #tpu.memory_space<vmem_shared>> -> memref<128x128xf32, #tpu.memory_space<vmem_shared>>
    %dma_start3A_165 = arith.constant 0 : i32
    %dma_start3A_166 = arith.constant 0 : i32
    %dma_start3A_167 = tpu.memref_slice %arg9[%dma_start3A_158, %dma_start3A_165, %dma_start3A_166] : memref<2x128x128xf32, #tpu.memory_space<vmem>> -> memref<1x128x128xf32, #tpu.memory_space<vmem>>
    %dma_start3A_168 = tpu.memref_squeeze %dma_start3A_167 : memref<1x128x128xf32, #tpu.memory_space<vmem>> -> memref<128x128xf32, #tpu.memory_space<vmem>>
    %dma_start3A_169 = arith.constant 0 : i32
    %dma_start3A_170 = tpu.memref_slice %arg10[%add3A_157, %dma_start3A_169] : memref<10240x128xf32, #tpu.memory_space<vmem_shared>> -> memref<128x128xf32, #tpu.memory_space<vmem_shared>>
    tpu.enqueue_dma source(%dma_start3A_170 : memref<128x128xf32, #tpu.memory_space<vmem_shared>>) target(%dma_start3A_168 : memref<128x128xf32, #tpu.memory_space<vmem>>) target_semaphore(%arg11 : memref<!tpu.dma_semaphore, #tpu.memory_space<semaphore_mem>>)
    %dma_wait3A_171 = arith.constant 0 : i32
    %dma_wait3A_172 = arith.constant 0 : i32
    %dma_wait3A_173 = arith.constant 0 : i32
    %dma_wait3A_174 = tpu.memref_slice %arg9[%dma_wait3A_171, %dma_wait3A_172, %dma_wait3A_173] : memref<2x128x128xf32, #tpu.memory_space<vmem>> -> memref<1x128x128xf32, #tpu.memory_space<vmem>>
    %dma_wait3A_175 = tpu.memref_squeeze %dma_wait3A_174 : memref<1x128x128xf32, #tpu.memory_space<vmem>> -> memref<128x128xf32, #tpu.memory_space<vmem>>
    %dma_wait3A_176 = arith.constant 0 : i32
    %dma_wait3A_177 = tpu.memref_slice %arg10[%add3A_157, %dma_wait3A_176] : memref<10240x128xf32, #tpu.memory_space<vmem_shared>> -> memref<128x128xf32, #tpu.memory_space<vmem_shared>>
    %dma_wait3A_178 = arith.constant 0 : i32
    %dma_wait3A_179 = arith.constant 0 : i32
    %dma_wait3A_180 = tpu.memref_slice %arg9[%dma_wait3A_171, %dma_wait3A_178, %dma_wait3A_179] : memref<2x128x128xf32, #tpu.memory_space<vmem>> -> memref<1x128x128xf32, #tpu.memory_space<vmem>>
    %dma_wait3A_181 = tpu.memref_squeeze %dma_wait3A_180 : memref<1x128x128xf32, #tpu.memory_space<vmem>> -> memref<128x128xf32, #tpu.memory_space<vmem>>
    %dma_wait3A_182 = arith.constant 0 : i32
    %dma_wait3A_183 = tpu.memref_slice %arg10[%add3A_157, %dma_wait3A_182] : memref<10240x128xf32, #tpu.memory_space<vmem_shared>> -> memref<128x128xf32, #tpu.memory_space<vmem_shared>>
    tpu.wait_dma2 semaphore(%arg11 : memref<!tpu.dma_semaphore, #tpu.memory_space<semaphore_mem>>) src(%dma_wait3A_183 : memref<128x128xf32, #tpu.memory_space<vmem_shared>>) dst(%dma_wait3A_181 : memref<128x128xf32, #tpu.memory_space<vmem>>)
    %mul3A_184 = arith.constant 10240 : i32
    %mul3A_185 = arith.muli %arg0, %mul3A_184 : i32
    %mul3A_186 = arith.constant 640 : i32
    %mul3A_187 = arith.muli %arg1, %mul3A_186 : i32
    %add3A_188 = arith.addi %mul3A_185, %mul3A_187 : i32
    %add3A_189 = arith.constant 0 : i32
    %add3A_190 = arith.addi %add3A_188, %add3A_189 : i32
    %dma_start3A_191 = arith.constant 0 : i32
    %dma_start3A_192 = arith.constant 0 : i32
    %dma_start3A_193 = arith.constant 0 : i32
    %dma_start3A_194 = tpu.memref_slice %arg9[%dma_start3A_191, %dma_start3A_192, %dma_start3A_193] : memref<2x128x128xf32, #tpu.memory_space<vmem>> -> memref<1x128x128xf32, #tpu.memory_space<vmem>>
    %dma_start3A_195 = tpu.memref_squeeze %dma_start3A_194 : memref<1x128x128xf32, #tpu.memory_space<vmem>> -> memref<128x128xf32, #tpu.memory_space<vmem>>
    %dma_start3A_196 = arith.constant 0 : i32
    %dma_start3A_197 = tpu.memref_slice %arg6[%add3A_190, %dma_start3A_196] : memref<20480x128xf32, #tpu.memory_space<hbm>> -> memref<128x128xf32, #tpu.memory_space<hbm>>
    %dma_start3A_198 = arith.constant 0 : i32
    %dma_start3A_199 = tpu.memref_slice %arg6[%add3A_190, %dma_start3A_198] : memref<20480x128xf32, #tpu.memory_space<hbm>> -> memref<128x128xf32, #tpu.memory_space<hbm>>
    %dma_start3A_200 = arith.constant 0 : i32
    %dma_start3A_201 = arith.constant 0 : i32
    %dma_start3A_202 = tpu.memref_slice %arg9[%dma_start3A_191, %dma_start3A_200, %dma_start3A_201] : memref<2x128x128xf32, #tpu.memory_space<vmem>> -> memref<1x128x128xf32, #tpu.memory_space<vmem>>
    %dma_start3A_203 = tpu.memref_squeeze %dma_start3A_202 : memref<1x128x128xf32, #tpu.memory_space<vmem>> -> memref<128x128xf32, #tpu.memory_space<vmem>>
    tpu.enqueue_dma source(%dma_start3A_203 : memref<128x128xf32, #tpu.memory_space<vmem>>) target(%dma_start3A_199 : memref<128x128xf32, #tpu.memory_space<hbm>>) target_semaphore(%arg13 : memref<!tpu.dma_semaphore, #tpu.memory_space<semaphore_mem>>)
    %mul3A_204 = arith.constant 640 : i32
    %mul3A_205 = arith.muli %arg1, %mul3A_204 : i32
    %add3A_206 = arith.constant 128 : i32
    %add3A_207 = arith.addi %mul3A_205, %add3A_206 : i32
    %dma_start3A_208 = arith.constant 1 : i32
    %dma_start3A_209 = arith.constant 0 : i32
    %dma_start3A_210 = arith.constant 0 : i32
    %dma_start3A_211 = tpu.memref_slice %arg9[%dma_start3A_208, %dma_start3A_209, %dma_start3A_210] : memref<2x128x128xf32, #tpu.memory_space<vmem>> -> memref<1x128x128xf32, #tpu.memory_space<vmem>>
    %dma_start3A_212 = tpu.memref_squeeze %dma_start3A_211 : memref<1x128x128xf32, #tpu.memory_space<vmem>> -> memref<128x128xf32, #tpu.memory_space<vmem>>
    %dma_start3A_213 = arith.constant 0 : i32
    %dma_start3A_214 = tpu.memref_slice %arg10[%add3A_207, %dma_start3A_213] : memref<10240x128xf32, #tpu.memory_space<vmem_shared>> -> memref<128x128xf32, #tpu.memory_space<vmem_shared>>
    %dma_start3A_215 = arith.constant 0 : i32
    %dma_start3A_216 = arith.constant 0 : i32
    %dma_start3A_217 = tpu.memref_slice %arg9[%dma_start3A_208, %dma_start3A_215, %dma_start3A_216] : memref<2x128x128xf32, #tpu.memory_space<vmem>> -> memref<1x128x128xf32, #tpu.memory_space<vmem>>
    %dma_start3A_218 = tpu.memref_squeeze %dma_start3A_217 : memref<1x128x128xf32, #tpu.memory_space<vmem>> -> memref<128x128xf32, #tpu.memory_space<vmem>>
    %dma_start3A_219 = arith.constant 0 : i32
    %dma_start3A_220 = tpu.memref_slice %arg10[%add3A_207, %dma_start3A_219] : memref<10240x128xf32, #tpu.memory_space<vmem_shared>> -> memref<128x128xf32, #tpu.memory_space<vmem_shared>>
    tpu.enqueue_dma source(%dma_start3A_220 : memref<128x128xf32, #tpu.memory_space<vmem_shared>>) target(%dma_start3A_218 : memref<128x128xf32, #tpu.memory_space<vmem>>) target_semaphore(%arg12 : memref<!tpu.dma_semaphore, #tpu.memory_space<semaphore_mem>>)
    %dma_wait3A_221 = arith.constant 1 : i32
    %dma_wait3A_222 = arith.constant 0 : i32
    %dma_wait3A_223 = arith.constant 0 : i32
    %dma_wait3A_224 = tpu.memref_slice %arg9[%dma_wait3A_221, %dma_wait3A_222, %dma_wait3A_223] : memref<2x128x128xf32, #tpu.memory_space<vmem>> -> memref<1x128x128xf32, #tpu.memory_space<vmem>>
    %dma_wait3A_225 = tpu.memref_squeeze %dma_wait3A_224 : memref<1x128x128xf32, #tpu.memory_space<vmem>> -> memref<128x128xf32, #tpu.memory_space<vmem>>
    %dma_wait3A_226 = arith.constant 0 : i32
    %dma_wait3A_227 = tpu.memref_slice %arg10[%add3A_207, %dma_wait3A_226] : memref<10240x128xf32, #tpu.memory_space<vmem_shared>> -> memref<128x128xf32, #tpu.memory_space<vmem_shared>>
    %dma_wait3A_228 = arith.constant 0 : i32
    %dma_wait3A_229 = arith.constant 0 : i32
    %dma_wait3A_230 = tpu.memref_slice %arg9[%dma_wait3A_221, %dma_wait3A_228, %dma_wait3A_229] : memref<2x128x128xf32, #tpu.memory_space<vmem>> -> memref<1x128x128xf32, #tpu.memory_space<vmem>>
    %dma_wait3A_231 = tpu.memref_squeeze %dma_wait3A_230 : memref<1x128x128xf32, #tpu.memory_space<vmem>> -> memref<128x128xf32, #tpu.memory_space<vmem>>
    %dma_wait3A_232 = arith.constant 0 : i32
    %dma_wait3A_233 = tpu.memref_slice %arg10[%add3A_207, %dma_wait3A_232] : memref<10240x128xf32, #tpu.memory_space<vmem_shared>> -> memref<128x128xf32, #tpu.memory_space<vmem_shared>>
    tpu.wait_dma2 semaphore(%arg12 : memref<!tpu.dma_semaphore, #tpu.memory_space<semaphore_mem>>) src(%dma_wait3A_233 : memref<128x128xf32, #tpu.memory_space<vmem_shared>>) dst(%dma_wait3A_231 : memref<128x128xf32, #tpu.memory_space<vmem>>)
    %mul3A_234 = arith.constant 10240 : i32
    %mul3A_235 = arith.muli %arg0, %mul3A_234 : i32
    %mul3A_236 = arith.constant 640 : i32
    %mul3A_237 = arith.muli %arg1, %mul3A_236 : i32
    %add3A_238 = arith.addi %mul3A_235, %mul3A_237 : i32
    %add3A_239 = arith.constant 128 : i32
    %add3A_240 = arith.addi %add3A_238, %add3A_239 : i32
    %dma_start3A_241 = arith.constant 1 : i32
    %dma_start3A_242 = arith.constant 0 : i32
    %dma_start3A_243 = arith.constant 0 : i32
    %dma_start3A_244 = tpu.memref_slice %arg9[%dma_start3A_241, %dma_start3A_242, %dma_start3A_243] : memref<2x128x128xf32, #tpu.memory_space<vmem>> -> memref<1x128x128xf32, #tpu.memory_space<vmem>>
    %dma_start3A_245 = tpu.memref_squeeze %dma_start3A_244 : memref<1x128x128xf32, #tpu.memory_space<vmem>> -> memref<128x128xf32, #tpu.memory_space<vmem>>
    %dma_start3A_246 = arith.constant 0 : i32
    %dma_start3A_247 = tpu.memref_slice %arg6[%add3A_240, %dma_start3A_246] : memref<20480x128xf32, #tpu.memory_space<hbm>> -> memref<128x128xf32, #tpu.memory_space<hbm>>
    %dma_start3A_248 = arith.constant 0 : i32
    %dma_start3A_249 = tpu.memref_slice %arg6[%add3A_240, %dma_start3A_248] : memref<20480x128xf32, #tpu.memory_space<hbm>> -> memref<128x128xf32, #tpu.memory_space<hbm>>
    %dma_start3A_250 = arith.constant 0 : i32
    %dma_start3A_251 = arith.constant 0 : i32
    %dma_start3A_252 = tpu.memref_slice %arg9[%dma_start3A_241, %dma_start3A_250, %dma_start3A_251] : memref<2x128x128xf32, #tpu.memory_space<vmem>> -> memref<1x128x128xf32, #tpu.memory_space<vmem>>
    %dma_start3A_253 = tpu.memref_squeeze %dma_start3A_252 : memref<1x128x128xf32, #tpu.memory_space<vmem>> -> memref<128x128xf32, #tpu.memory_space<vmem>>
    tpu.enqueue_dma source(%dma_start3A_253 : memref<128x128xf32, #tpu.memory_space<vmem>>) target(%dma_start3A_249 : memref<128x128xf32, #tpu.memory_space<hbm>>) target_semaphore(%arg14 : memref<!tpu.dma_semaphore, #tpu.memory_space<semaphore_mem>>)
    %dma_wait3A_254 = arith.constant 0 : i32
    %dma_wait3A_255 = arith.constant 0 : i32
    %dma_wait3A_256 = arith.constant 0 : i32
    %dma_wait3A_257 = tpu.memref_slice %arg9[%dma_wait3A_254, %dma_wait3A_255, %dma_wait3A_256] : memref<2x128x128xf32, #tpu.memory_space<vmem>> -> memref<1x128x128xf32, #tpu.memory_space<vmem>>
    %dma_wait3A_258 = tpu.memref_squeeze %dma_wait3A_257 : memref<1x128x128xf32, #tpu.memory_space<vmem>> -> memref<128x128xf32, #tpu.memory_space<vmem>>
    %dma_wait3A_259 = arith.constant 0 : i32
    %dma_wait3A_260 = tpu.memref_slice %arg6[%add3A_190, %dma_wait3A_259] : memref<20480x128xf32, #tpu.memory_space<hbm>> -> memref<128x128xf32, #tpu.memory_space<hbm>>
    %dma_wait3A_261 = arith.constant 0 : i32
    %dma_wait3A_262 = tpu.memref_slice %arg6[%add3A_190, %dma_wait3A_261] : memref<20480x128xf32, #tpu.memory_space<hbm>> -> memref<128x128xf32, #tpu.memory_space<hbm>>
    %dma_wait3A_263 = arith.constant 0 : i32
    %dma_wait3A_264 = arith.constant 0 : i32
    %dma_wait3A_265 = tpu.memref_slice %arg9[%dma_wait3A_254, %dma_wait3A_263, %dma_wait3A_264] : memref<2x128x128xf32, #tpu.memory_space<vmem>> -> memref<1x128x128xf32, #tpu.memory_space<vmem>>
    %dma_wait3A_266 = tpu.memref_squeeze %dma_wait3A_265 : memref<1x128x128xf32, #tpu.memory_space<vmem>> -> memref<128x128xf32, #tpu.memory_space<vmem>>
    tpu.wait_dma2 semaphore(%arg13 : memref<!tpu.dma_semaphore, #tpu.memory_space<semaphore_mem>>) src(%dma_wait3A_266 : memref<128x128xf32, #tpu.memory_space<vmem>>) dst(%dma_wait3A_262 : memref<128x128xf32, #tpu.memory_space<hbm>>)
    %mul3A_267 = arith.constant 640 : i32
    %mul3A_268 = arith.muli %arg1, %mul3A_267 : i32
    %add3A_269 = arith.constant 256 : i32
    %add3A_270 = arith.addi %mul3A_268, %add3A_269 : i32
    %dma_start3A_271 = arith.constant 0 : i32
    %dma_start3A_272 = arith.constant 0 : i32
    %dma_start3A_273 = arith.constant 0 : i32
    %dma_start3A_274 = tpu.memref_slice %arg9[%dma_start3A_271, %dma_start3A_272, %dma_start3A_273] : memref<2x128x128xf32, #tpu.memory_space<vmem>> -> memref<1x128x128xf32, #tpu.memory_space<vmem>>
    %dma_start3A_275 = tpu.memref_squeeze %dma_start3A_274 : memref<1x128x128xf32, #tpu.memory_space<vmem>> -> memref<128x128xf32, #tpu.memory_space<vmem>>
    %dma_start3A_276 = arith.constant 0 : i32
    %dma_start3A_277 = tpu.memref_slice %arg10[%add3A_270, %dma_start3A_276] : memref<10240x128xf32, #tpu.memory_space<vmem_shared>> -> memref<128x128xf32, #tpu.memory_space<vmem_shared>>
    %dma_start3A_278 = arith.constant 0 : i32
    %dma_start3A_279 = arith.constant 0 : i32
    %dma_start3A_280 = tpu.memref_slice %arg9[%dma_start3A_271, %dma_start3A_278, %dma_start3A_279] : memref<2x128x128xf32, #tpu.memory_space<vmem>> -> memref<1x128x128xf32, #tpu.memory_space<vmem>>
    %dma_start3A_281 = tpu.memref_squeeze %dma_start3A_280 : memref<1x128x128xf32, #tpu.memory_space<vmem>> -> memref<128x128xf32, #tpu.memory_space<vmem>>
    %dma_start3A_282 = arith.constant 0 : i32
    %dma_start3A_283 = tpu.memref_slice %arg10[%add3A_270, %dma_start3A_282] : memref<10240x128xf32, #tpu.memory_space<vmem_shared>> -> memref<128x128xf32, #tpu.memory_space<vmem_shared>>
    tpu.enqueue_dma source(%dma_start3A_283 : memref<128x128xf32, #tpu.memory_space<vmem_shared>>) target(%dma_start3A_281 : memref<128x128xf32, #tpu.memory_space<vmem>>) target_semaphore(%arg11 : memref<!tpu.dma_semaphore, #tpu.memory_space<semaphore_mem>>)
    %dma_wait3A_284 = arith.constant 0 : i32
    %dma_wait3A_285 = arith.constant 0 : i32
    %dma_wait3A_286 = arith.constant 0 : i32
    %dma_wait3A_287 = tpu.memref_slice %arg9[%dma_wait3A_284, %dma_wait3A_285, %dma_wait3A_286] : memref<2x128x128xf32, #tpu.memory_space<vmem>> -> memref<1x128x128xf32, #tpu.memory_space<vmem>>
    %dma_wait3A_288 = tpu.memref_squeeze %dma_wait3A_287 : memref<1x128x128xf32, #tpu.memory_space<vmem>> -> memref<128x128xf32, #tpu.memory_space<vmem>>
    %dma_wait3A_289 = arith.constant 0 : i32
    %dma_wait3A_290 = tpu.memref_slice %arg10[%add3A_270, %dma_wait3A_289] : memref<10240x128xf32, #tpu.memory_space<vmem_shared>> -> memref<128x128xf32, #tpu.memory_space<vmem_shared>>
    %dma_wait3A_291 = arith.constant 0 : i32
    %dma_wait3A_292 = arith.constant 0 : i32
    %dma_wait3A_293 = tpu.memref_slice %arg9[%dma_wait3A_284, %dma_wait3A_291, %dma_wait3A_292] : memref<2x128x128xf32, #tpu.memory_space<vmem>> -> memref<1x128x128xf32, #tpu.memory_space<vmem>>
    %dma_wait3A_294 = tpu.memref_squeeze %dma_wait3A_293 : memref<1x128x128xf32, #tpu.memory_space<vmem>> -> memref<128x128xf32, #tpu.memory_space<vmem>>
    %dma_wait3A_295 = arith.constant 0 : i32
    %dma_wait3A_296 = tpu.memref_slice %arg10[%add3A_270, %dma_wait3A_295] : memref<10240x128xf32, #tpu.memory_space<vmem_shared>> -> memref<128x128xf32, #tpu.memory_space<vmem_shared>>
    tpu.wait_dma2 semaphore(%arg11 : memref<!tpu.dma_semaphore, #tpu.memory_space<semaphore_mem>>) src(%dma_wait3A_296 : memref<128x128xf32, #tpu.memory_space<vmem_shared>>) dst(%dma_wait3A_294 : memref<128x128xf32, #tpu.memory_space<vmem>>)
    %mul3A_297 = arith.constant 10240 : i32
    %mul3A_298 = arith.muli %arg0, %mul3A_297 : i32
    %mul3A_299 = arith.constant 640 : i32
    %mul3A_300 = arith.muli %arg1, %mul3A_299 : i32
    %add3A_301 = arith.addi %mul3A_298, %mul3A_300 : i32
    %add3A_302 = arith.constant 256 : i32
    %add3A_303 = arith.addi %add3A_301, %add3A_302 : i32
    %dma_start3A_304 = arith.constant 0 : i32
    %dma_start3A_305 = arith.constant 0 : i32
    %dma_start3A_306 = arith.constant 0 : i32
    %dma_start3A_307 = tpu.memref_slice %arg9[%dma_start3A_304, %dma_start3A_305, %dma_start3A_306] : memref<2x128x128xf32, #tpu.memory_space<vmem>> -> memref<1x128x128xf32, #tpu.memory_space<vmem>>
    %dma_start3A_308 = tpu.memref_squeeze %dma_start3A_307 : memref<1x128x128xf32, #tpu.memory_space<vmem>> -> memref<128x128xf32, #tpu.memory_space<vmem>>
    %dma_start3A_309 = arith.constant 0 : i32
    %dma_start3A_310 = tpu.memref_slice %arg6[%add3A_303, %dma_start3A_309] : memref<20480x128xf32, #tpu.memory_space<hbm>> -> memref<128x128xf32, #tpu.memory_space<hbm>>
    %dma_start3A_311 = arith.constant 0 : i32
    %dma_start3A_312 = tpu.memref_slice %arg6[%add3A_303, %dma_start3A_311] : memref<20480x128xf32, #tpu.memory_space<hbm>> -> memref<128x128xf32, #tpu.memory_space<hbm>>
    %dma_start3A_313 = arith.constant 0 : i32
    %dma_start3A_314 = arith.constant 0 : i32
    %dma_start3A_315 = tpu.memref_slice %arg9[%dma_start3A_304, %dma_start3A_313, %dma_start3A_314] : memref<2x128x128xf32, #tpu.memory_space<vmem>> -> memref<1x128x128xf32, #tpu.memory_space<vmem>>
    %dma_start3A_316 = tpu.memref_squeeze %dma_start3A_315 : memref<1x128x128xf32, #tpu.memory_space<vmem>> -> memref<128x128xf32, #tpu.memory_space<vmem>>
    tpu.enqueue_dma source(%dma_start3A_316 : memref<128x128xf32, #tpu.memory_space<vmem>>) target(%dma_start3A_312 : memref<128x128xf32, #tpu.memory_space<hbm>>) target_semaphore(%arg13 : memref<!tpu.dma_semaphore, #tpu.memory_space<semaphore_mem>>)
    %dma_wait3A_317 = arith.constant 1 : i32
    %dma_wait3A_318 = arith.constant 0 : i32
    %dma_wait3A_319 = arith.constant 0 : i32
    %dma_wait3A_320 = tpu.memref_slice %arg9[%dma_wait3A_317, %dma_wait3A_318, %dma_wait3A_319] : memref<2x128x128xf32, #tpu.memory_space<vmem>> -> memref<1x128x128xf32, #tpu.memory_space<vmem>>
    %dma_wait3A_321 = tpu.memref_squeeze %dma_wait3A_320 : memref<1x128x128xf32, #tpu.memory_space<vmem>> -> memref<128x128xf32, #tpu.memory_space<vmem>>
    %dma_wait3A_322 = arith.constant 0 : i32
    %dma_wait3A_323 = tpu.memref_slice %arg6[%add3A_240, %dma_wait3A_322] : memref<20480x128xf32, #tpu.memory_space<hbm>> -> memref<128x128xf32, #tpu.memory_space<hbm>>
    %dma_wait3A_324 = arith.constant 0 : i32
    %dma_wait3A_325 = tpu.memref_slice %arg6[%add3A_240, %dma_wait3A_324] : memref<20480x128xf32, #tpu.memory_space<hbm>> -> memref<128x128xf32, #tpu.memory_space<hbm>>
    %dma_wait3A_326 = arith.constant 0 : i32
    %dma_wait3A_327 = arith.constant 0 : i32
    %dma_wait3A_328 = tpu.memref_slice %arg9[%dma_wait3A_317, %dma_wait3A_326, %dma_wait3A_327] : memref<2x128x128xf32, #tpu.memory_space<vmem>> -> memref<1x128x128xf32, #tpu.memory_space<vmem>>
    %dma_wait3A_329 = tpu.memref_squeeze %dma_wait3A_328 : memref<1x128x128xf32, #tpu.memory_space<vmem>> -> memref<128x128xf32, #tpu.memory_space<vmem>>
    tpu.wait_dma2 semaphore(%arg14 : memref<!tpu.dma_semaphore, #tpu.memory_space<semaphore_mem>>) src(%dma_wait3A_329 : memref<128x128xf32, #tpu.memory_space<vmem>>) dst(%dma_wait3A_325 : memref<128x128xf32, #tpu.memory_space<hbm>>)
    %mul3A_330 = arith.constant 640 : i32
    %mul3A_331 = arith.muli %arg1, %mul3A_330 : i32
    %add3A_332 = arith.constant 384 : i32
    %add3A_333 = arith.addi %mul3A_331, %add3A_332 : i32
    %dma_start3A_334 = arith.constant 1 : i32
    %dma_start3A_335 = arith.constant 0 : i32
    %dma_start3A_336 = arith.constant 0 : i32
    %dma_start3A_337 = tpu.memref_slice %arg9[%dma_start3A_334, %dma_start3A_335, %dma_start3A_336] : memref<2x128x128xf32, #tpu.memory_space<vmem>> -> memref<1x128x128xf32, #tpu.memory_space<vmem>>
    %dma_start3A_338 = tpu.memref_squeeze %dma_start3A_337 : memref<1x128x128xf32, #tpu.memory_space<vmem>> -> memref<128x128xf32, #tpu.memory_space<vmem>>
    %dma_start3A_339 = arith.constant 0 : i32
    %dma_start3A_340 = tpu.memref_slice %arg10[%add3A_333, %dma_start3A_339] : memref<10240x128xf32, #tpu.memory_space<vmem_shared>> -> memref<128x128xf32, #tpu.memory_space<vmem_shared>>
    %dma_start3A_341 = arith.constant 0 : i32
    %dma_start3A_342 = arith.constant 0 : i32
    %dma_start3A_343 = tpu.memref_slice %arg9[%dma_start3A_334, %dma_start3A_341, %dma_start3A_342] : memref<2x128x128xf32, #tpu.memory_space<vmem>> -> memref<1x128x128xf32, #tpu.memory_space<vmem>>
    %dma_start3A_344 = tpu.memref_squeeze %dma_start3A_343 : memref<1x128x128xf32, #tpu.memory_space<vmem>> -> memref<128x128xf32, #tpu.memory_space<vmem>>
    %dma_start3A_345 = arith.constant 0 : i32
    %dma_start3A_346 = tpu.memref_slice %arg10[%add3A_333, %dma_start3A_345] : memref<10240x128xf32, #tpu.memory_space<vmem_shared>> -> memref<128x128xf32, #tpu.memory_space<vmem_shared>>
    tpu.enqueue_dma source(%dma_start3A_346 : memref<128x128xf32, #tpu.memory_space<vmem_shared>>) target(%dma_start3A_344 : memref<128x128xf32, #tpu.memory_space<vmem>>) target_semaphore(%arg12 : memref<!tpu.dma_semaphore, #tpu.memory_space<semaphore_mem>>)
    %dma_wait3A_347 = arith.constant 1 : i32
    %dma_wait3A_348 = arith.constant 0 : i32
    %dma_wait3A_349 = arith.constant 0 : i32
    %dma_wait3A_350 = tpu.memref_slice %arg9[%dma_wait3A_347, %dma_wait3A_348, %dma_wait3A_349] : memref<2x128x128xf32, #tpu.memory_space<vmem>> -> memref<1x128x128xf32, #tpu.memory_space<vmem>>
    %dma_wait3A_351 = tpu.memref_squeeze %dma_wait3A_350 : memref<1x128x128xf32, #tpu.memory_space<vmem>> -> memref<128x128xf32, #tpu.memory_space<vmem>>
    %dma_wait3A_352 = arith.constant 0 : i32
    %dma_wait3A_353 = tpu.memref_slice %arg10[%add3A_333, %dma_wait3A_352] : memref<10240x128xf32, #tpu.memory_space<vmem_shared>> -> memref<128x128xf32, #tpu.memory_space<vmem_shared>>
    %dma_wait3A_354 = arith.constant 0 : i32
    %dma_wait3A_355 = arith.constant 0 : i32
    %dma_wait3A_356 = tpu.memref_slice %arg9[%dma_wait3A_347, %dma_wait3A_354, %dma_wait3A_355] : memref<2x128x128xf32, #tpu.memory_space<vmem>> -> memref<1x128x128xf32, #tpu.memory_space<vmem>>
    %dma_wait3A_357 = tpu.memref_squeeze %dma_wait3A_356 : memref<1x128x128xf32, #tpu.memory_space<vmem>> -> memref<128x128xf32, #tpu.memory_space<vmem>>
    %dma_wait3A_358 = arith.constant 0 : i32
    %dma_wait3A_359 = tpu.memref_slice %arg10[%add3A_333, %dma_wait3A_358] : memref<10240x128xf32, #tpu.memory_space<vmem_shared>> -> memref<128x128xf32, #tpu.memory_space<vmem_shared>>
    tpu.wait_dma2 semaphore(%arg12 : memref<!tpu.dma_semaphore, #tpu.memory_space<semaphore_mem>>) src(%dma_wait3A_359 : memref<128x128xf32, #tpu.memory_space<vmem_shared>>) dst(%dma_wait3A_357 : memref<128x128xf32, #tpu.memory_space<vmem>>)
    %mul3A_360 = arith.constant 10240 : i32
    %mul3A_361 = arith.muli %arg0, %mul3A_360 : i32
    %mul3A_362 = arith.constant 640 : i32
    %mul3A_363 = arith.muli %arg1, %mul3A_362 : i32
    %add3A_364 = arith.addi %mul3A_361, %mul3A_363 : i32
    %add3A_365 = arith.constant 384 : i32
    %add3A_366 = arith.addi %add3A_364, %add3A_365 : i32
    %dma_start3A_367 = arith.constant 1 : i32
    %dma_start3A_368 = arith.constant 0 : i32
    %dma_start3A_369 = arith.constant 0 : i32
    %dma_start3A_370 = tpu.memref_slice %arg9[%dma_start3A_367, %dma_start3A_368, %dma_start3A_369] : memref<2x128x128xf32, #tpu.memory_space<vmem>> -> memref<1x128x128xf32, #tpu.memory_space<vmem>>
    %dma_start3A_371 = tpu.memref_squeeze %dma_start3A_370 : memref<1x128x128xf32, #tpu.memory_space<vmem>> -> memref<128x128xf32, #tpu.memory_space<vmem>>
    %dma_start3A_372 = arith.constant 0 : i32
    %dma_start3A_373 = tpu.memref_slice %arg6[%add3A_366, %dma_start3A_372] : memref<20480x128xf32, #tpu.memory_space<hbm>> -> memref<128x128xf32, #tpu.memory_space<hbm>>
    %dma_start3A_374 = arith.constant 0 : i32
    %dma_start3A_375 = tpu.memref_slice %arg6[%add3A_366, %dma_start3A_374] : memref<20480x128xf32, #tpu.memory_space<hbm>> -> memref<128x128xf32, #tpu.memory_space<hbm>>
    %dma_start3A_376 = arith.constant 0 : i32
    %dma_start3A_377 = arith.constant 0 : i32
    %dma_start3A_378 = tpu.memref_slice %arg9[%dma_start3A_367, %dma_start3A_376, %dma_start3A_377] : memref<2x128x128xf32, #tpu.memory_space<vmem>> -> memref<1x128x128xf32, #tpu.memory_space<vmem>>
    %dma_start3A_379 = tpu.memref_squeeze %dma_start3A_378 : memref<1x128x128xf32, #tpu.memory_space<vmem>> -> memref<128x128xf32, #tpu.memory_space<vmem>>
    tpu.enqueue_dma source(%dma_start3A_379 : memref<128x128xf32, #tpu.memory_space<vmem>>) target(%dma_start3A_375 : memref<128x128xf32, #tpu.memory_space<hbm>>) target_semaphore(%arg14 : memref<!tpu.dma_semaphore, #tpu.memory_space<semaphore_mem>>)
    %dma_wait3A_380 = arith.constant 0 : i32
    %dma_wait3A_381 = arith.constant 0 : i32
    %dma_wait3A_382 = arith.constant 0 : i32
    %dma_wait3A_383 = tpu.memref_slice %arg9[%dma_wait3A_380, %dma_wait3A_381, %dma_wait3A_382] : memref<2x128x128xf32, #tpu.memory_space<vmem>> -> memref<1x128x128xf32, #tpu.memory_space<vmem>>
    %dma_wait3A_384 = tpu.memref_squeeze %dma_wait3A_383 : memref<1x128x128xf32, #tpu.memory_space<vmem>> -> memref<128x128xf32, #tpu.memory_space<vmem>>
    %dma_wait3A_385 = arith.constant 0 : i32
    %dma_wait3A_386 = tpu.memref_slice %arg6[%add3A_303, %dma_wait3A_385] : memref<20480x128xf32, #tpu.memory_space<hbm>> -> memref<128x128xf32, #tpu.memory_space<hbm>>
    %dma_wait3A_387 = arith.constant 0 : i32
    %dma_wait3A_388 = tpu.memref_slice %arg6[%add3A_303, %dma_wait3A_387] : memref<20480x128xf32, #tpu.memory_space<hbm>> -> memref<128x128xf32, #tpu.memory_space<hbm>>
    %dma_wait3A_389 = arith.constant 0 : i32
    %dma_wait3A_390 = arith.constant 0 : i32
    %dma_wait3A_391 = tpu.memref_slice %arg9[%dma_wait3A_380, %dma_wait3A_389, %dma_wait3A_390] : memref<2x128x128xf32, #tpu.memory_space<vmem>> -> memref<1x128x128xf32, #tpu.memory_space<vmem>>
    %dma_wait3A_392 = tpu.memref_squeeze %dma_wait3A_391 : memref<1x128x128xf32, #tpu.memory_space<vmem>> -> memref<128x128xf32, #tpu.memory_space<vmem>>
    tpu.wait_dma2 semaphore(%arg13 : memref<!tpu.dma_semaphore, #tpu.memory_space<semaphore_mem>>) src(%dma_wait3A_392 : memref<128x128xf32, #tpu.memory_space<vmem>>) dst(%dma_wait3A_388 : memref<128x128xf32, #tpu.memory_space<hbm>>)
    %mul3A_393 = arith.constant 640 : i32
    %mul3A_394 = arith.muli %arg1, %mul3A_393 : i32
    %add3A_395 = arith.constant 512 : i32
    %add3A_396 = arith.addi %mul3A_394, %add3A_395 : i32
    %dma_start3A_397 = arith.constant 0 : i32
    %dma_start3A_398 = arith.constant 0 : i32
    %dma_start3A_399 = arith.constant 0 : i32
    %dma_start3A_400 = tpu.memref_slice %arg9[%dma_start3A_397, %dma_start3A_398, %dma_start3A_399] : memref<2x128x128xf32, #tpu.memory_space<vmem>> -> memref<1x128x128xf32, #tpu.memory_space<vmem>>
    %dma_start3A_401 = tpu.memref_squeeze %dma_start3A_400 : memref<1x128x128xf32, #tpu.memory_space<vmem>> -> memref<128x128xf32, #tpu.memory_space<vmem>>
    %dma_start3A_402 = arith.constant 0 : i32
    %dma_start3A_403 = tpu.memref_slice %arg10[%add3A_396, %dma_start3A_402] : memref<10240x128xf32, #tpu.memory_space<vmem_shared>> -> memref<128x128xf32, #tpu.memory_space<vmem_shared>>
    %dma_start3A_404 = arith.constant 0 : i32
    %dma_start3A_405 = arith.constant 0 : i32
    %dma_start3A_406 = tpu.memref_slice %arg9[%dma_start3A_397, %dma_start3A_404, %dma_start3A_405] : memref<2x128x128xf32, #tpu.memory_space<vmem>> -> memref<1x128x128xf32, #tpu.memory_space<vmem>>
    %dma_start3A_407 = tpu.memref_squeeze %dma_start3A_406 : memref<1x128x128xf32, #tpu.memory_space<vmem>> -> memref<128x128xf32, #tpu.memory_space<vmem>>
    %dma_start3A_408 = arith.constant 0 : i32
    %dma_start3A_409 = tpu.memref_slice %arg10[%add3A_396, %dma_start3A_408] : memref<10240x128xf32, #tpu.memory_space<vmem_shared>> -> memref<128x128xf32, #tpu.memory_space<vmem_shared>>
    tpu.enqueue_dma source(%dma_start3A_409 : memref<128x128xf32, #tpu.memory_space<vmem_shared>>) target(%dma_start3A_407 : memref<128x128xf32, #tpu.memory_space<vmem>>) target_semaphore(%arg11 : memref<!tpu.dma_semaphore, #tpu.memory_space<semaphore_mem>>)
    %dma_wait3A_410 = arith.constant 0 : i32
    %dma_wait3A_411 = arith.constant 0 : i32
    %dma_wait3A_412 = arith.constant 0 : i32
    %dma_wait3A_413 = tpu.memref_slice %arg9[%dma_wait3A_410, %dma_wait3A_411, %dma_wait3A_412] : memref<2x128x128xf32, #tpu.memory_space<vmem>> -> memref<1x128x128xf32, #tpu.memory_space<vmem>>
    %dma_wait3A_414 = tpu.memref_squeeze %dma_wait3A_413 : memref<1x128x128xf32, #tpu.memory_space<vmem>> -> memref<128x128xf32, #tpu.memory_space<vmem>>
    %dma_wait3A_415 = arith.constant 0 : i32
    %dma_wait3A_416 = tpu.memref_slice %arg10[%add3A_396, %dma_wait3A_415] : memref<10240x128xf32, #tpu.memory_space<vmem_shared>> -> memref<128x128xf32, #tpu.memory_space<vmem_shared>>
    %dma_wait3A_417 = arith.constant 0 : i32
    %dma_wait3A_418 = arith.constant 0 : i32
    %dma_wait3A_419 = tpu.memref_slice %arg9[%dma_wait3A_410, %dma_wait3A_417, %dma_wait3A_418] : memref<2x128x128xf32, #tpu.memory_space<vmem>> -> memref<1x128x128xf32, #tpu.memory_space<vmem>>
    %dma_wait3A_420 = tpu.memref_squeeze %dma_wait3A_419 : memref<1x128x128xf32, #tpu.memory_space<vmem>> -> memref<128x128xf32, #tpu.memory_space<vmem>>
    %dma_wait3A_421 = arith.constant 0 : i32
    %dma_wait3A_422 = tpu.memref_slice %arg10[%add3A_396, %dma_wait3A_421] : memref<10240x128xf32, #tpu.memory_space<vmem_shared>> -> memref<128x128xf32, #tpu.memory_space<vmem_shared>>
    tpu.wait_dma2 semaphore(%arg11 : memref<!tpu.dma_semaphore, #tpu.memory_space<semaphore_mem>>) src(%dma_wait3A_422 : memref<128x128xf32, #tpu.memory_space<vmem_shared>>) dst(%dma_wait3A_420 : memref<128x128xf32, #tpu.memory_space<vmem>>)
    %mul3A_423 = arith.constant 10240 : i32
    %mul3A_424 = arith.muli %arg0, %mul3A_423 : i32
    %mul3A_425 = arith.constant 640 : i32
    %mul3A_426 = arith.muli %arg1, %mul3A_425 : i32
    %add3A_427 = arith.addi %mul3A_424, %mul3A_426 : i32
    %add3A_428 = arith.constant 512 : i32
    %add3A_429 = arith.addi %add3A_427, %add3A_428 : i32
    %dma_start3A_430 = arith.constant 0 : i32
    %dma_start3A_431 = arith.constant 0 : i32
    %dma_start3A_432 = arith.constant 0 : i32
    %dma_start3A_433 = tpu.memref_slice %arg9[%dma_start3A_430, %dma_start3A_431, %dma_start3A_432] : memref<2x128x128xf32, #tpu.memory_space<vmem>> -> memref<1x128x128xf32, #tpu.memory_space<vmem>>
    %dma_start3A_434 = tpu.memref_squeeze %dma_start3A_433 : memref<1x128x128xf32, #tpu.memory_space<vmem>> -> memref<128x128xf32, #tpu.memory_space<vmem>>
    %dma_start3A_435 = arith.constant 0 : i32
    %dma_start3A_436 = tpu.memref_slice %arg6[%add3A_429, %dma_start3A_435] : memref<20480x128xf32, #tpu.memory_space<hbm>> -> memref<128x128xf32, #tpu.memory_space<hbm>>
    %dma_start3A_437 = arith.constant 0 : i32
    %dma_start3A_438 = tpu.memref_slice %arg6[%add3A_429, %dma_start3A_437] : memref<20480x128xf32, #tpu.memory_space<hbm>> -> memref<128x128xf32, #tpu.memory_space<hbm>>
    %dma_start3A_439 = arith.constant 0 : i32
    %dma_start3A_440 = arith.constant 0 : i32
    %dma_start3A_441 = tpu.memref_slice %arg9[%dma_start3A_430, %dma_start3A_439, %dma_start3A_440] : memref<2x128x128xf32, #tpu.memory_space<vmem>> -> memref<1x128x128xf32, #tpu.memory_space<vmem>>
    %dma_start3A_442 = tpu.memref_squeeze %dma_start3A_441 : memref<1x128x128xf32, #tpu.memory_space<vmem>> -> memref<128x128xf32, #tpu.memory_space<vmem>>
    tpu.enqueue_dma source(%dma_start3A_442 : memref<128x128xf32, #tpu.memory_space<vmem>>) target(%dma_start3A_438 : memref<128x128xf32, #tpu.memory_space<hbm>>) target_semaphore(%arg13 : memref<!tpu.dma_semaphore, #tpu.memory_space<semaphore_mem>>)
    %dma_wait3A_443 = arith.constant 1 : i32
    %dma_wait3A_444 = arith.constant 0 : i32
    %dma_wait3A_445 = arith.constant 0 : i32
    %dma_wait3A_446 = tpu.memref_slice %arg9[%dma_wait3A_443, %dma_wait3A_444, %dma_wait3A_445] : memref<2x128x128xf32, #tpu.memory_space<vmem>> -> memref<1x128x128xf32, #tpu.memory_space<vmem>>
    %dma_wait3A_447 = tpu.memref_squeeze %dma_wait3A_446 : memref<1x128x128xf32, #tpu.memory_space<vmem>> -> memref<128x128xf32, #tpu.memory_space<vmem>>
    %dma_wait3A_448 = arith.constant 0 : i32
    %dma_wait3A_449 = tpu.memref_slice %arg6[%add3A_366, %dma_wait3A_448] : memref<20480x128xf32, #tpu.memory_space<hbm>> -> memref<128x128xf32, #tpu.memory_space<hbm>>
    %dma_wait3A_450 = arith.constant 0 : i32
    %dma_wait3A_451 = tpu.memref_slice %arg6[%add3A_366, %dma_wait3A_450] : memref<20480x128xf32, #tpu.memory_space<hbm>> -> memref<128x128xf32, #tpu.memory_space<hbm>>
    %dma_wait3A_452 = arith.constant 0 : i32
    %dma_wait3A_453 = arith.constant 0 : i32
    %dma_wait3A_454 = tpu.memref_slice %arg9[%dma_wait3A_443, %dma_wait3A_452, %dma_wait3A_453] : memref<2x128x128xf32, #tpu.memory_space<vmem>> -> memref<1x128x128xf32, #tpu.memory_space<vmem>>
    %dma_wait3A_455 = tpu.memref_squeeze %dma_wait3A_454 : memref<1x128x128xf32, #tpu.memory_space<vmem>> -> memref<128x128xf32, #tpu.memory_space<vmem>>
    tpu.wait_dma2 semaphore(%arg14 : memref<!tpu.dma_semaphore, #tpu.memory_space<semaphore_mem>>) src(%dma_wait3A_455 : memref<128x128xf32, #tpu.memory_space<vmem>>) dst(%dma_wait3A_451 : memref<128x128xf32, #tpu.memory_space<hbm>>)
    %dma_wait3A_456 = arith.constant 0 : i32
    %dma_wait3A_457 = arith.constant 0 : i32
    %dma_wait3A_458 = arith.constant 0 : i32
    %dma_wait3A_459 = tpu.memref_slice %arg9[%dma_wait3A_456, %dma_wait3A_457, %dma_wait3A_458] : memref<2x128x128xf32, #tpu.memory_space<vmem>> -> memref<1x128x128xf32, #tpu.memory_space<vmem>>
    %dma_wait3A_460 = tpu.memref_squeeze %dma_wait3A_459 : memref<1x128x128xf32, #tpu.memory_space<vmem>> -> memref<128x128xf32, #tpu.memory_space<vmem>>
    %dma_wait3A_461 = arith.constant 0 : i32
    %dma_wait3A_462 = tpu.memref_slice %arg6[%add3A_429, %dma_wait3A_461] : memref<20480x128xf32, #tpu.memory_space<hbm>> -> memref<128x128xf32, #tpu.memory_space<hbm>>
    %dma_wait3A_463 = arith.constant 0 : i32
    %dma_wait3A_464 = tpu.memref_slice %arg6[%add3A_429, %dma_wait3A_463] : memref<20480x128xf32, #tpu.memory_space<hbm>> -> memref<128x128xf32, #tpu.memory_space<hbm>>
    %dma_wait3A_465 = arith.constant 0 : i32
    %dma_wait3A_466 = arith.constant 0 : i32
    %dma_wait3A_467 = tpu.memref_slice %arg9[%dma_wait3A_456, %dma_wait3A_465, %dma_wait3A_466] : memref<2x128x128xf32, #tpu.memory_space<vmem>> -> memref<1x128x128xf32, #tpu.memory_space<vmem>>
    %dma_wait3A_468 = tpu.memref_squeeze %dma_wait3A_467 : memref<1x128x128xf32, #tpu.memory_space<vmem>> -> memref<128x128xf32, #tpu.memory_space<vmem>>
    tpu.wait_dma2 semaphore(%arg13 : memref<!tpu.dma_semaphore, #tpu.memory_space<semaphore_mem>>) src(%dma_wait3A_468 : memref<128x128xf32, #tpu.memory_space<vmem>>) dst(%dma_wait3A_464 : memref<128x128xf32, #tpu.memory_space<hbm>>)
    return
  }
}

module attributes {stable_mosaic.version = 14 : i64} {
  func.func @body(%arg0: i32, %arg1: memref<1024x128xf32, #tpu.memory_space<vmem>>, %arg2: memref<1024x128xf32, #tpu.memory_space<vmem>>, %arg3: memref<1024x128xf32, #tpu.memory_space<vmem>>, %arg4: memref<1024x128xf32, #tpu.memory_space<vmem>>, %arg5: memref<1024x128xf32, #tpu.memory_space<vmem>>, %arg6: memref<128x128xf32, #tpu.memory_space<vmem>>, %arg7: memref<128x128xf32, #tpu.memory_space<vmem>>, %arg8: memref<1x128xf32, #tpu.memory_space<vmem>>, %arg9: memref<1024x128xf32, #tpu.memory_space<vmem>>) attributes {dimension_semantics = [#tpu.dimension_semantics<arbitrary>], iteration_bounds = array<i64: 10>, scalar_prefetch = 0 : i64, scratch_operands = 0 : i64, tpu.core_type = #tpu.core_type<tc>, window_params = [{transform_indices = @transform_0, window_bounds = array<i64: 1024, 128>}, {transform_indices = @transform_1, window_bounds = array<i64: 1024, 128>}, {transform_indices = @transform_2, window_bounds = array<i64: 1024, 128>}, {transform_indices = @transform_3, window_bounds = array<i64: 1024, 128>}, {transform_indices = @transform_4, window_bounds = array<i64: 1024, 128>}, {pipeline_mode = #tpu.pipeline_mode<synchronous>, transform_indices = @transform_5, window_bounds = array<i64: 128, 128>}, {pipeline_mode = #tpu.pipeline_mode<synchronous>, transform_indices = @transform_6, window_bounds = array<i64: 128, 128>}, {pipeline_mode = #tpu.pipeline_mode<synchronous>, transform_indices = @transform_7, window_bounds = array<i64: 1, 128>}, {transform_indices = @transform_8, window_bounds = array<i64: 1024, 128>}]} {
    %get3A = arith.constant 0 : index
    %get3A_0 = arith.constant 0 : index
    %get3A_1 = vector.load %arg3[%get3A, %get3A_0] : memref<1024x128xf32, #tpu.memory_space<vmem>>, vector<1024x128xf32>
    %get3A_2 = arith.constant 0 : index
    %get3A_3 = arith.constant 0 : index
    %get3A_4 = vector.load %arg4[%get3A_2, %get3A_3] : memref<1024x128xf32, #tpu.memory_space<vmem>>, vector<1024x128xf32>
    %add3A = arith.addf %get3A_1, %get3A_4 : vector<1024x128xf32>
    %max3A = arith.constant 1.000000e+00 : f32
    %max3A_5 = vector.broadcast %max3A : f32 to vector<1024x128xf32>
    %max3A_6 = arith.maximumf %add3A, %max3A_5 : vector<1024x128xf32>
    %get3A_7 = arith.constant 0 : index
    %get3A_8 = arith.constant 0 : index
    %get3A_9 = vector.load %arg1[%get3A_7, %get3A_8] : memref<1024x128xf32, #tpu.memory_space<vmem>>, vector<1024x128xf32>
    %get3A_10 = arith.constant 0 : index
    %get3A_11 = arith.constant 0 : index
    %get3A_12 = vector.load %arg2[%get3A_10, %get3A_11] : memref<1024x128xf32, #tpu.memory_space<vmem>>, vector<1024x128xf32>
    %add3A_13 = arith.addf %get3A_9, %get3A_12 : vector<1024x128xf32>
    %div3A = arith.divf %add3A_13, %max3A_6 : vector<1024x128xf32>
    %get3A_14 = arith.constant 0 : index
    %get3A_15 = arith.constant 0 : index
    %get3A_16 = vector.load %arg6[%get3A_14, %get3A_15] : memref<128x128xf32, #tpu.memory_space<vmem>>, vector<128x128xf32>
    %dot_general3A = arith.constant dense<0.000000e+00> : vector<1024x128xf32>
    %dot_general3A_17 = tpu.matmul %div3A, %get3A_16, %dot_general3A {dimension_numbers = #tpu.dot_dimension_numbers<[1], [0], [0], [1], [0, 0, 1, 1], [], []>, transpose_lhs_hint = false} : vector<1024x128xf32>, vector<128x128xf32>, vector<1024x128xf32> -> vector<1024x128xf32>
    %get3A_18 = arith.constant 0 : index
    %get3A_19 = arith.constant 0 : index
    %get3A_20 = vector.load %arg5[%get3A_18, %get3A_19] : memref<1024x128xf32, #tpu.memory_space<vmem>>, vector<1024x128xf32>
    %get3A_21 = arith.constant 0 : index
    %get3A_22 = arith.constant 0 : index
    %get3A_23 = vector.load %arg7[%get3A_21, %get3A_22] : memref<128x128xf32, #tpu.memory_space<vmem>>, vector<128x128xf32>
    %dot_general3A_24 = arith.constant dense<0.000000e+00> : vector<1024x128xf32>
    %dot_general3A_25 = tpu.matmul %get3A_20, %get3A_23, %dot_general3A_24 {dimension_numbers = #tpu.dot_dimension_numbers<[1], [0], [0], [1], [0, 0, 1, 1], [], []>, transpose_lhs_hint = false} : vector<1024x128xf32>, vector<128x128xf32>, vector<1024x128xf32> -> vector<1024x128xf32>
    %add3A_26 = arith.addf %dot_general3A_17, %dot_general3A_25 : vector<1024x128xf32>
    %get3A_27 = arith.constant 0 : index
    %get3A_28 = arith.constant 0 : index
    %get3A_29 = vector.load %arg8[%get3A_27, %get3A_28] : memref<1x128xf32, #tpu.memory_space<vmem>>, vector<1x128xf32>
    %add3A_30 = vector.broadcast %get3A_29 : vector<1x128xf32> to vector<1024x128xf32>
    %add3A_31 = arith.addf %add3A_26, %add3A_30 : vector<1024x128xf32>
    %max3A_32 = arith.constant 0.000000e+00 : f32
    %max3A_33 = vector.broadcast %max3A_32 : f32 to vector<1024x128xf32>
    %max3A_34 = arith.maximumf %add3A_31, %max3A_33 : vector<1024x128xf32>
    %swap3A = arith.constant 0 : index
    %swap3A_35 = arith.constant 0 : index
    %swap3A_36 = vector.load %arg9[%swap3A, %swap3A_35] : memref<1024x128xf32, #tpu.memory_space<vmem>>, vector<1024x128xf32>
    tpu.vector_store %arg9[%swap3A, %swap3A_35], %max3A_34 {strides = array<i32>} : memref<1024x128xf32, #tpu.memory_space<vmem>>, vector<1024x128xf32>,
    return
  }
  func.func @transform_0(%arg0: i32) -> (i32, i32) {
    %c0_i32 = arith.constant 0 : i32
    %c0_i32_0 = arith.constant 0 : i32
    return %arg0, %c0_i32 : i32, i32
  }
  func.func @transform_1(%arg0: i32) -> (i32, i32) {
    %c0_i32 = arith.constant 0 : i32
    %c0_i32_0 = arith.constant 0 : i32
    return %arg0, %c0_i32 : i32, i32
  }
  func.func @transform_2(%arg0: i32) -> (i32, i32) {
    %c0_i32 = arith.constant 0 : i32
    %c0_i32_0 = arith.constant 0 : i32
    return %arg0, %c0_i32 : i32, i32
  }
  func.func @transform_3(%arg0: i32) -> (i32, i32) {
    %c0_i32 = arith.constant 0 : i32
    %c0_i32_0 = arith.constant 0 : i32
    return %arg0, %c0_i32 : i32, i32
  }
  func.func @transform_4(%arg0: i32) -> (i32, i32) {
    %c0_i32 = arith.constant 0 : i32
    %c0_i32_0 = arith.constant 0 : i32
    return %arg0, %c0_i32 : i32, i32
  }
  func.func @transform_5(%arg0: i32) -> (i32, i32) {
    %c0_i32 = arith.constant 0 : i32
    %c0_i32_0 = arith.constant 0 : i32
    %c0_i32_1 = arith.constant 0 : i32
    return %c0_i32, %c0_i32_0 : i32, i32
  }
  func.func @transform_6(%arg0: i32) -> (i32, i32) {
    %c0_i32 = arith.constant 0 : i32
    %c0_i32_0 = arith.constant 0 : i32
    %c0_i32_1 = arith.constant 0 : i32
    return %c0_i32, %c0_i32_0 : i32, i32
  }
  func.func @transform_7(%arg0: i32) -> (i32, i32) {
    %c0_i32 = arith.constant 0 : i32
    %c0_i32_0 = arith.constant 0 : i32
    %c0_i32_1 = arith.constant 0 : i32
    return %c0_i32, %c0_i32_0 : i32, i32
  }
  func.func @transform_8(%arg0: i32) -> (i32, i32) {
    %c0_i32 = arith.constant 0 : i32
    %c0_i32_0 = arith.constant 0 : i32
    return %arg0, %c0_i32 : i32, i32
  }
}

module attributes {stable_mosaic.version = 14 : i64} {
  func.func @body(%arg0: i32, %arg1: memref<1024x128xf32, #tpu.memory_space<vmem>>, %arg2: memref<1024x128xf32, #tpu.memory_space<vmem>>, %arg3: memref<1024x128xf32, #tpu.memory_space<vmem>>, %arg4: memref<1024x128xf32, #tpu.memory_space<vmem>>, %arg5: memref<1024x128xf32, #tpu.memory_space<vmem>>, %arg6: memref<128x128xf32, #tpu.memory_space<vmem>>, %arg7: memref<128x128xf32, #tpu.memory_space<vmem>>, %arg8: memref<1x128xf32, #tpu.memory_space<vmem>>, %arg9: memref<1024x128xf32, #tpu.memory_space<vmem>>) attributes {dimension_semantics = [#tpu.dimension_semantics<arbitrary>], iteration_bounds = array<i64: 10>, scalar_prefetch = 0 : i64, scratch_operands = 0 : i64, tpu.core_type = #tpu.core_type<tc>, window_params = [{transform_indices = @transform_0, window_bounds = array<i64: 1024, 128>}, {transform_indices = @transform_1, window_bounds = array<i64: 1024, 128>}, {transform_indices = @transform_2, window_bounds = array<i64: 1024, 128>}, {transform_indices = @transform_3, window_bounds = array<i64: 1024, 128>}, {transform_indices = @transform_4, window_bounds = array<i64: 1024, 128>}, {pipeline_mode = #tpu.pipeline_mode<synchronous>, transform_indices = @transform_5, window_bounds = array<i64: 128, 128>}, {pipeline_mode = #tpu.pipeline_mode<synchronous>, transform_indices = @transform_6, window_bounds = array<i64: 128, 128>}, {pipeline_mode = #tpu.pipeline_mode<synchronous>, transform_indices = @transform_7, window_bounds = array<i64: 1, 128>}, {transform_indices = @transform_8, window_bounds = array<i64: 1024, 128>}]} {
    %get3A = arith.constant 0 : index
    %get3A_0 = arith.constant 0 : index
    %get3A_1 = vector.load %arg3[%get3A, %get3A_0] : memref<1024x128xf32, #tpu.memory_space<vmem>>, vector<1024x128xf32>
    %get3A_2 = arith.constant 0 : index
    %get3A_3 = arith.constant 0 : index
    %get3A_4 = vector.load %arg4[%get3A_2, %get3A_3] : memref<1024x128xf32, #tpu.memory_space<vmem>>, vector<1024x128xf32>
    %add3A = arith.addf %get3A_1, %get3A_4 : vector<1024x128xf32>
    %max3A = arith.constant 1.000000e+00 : f32
    %max3A_5 = vector.broadcast %max3A : f32 to vector<1024x128xf32>
    %max3A_6 = arith.maximumf %add3A, %max3A_5 : vector<1024x128xf32>
    %get3A_7 = arith.constant 0 : index
    %get3A_8 = arith.constant 0 : index
    %get3A_9 = vector.load %arg1[%get3A_7, %get3A_8] : memref<1024x128xf32, #tpu.memory_space<vmem>>, vector<1024x128xf32>
    %get3A_10 = arith.constant 0 : index
    %get3A_11 = arith.constant 0 : index
    %get3A_12 = vector.load %arg2[%get3A_10, %get3A_11] : memref<1024x128xf32, #tpu.memory_space<vmem>>, vector<1024x128xf32>
    %add3A_13 = arith.addf %get3A_9, %get3A_12 : vector<1024x128xf32>
    %div3A = arith.divf %add3A_13, %max3A_6 : vector<1024x128xf32>
    %get3A_14 = arith.constant 0 : index
    %get3A_15 = arith.constant 0 : index
    %get3A_16 = vector.load %arg6[%get3A_14, %get3A_15] : memref<128x128xf32, #tpu.memory_space<vmem>>, vector<128x128xf32>
    %dot_general3A = arith.constant dense<0.000000e+00> : vector<1024x128xf32>
    %dot_general3A_17 = tpu.matmul %div3A, %get3A_16, %dot_general3A {dimension_numbers = #tpu.dot_dimension_numbers<[1], [0], [0], [1], [0, 0, 1, 1], [], []>, transpose_lhs_hint = false} : vector<1024x128xf32>, vector<128x128xf32>, vector<1024x128xf32> -> vector<1024x128xf32>
    %get3A_18 = arith.constant 0 : index
    %get3A_19 = arith.constant 0 : index
    %get3A_20 = vector.load %arg5[%get3A_18, %get3A_19] : memref<1024x128xf32, #tpu.memory_space<vmem>>, vector<1024x128xf32>
    %get3A_21 = arith.constant 0 : index
    %get3A_22 = arith.constant 0 : index
    %get3A_23 = vector.load %arg7[%get3A_21, %get3A_22] : memref<128x128xf32, #tpu.memory_space<vmem>>, vector<128x128xf32>
    %dot_general3A_24 = arith.constant dense<0.000000e+00> : vector<1024x128xf32>
    %dot_general3A_25 = tpu.matmul %get3A_20, %get3A_23, %dot_general3A_24 {dimension_numbers = #tpu.dot_dimension_numbers<[1], [0], [0], [1], [0, 0, 1, 1], [], []>, transpose_lhs_hint = false} : vector<1024x128xf32>, vector<128x128xf32>, vector<1024x128xf32> -> vector<1024x128xf32>
    %add3A_26 = arith.addf %dot_general3A_17, %dot_general3A_25 : vector<1024x128xf32>
    %get3A_27 = arith.constant 0 : index
    %get3A_28 = arith.constant 0 : index
    %get3A_29 = vector.load %arg8[%get3A_27, %get3A_28] : memref<1x128xf32, #tpu.memory_space<vmem>>, vector<1x128xf32>
    %add3A_30 = vector.broadcast %get3A_29 : vector<1x128xf32> to vector<1024x128xf32>
    %add3A_31 = arith.addf %add3A_26, %add3A_30 : vector<1024x128xf32>
    %swap3A = arith.constant 0 : index
    %swap3A_32 = arith.constant 0 : index
    %swap3A_33 = vector.load %arg9[%swap3A, %swap3A_32] : memref<1024x128xf32, #tpu.memory_space<vmem>>, vector<1024x128xf32>
    tpu.vector_store %arg9[%swap3A, %swap3A_32], %add3A_31 {strides = array<i32>} : memref<1024x128xf32, #tpu.memory_space<vmem>>, vector<1024x128xf32>,
    return
  }
  func.func @transform_0(%arg0: i32) -> (i32, i32) {
    %c0_i32 = arith.constant 0 : i32
    %c0_i32_0 = arith.constant 0 : i32
    return %arg0, %c0_i32 : i32, i32
  }
  func.func @transform_1(%arg0: i32) -> (i32, i32) {
    %c0_i32 = arith.constant 0 : i32
    %c0_i32_0 = arith.constant 0 : i32
    return %arg0, %c0_i32 : i32, i32
  }
  func.func @transform_2(%arg0: i32) -> (i32, i32) {
    %c0_i32 = arith.constant 0 : i32
    %c0_i32_0 = arith.constant 0 : i32
    return %arg0, %c0_i32 : i32, i32
  }
  func.func @transform_3(%arg0: i32) -> (i32, i32) {
    %c0_i32 = arith.constant 0 : i32
    %c0_i32_0 = arith.constant 0 : i32
    return %arg0, %c0_i32 : i32, i32
  }
  func.func @transform_4(%arg0: i32) -> (i32, i32) {
    %c0_i32 = arith.constant 0 : i32
    %c0_i32_0 = arith.constant 0 : i32
    return %arg0, %c0_i32 : i32, i32
  }
  func.func @transform_5(%arg0: i32) -> (i32, i32) {
    %c0_i32 = arith.constant 0 : i32
    %c0_i32_0 = arith.constant 0 : i32
    %c0_i32_1 = arith.constant 0 : i32
    return %c0_i32, %c0_i32_0 : i32, i32
  }
  func.func @transform_6(%arg0: i32) -> (i32, i32) {
    %c0_i32 = arith.constant 0 : i32
    %c0_i32_0 = arith.constant 0 : i32
    %c0_i32_1 = arith.constant 0 : i32
    return %c0_i32, %c0_i32_0 : i32, i32
  }
  func.func @transform_7(%arg0: i32) -> (i32, i32) {
    %c0_i32 = arith.constant 0 : i32
    %c0_i32_0 = arith.constant 0 : i32
    %c0_i32_1 = arith.constant 0 : i32
    return %c0_i32, %c0_i32_0 : i32, i32
  }
  func.func @transform_8(%arg0: i32) -> (i32, i32) {
    %c0_i32 = arith.constant 0 : i32
    %c0_i32_0 = arith.constant 0 : i32
    return %arg0, %c0_i32 : i32, i32
  }
}

</mosaic_0001>

<sc_bundles>
// kernel: kernel.6.cloned.1.call-start
scs
__scs_entry_jumppad:
0x0: {  	(pc) =	sbr.rel $0x88, $3  }
0x1: {  	(tag) =	ssettag $0x0;
	lr =	simm.s32 $0x1  }
0x2: {  	[smem:$0x3F99] =	sst lr;
	_ =	strace $0xD0000000  }
0x3: {  	_ = 	snop  }
0x4: {  	_ = 	snop  }
0x5: {  	_ = 	snop  }
0x6: {  	_ = 	snop  }
0x7: {  	_ = 	snop  }
__scs_overlays_trampoline_lowered:
0x8: {  	[smem:$0x3FA8] =	sst s0  }
0x9: {  	[smem:$0x3FA9] =	sst s1  }
0xa: {  	[smem:$0x3FAA] =	sst s2  }
0xb: {  	[smem:$0x3FAB] =	sst s3  }
0xc: {  	[smem:$0x3FAC] =	sst s4  }
0xd: {  	[smem:$0x3FAD] =	sst s5  }
0xe: {  	[smem:$0x3FAE] =	sst s6  }
0xf: {  	[smem:$0x3FAF] =	sst s7  }
0x10: {  	[smem:$0x3FB0] =	sst s8  }
0x11: {  	[smem:$0x3FB1] =	sst s9;
	s0 =	simm.s32 @!p0 $0x0  }
0x12: {  	s1 =	sld [smem:$0x3F97];
	s0 =	simm.s32 @p0 $0x1  }
0x13: {  	[smem:$0x3FB2] =	sst s0;
	s0 =	simm.s32 @!p1 $0x0  }
0x14: {  	s2 =	sld [smem:$0x3F96];
	s0 =	simm.s32 @p1 $0x1  }
0x15: {  	[smem:$0x3FB3] =	sst s0;
	s0 =	simm.s32 @!p2 $0x0  }
0x16: {  	s3 =	sld [smem:$0x3FDB];
	s0 =	simm.s32 @p2 $0x1  }
0x17: {  	s4 =	simm.s32 $0x1BF5;
	[smem:$0x3FB5] =	sst s0  }
0x18: {  	s0 =	sld [smem:$0x3F98];
	_ =	swait.ge [sflag:s4], $0x0  }
0x19: {  	s7 =	sld [smem:$0x3F99]  }
0x1a: {  	s8 =	sadd.s32 $0xFFFFE003, lr  }
0x1b: {  	s9 =	sadd.s32 $0xFFFFFEF7, lr;
	s5 =	simm.s32 $0xFFFFFFFF;
	p2 =	slt.u32 s8, $0xFFFFF086  }
0x1c: {  	p1 =	slt.u32 s9, $0xF7A;
	s5 =	simm.s32 @!p2 $0x0  }
0x1d: {  	s5 =	simm.s32 @p1 $0x1;
	p0 =	seq.s32 s7, s2  }
0x1e: {  	s7 =	smul.u32 @!p0 $0xF7A, s2;
	p2 =	seq.s32 @!p0 s5, $0x0  }
0x1f: {  	s9 =	smul.u32 $0xF7A, s1;
	s8 =	simm.s32 @!p0 $0x1BF5;
	p2 =	por !p2, p0  }
0x20: {  	[sflag:s8] =	ssyncset.s32 @!p0 $0xFFFFF086;
	s6 =	sadd.s32 @!p0 s3, s7;
	s7 =	simm.s32 @!p0 $0x108  }
0x21: {  	s3 =	sadd.s32 s3, s9;
	s6 =	sadd.s32 @!p0 $0x88, s6;
	s7 =	simm.s32 @p2 $0x1082  }
0x22: {  	[simem:s7], [sflag:s8] =	dma.local @!p0 [hbm:s6], $0xF7A  }
0x23: {  	s9 =	sor.u32 $0xD0000000, s2;
	s6 =	simm.s32 $0x108;
	_ =	swait.ge @!p0 [sflag:s8], $0x0  }
0x24: {  	s3 =	sadd.s32 $0x88, s3;
	s6 =	simm.s32 @!p1 $0x1082;
	[sflag:s4] =	ssyncset.s32 $0xFFFFF086  }
0x25: {  	[simem:s6], [sflag:s4] =	dma.local [hbm:s3], $0xF7A  }
0x26: {  	[smem:$0x3F99] =	sst s1;
	(tag) =	ssettag s2;
	_ =	strace s9  }
0x27: {  	s1 =	sld [smem:$0x3FA9]  }
0x28: {  	s2 =	sld [smem:$0x3FAA]  }
0x29: {  	s4 =	sld [smem:$0x3FAC]  }
0x2a: {  	p0 =	seq.s32 s5, $0x0;
	s5 =	sld [smem:$0x3FAD]  }
0x2b: {  	s6 =	sld [smem:$0x3FAE]  }
0x2c: {  	s7 =	sld [smem:$0x3FAF]  }
0x2d: {  	s3 =	simm.s32 $0x108;
	s8 =	sld [smem:$0x3FB0]  }
0x2e: {  	s3 =	simm.s32 @!p0 $0x1082;
	s9 =	sld [smem:$0x3FB1]  }
0x2f: {  	lr =	sadd.s32 s0, s3;
	s0 =	sld [smem:$0x3FA8]  }
0x30: {  	s3 =	sld [smem:$0x3FAB]  }
0x31: {  	[smem:$0x3FB4] =	sst s10  }
0x32: {  	s10 =	sld [smem:$0x3FB2];
	_ =	sdelay $0x3  }
0x33: {  	p0 =	seq.s32 s10, $0x1;
	s10 =	sld [smem:$0x3FB4];
	_ =	sdelay $0x3  }
0x34: {  	[smem:$0x3FB4] =	sst s10  }
0x35: {  	s10 =	sld [smem:$0x3FB3];
	_ =	sdelay $0x3  }
0x36: {  	p1 =	seq.s32 s10, $0x1;
	s10 =	sld [smem:$0x3FB4];
	_ =	sdelay $0x3  }
0x37: {  	[smem:$0x3FB4] =	sst s10  }
0x38: {  	s10 =	sld [smem:$0x3FB5]  }
0x39: {  	_ = 	snop;
	(pc) =	sbr.ind lr, $3  }
0x3a: {  	_ = 	snop  }
0x3b: {  	_ = 	snop  }
0x3c: {  	p2 =	seq.s32 s10, $0x1;
	s10 =	sld [smem:$0x3FB4]  }
0x3d: {  	_ =	shalt  }
0x3e: {  	_ =	shalt  }
0x3f: {  	_ =	shalt  }
0x40: {  	_ =	shalt  }
0x41: {  	_ =	shalt  }
0x42: {  	_ =	shalt  }
0x43: {  	_ =	shalt  }
0x44: {  	_ =	shalt  }
0x45: {  	_ =	shalt  }
0x46: {  	_ =	shalt  }
0x47: {  	_ =	shalt  }
0x48: {  	_ =	shalt  }
0x49: {  	_ =	shalt  }
0x4a: {  	_ =	shalt  }
0x4b: {  	_ =	shalt  }
0x4c: {  	_ =	shalt  }
0x4d: {  	_ =	shalt  }
0x4e: {  	_ =	shalt  }
0x4f: {  	_ =	shalt  }
0x50: {  	_ =	shalt  }
0x51: {  	_ =	shalt  }
0x52: {  	_ =	shalt  }
0x53: {  	_ =	shalt  }
0x54: {  	_ =	shalt  }
0x55: {  	_ =	shalt  }
0x56: {  	_ =	shalt  }
0x57: {  	_ =	shalt  }
0x58: {  	_ =	shalt  }
0x59: {  	_ =	shalt  }
0x5a: {  	_ =	shalt  }
0x5b: {  	_ =	shalt  }
0x5c: {  	_ =	shalt  }
0x5d: {  	_ =	shalt  }
0x5e: {  	_ =	shalt  }
0x5f: {  	_ =	shalt  }
0x60: {  	_ =	shalt  }
0x61: {  	_ =	shalt  }
0x62: {  	_ =	shalt  }
0x63: {  	_ =	shalt  }
0x64: {  	_ =	shalt  }
0x65: {  	_ =	shalt  }
0x66: {  	_ =	shalt  }
0x67: {  	_ =	shalt  }
0x68: {  	_ =	shalt  }
0x69: {  	_ =	shalt  }
0x6a: {  	_ =	shalt  }
0x6b: {  	_ =	shalt  }
0x6c: {  	_ =	shalt  }
0x6d: {  	_ =	shalt  }
0x6e: {  	_ =	shalt  }
0x6f: {  	_ =	shalt  }
0x70: {  	_ =	shalt  }
0x71: {  	_ =	shalt  }
0x72: {  	_ =	shalt  }
0x73: {  	_ =	shalt  }
0x74: {  	_ =	shalt  }
0x75: {  	_ =	shalt  }
0x76: {  	_ =	shalt  }
0x77: {  	_ =	shalt  }
0x78: {  	_ =	shalt  }
0x79: {  	_ =	shalt  }
0x7a: {  	_ =	shalt  }
0x7b: {  	_ =	shalt  }
0x7c: {  	_ =	shalt  }
0x7d: {  	_ =	shalt  }
0x7e: {  	_ =	shalt  }
0x7f: {  	_ =	shalt  }
0x80: {  	_ =	shalt  }
0x81: {  	_ =	shalt  }
0x82: {  	_ =	shalt  }
0x83: {  	_ =	shalt  }
0x84: {  	_ =	shalt  }
0x85: {  	_ =	shalt  }
0x86: {  	_ =	shalt  }
0x87: {  	_ =	shalt  }
.Lfunc_end0:
.L_simem_size_0:
called_computation_lowered:
.L_overlay_start_0:
0x88: {  	s2 =	sld [smem:$0x3FD9]  }
0x89: {  	s3 =	sld [smem:$0x3FFE];
	_ =	sdelay $0x1  }
0x8a: {  	s1 =	srdreg.scid  }
0x8b: {  	s0 =	sand.u32 $0x1, s1  }
0x8c: {  	s17 =	sshll.u32 s0, $0xA;
	s2 =	sadd.s32 s3, s2  }
0x8d: {  	s2 =	sadd.s32 s2, s17  }
0x8e: {  	[smem:$0x3FC0] =	sst s2  }
0x8f: {  	_ = 	snop  }
0x90: {  	s2 =	sld [smem:$0x3FD0];
	(tm) =	ssettm $0x1  }
0x91: {  	s18 =	sld [smem:$0x3FFB];
	_ =	sdelay $0x3  }
0x92: {  	_ =	strace s18  }
0x93: {  	s3 =	sld [smem:$0x3FFC];
	_ =	sdelay $0x3  }
0x94: {  	_ =	strace s3  }
0x95: {  	s3 =	sld [smem:$0x3FFD];
	_ =	sdelay $0x3  }
0x96: {  	_ =	strace s3  }
0x97: {  	_ =	strace $0x8FFFFFFF  }
0x98: {  	s19 =	sld [smem:$0x3FDB];
	_ =	sdelay $0x1  }
0x99: {  	s4 =	simm.s32 $_scs_section_size  }
0x9a: {  	s5 =	simm.s32 $_size__tile_overlayer_lowered;
	s6 =	simm.s32 $_tile_overlayer_lowered  }
0x9b: {  	s22 =	simm.s32 $0x1BFF;
	s21 =	sshll.u32 s6, $0x1;
	s3 =	sadd.s32 s4, s19  }
0x9c: {  	s7 =	simm.s32 $0x0;
	s20 =	sshll.u32 s5, $0x1;
	s5 =	sadd.s32 s21, s3  }
0x9d: {  	[timem:s7], [sflag:s22] =	dma.local [hbm:s5], s20  }
0x9e: {  	_ =	swait.ge [sflag:s22], s20  }
0x9f: {  	s4 =	ssub.s32 $0x0, s20;
	[sflag:s22] =	ssyncset.done $0x0  }
0xa0: {  	[sflag:s22] =	ssyncadd.s32 s4;
	_ =	sdelay $0x1  }
0xa1: {  	s23 =	simm.s32 $0x1B8B  }
0xa2: {  	_ =	swait.ge [sflag:s23], $0x1  }
0xa3: {  	[sflag:s23] =	ssyncset.done $0x0  }
0xa4: {  	s25 =	simm.s32 $0x1B8E;
	s24 =	sld [smem:$0x3FFE];
	[sflag:s23] =	ssyncadd.s32 $0xFFFFFFFF  }
0xa5: {  	s26 =	simm.s32 $execute0_lowered;
	[smem:$0x3FD2] =	sst s25  }
0xa6: {  	s5 =	sshll.u32 s26, $0x1;
	_ =	strace $0x80000046;
	[dreg:$0x1] =	wrdreg $0xFFFFFFFF  }
0xa7: {  	s28 =	simm.s32 $_size_execute0_lowered;
	s3 =	sadd.s32 s3, s5;
	[dreg:$0x0] =	wrdreg $0x0  }
0xa8: {  	s5 =	sshll.u32 s28, $0x1;
	[dreg:$0x2] =	wrdreg s3  }
0xa9: {  	[dreg:$0x3] =	wrdreg s5  }
0xaa: {  	[dreg:$0x4] =	wrdreg $0xC0  }
0xab: {  	_ =	task [dreg:s7], $0x5FFFF  }
0xac: {  	[dreg:$0x1] =	wrdreg $0xFFFFFFFF  }
0xad: {  	[dreg:$0x0] =	wrdreg $0x60  }
0xae: {  	[dreg:$0x2] =	wrdreg s24  }
0xaf: {  	[dreg:$0x3] =	wrdreg s2  }
0xb0: {  	[dreg:$0x4] =	wrdreg $0xA8000  }
0xb1: {  	[dreg:$0x5] =	wrdreg $0x1EB000  }
0xb2: {  	[dreg:$0x6] =	wrdreg $0x9  }
0xb3: {  	_ =	task.clear_ibuf [dreg:s7], $0x7FFFF;
	_ =	strace $0x90000046  }
0xb4: {  	s29 =	simm.s32 $0x9;
	_ =	strace $0x80000048  }
0xb5: {  	_ =	swait.ge [sflag:s29], $0x1  }
0xb6: {  	[sflag:s29] =	ssyncadd.s32 $0xFFFFFFFF  }
0xb7: {  	_ =	strace $0x90000048  }
0xb8: {  	_ =	sfence  }
0xb9: {  	s30 =	sld [smem:$0x0];
	_ =	sdelay $0x2  }
0xba: {  	s31 =	sshll.u32 s1, $0xD;
	s1 =	sshrl.u32 s1, $0x2  }
0xbb: {  	s3 =	sand.u32 $0x4000, s31;
	s1 =	sadd.s32 s1, s30  }
0xbc: {  	s0 =	sor.u32 s3, s0;
	s1 =	sshll.u32 s1, $0x11  }
0xbd: {  	s0 =	sor.u32 s1, s0  }
0xbe: {  	s0 =	sadd.s32 $0x8F2B, s0  }
0xbf: {  	[sflag:s0] =	ssyncadd.remote.s32 $0x1  }
0xc0: {  	_ =	sfence.sel $0xFFFF  }
0xc1: {  	[dreg:$0x0] =	wrdreg $0xFFFFFFFF;
	(pc) =	sbr.abs _section_cstart, $3  }
0xc2: {  	[dreg:$0x1] =	wrdreg $0xFFFFFFFF  }
0xc3: {  	_ =	task.clear_ibuf [dreg:s7], $0x2FFFF;
	_ =	strace $0x9FFFFFFF  }
0xc4: {  	(tm) =	ssettm $0x7FFFFFFF  }
0xc5: {  	_ =	shalt  }
tec
execute0_lowered:
.L_overlay_start_1:
0x0: {  	(tag) =	ssettag $0x1  }
0x1: {  	s0 =	rddreg [dreg:$0x0]  }
0x2: {  	s1 =	rddreg [dreg:$0x1]  }
0x3: {  	s2 =	rddreg [dreg:$0x2]  }
0x4: {  	s3 =	rddreg [dreg:$0x3];
	s5 =	srdreg.scid  }
0x5: {  	s10 =	stileid.u32;
	s4 =	simm.s32 $0x0;
	s28 =	simm.s32 $0x1E880  }
0x6: {  	s29 =	simm.s32 $0x1400;
	s30 =	simm.s32 $0x80;
	s31 =	simm.s32 $0x6800  }
0x7: {  	s6 =	sand.u32 $0x1, s5;
	s12 =	smul.u32 $0x280, s10;
	[smem:$0x7FF] =	sst s4  }
0x8: {  	s5 =	sadd.s32 $0xBE00, s0;
	s13 =	sadd.s32 $0x1E00, s0;
	s9 =	smul.u32 $0x50000, s10  }
0x9: {  	s8 =	sadd.s32 $0x33E00, s0;
	s7 =	smul.u32 $0x2800, s6;
	_ =	strace $0x80000047  }
0xa: {  	[dreg:$0x5] =	wrdreg s8;
	s21 =	ssub.s32 $0x2, s6;
	s6 =	sshll.u32 s6, $0x4  }
0xb: {  	s22 =	sshrl.u32 s21, $0x1;
	s9 =	sshrl.u32 s9, $0x2;
	s6 =	sor.u32 s10, s6  }
0xc: {  	s7 =	sadd.s32 s12, s7;
	s15 =	ssub.s32 s21, s22;
	s12 =	sadd.s32 s12, s3  }
0xd: {  	s6 =	smul.u32 $0x500, s6;
	s20 =	sshll.u32 s7, $0x4;
	s7 =	sshrl.u32 s7, $0x3  }
0xe: {  	s19 =	smax.u32 s15, $0x1;
	s14 =	sadd.s32 s20, s0;
	s0 =	sadd.s32 s7, s0  }
0xf: {  	s7 =	sadd.s32 s9, s2;
	s20 =	sadd.s32 s13, s6;
	s26 =	sadd.s32 $0x280, s6  }
0x10: {  	s21 =	sadd.s32 s1, s6;
	s6 =	simm.s32 $0x3;
	s16 =	sadd.s32 $0x34600, s14  }
0x11: {  	s8 =	sadd.s32 $0x4000, s7;
	s23 =	sadd.s32 $0x34E00, s14;
	[dreg:$0x6] =	wrdreg s16  }
0x12: {  	s9 =	sadd.s32 $0x8000, s7;
	s24 =	sadd.s32 $0x35600, s14;
	[dreg:$0x7] =	wrdreg s23  }
0x13: {  	s10 =	sadd.s32 $0xC000, s7;
	s25 =	sadd.s32 $0x35E00, s14;
	[dreg:$0x8] =	wrdreg s24  }
0x14: {  	s11 =	sadd.s32 $0x10000, s7;
	s14 =	sadd.s32 $0x36600, s14;
	[dreg:$0x9] =	wrdreg s25  }
0x15: {  	s0 =	sadd.s32 $0x84600, s0;
	s22 =	sadd.s32 s13, s26;
	[dreg:$0xa] =	wrdreg s14  }
0x16: {  	s13 =	simm.s32 $0x4;
	[dreg:$0xb] =	wrdreg s0;
	s23 =	sadd.s32 s1, s26  }
0x17: {  	s24 =	simm.s32 $0x2800;
	s25 =	simm.s32 $0x5;
	s26 =	simm.s32 $0x1  }
0x18: {  	v0 =	vimm.f32 $1.000000000e+00;
	v1 =	vimm.f32 $0.0e+00;
	s0 =	simm.s32 $0x2;
	s1 =	simm.s32 $0x1E800;
	s14 =	simm.s32 $0x0  }
.LBB2_1:
0x19: {  	s15 =	rddreg [dreg:$0x5]  }
0x1a: {  	[tilespmem:s24], [sflag:$0x5] =	stream.linear.gather [hbm4b:s15+s4], $0x4000, $0x38;
	[tilespmem:$0x1ED80] =	vst v63  }
0x1b: {  	_ =	swait.ge [sflag:s25], $0x4000  }
0x1c: {  	[sflag:s25] =	ssyncset.done $0x0  }
0x1d: {  	[sflag:s25] =	ssyncadd.s32 $0xFFFFC000  }
0x1e: {  	[spmem:s7] =	stream.linear.scatter [tilespmem:s24], [sflag:$0x1], $0x4000, $0x38;
	[tilespmem:$0x1ED80] =	vst v63  }
0x1f: {  	_ = 	snop  }
0x20: {  	[spmem:s8] =	stream.linear.scatter [tilespmem:s24], [sflag:$0x1], $0x4000, $0x38;
	[tilespmem:$0x1ED80] =	vst v63  }
0x21: {  	_ = 	snop  }
0x22: {  	[spmem:s9] =	stream.linear.scatter [tilespmem:s24], [sflag:$0x1], $0x4000, $0x38;
	[tilespmem:$0x1ED80] =	vst v63  }
0x23: {  	_ = 	snop  }
0x24: {  	[spmem:s10] =	stream.linear.scatter [tilespmem:s24], [sflag:$0x1], $0x4000, $0x38;
	[tilespmem:$0x1ED80] =	vst v63  }
0x25: {  	_ = 	snop  }
0x26: {  	[spmem:s11] =	stream.linear.scatter [tilespmem:s24], [sflag:$0x1], $0x4000, $0x38;
	[tilespmem:$0x1ED80] =	vst v63  }
0x27: {  	_ =	swait.ge [sflag:s26], $0x4000  }
0x28: {  	[sflag:s26] =	ssyncset.done $0x0  }
0x29: {  	[sflag:s26] =	ssyncadd.s32 $0xFFFFC000  }
0x2a: {  	_ =	swait.ge [sflag:s26], $0x4000  }
0x2b: {  	[sflag:s26] =	ssyncset.done $0x0  }
0x2c: {  	[sflag:s26] =	ssyncadd.s32 $0xFFFFC000  }
0x2d: {  	_ =	swait.ge [sflag:s26], $0x4000  }
0x2e: {  	[sflag:s26] =	ssyncset.done $0x0  }
0x2f: {  	[sflag:s26] =	ssyncadd.s32 $0xFFFFC000  }
0x30: {  	_ =	swait.ge [sflag:s26], $0x4000  }
0x31: {  	[sflag:s26] =	ssyncset.done $0x0  }
0x32: {  	[sflag:s26] =	ssyncadd.s32 $0xFFFFC000  }
0x33: {  	_ =	swait.ge [sflag:s26], $0x4000  }
0x34: {  	[sflag:s26] =	ssyncset.done $0x0  }
0x35: {  	[sflag:s26] =	ssyncadd.s32 $0xFFFFC000  }
0x36: {  	[tilespmem:$0x1E800] =	vst v0  }
0x37: {  	[tilespmem:$0x1E810] =	vst v0  }
0x38: {  	[tilespmem:$0x1E820] =	vst v0  }
0x39: {  	[tilespmem:$0x1E830] =	vst v0  }
0x3a: {  	[tilespmem:$0x1E840] =	vst v0  }
0x3b: {  	[tilespmem:$0x1E850] =	vst v0  }
0x3c: {  	[tilespmem:$0x1E860] =	vst v0  }
0x3d: {  	[tilespmem:$0x1E870] =	vst v0  }
0x3e: {  	[tilespmem:$0x1E880] =	vst v1  }
0x3f: {  	[tilespmem:$0x1E890] =	vst v1  }
0x40: {  	[tilespmem:$0x1E8A0] =	vst v1  }
0x41: {  	[tilespmem:$0x1E8B0] =	vst v1  }
0x42: {  	[tilespmem:$0x1E8C0] =	vst v1  }
0x43: {  	[tilespmem:$0x1E8D0] =	vst v1  }
0x44: {  	[tilespmem:$0x1E8E0] =	vst v1  }
0x45: {  	[tilespmem:$0x1E8F0] =	vst v1  }
0x46: {  	[tilespmem:$0x1E900] =	vst v1  }
0x47: {  	[tilespmem:$0x1E910] =	vst v1  }
0x48: {  	[tilespmem:$0x1E920] =	vst v1  }
0x49: {  	[tilespmem:$0x1E930] =	vst v1  }
0x4a: {  	[tilespmem:$0x1E940] =	vst v1  }
0x4b: {  	[tilespmem:$0x1E950] =	vst v1  }
0x4c: {  	[tilespmem:$0x1E960] =	vst v1  }
0x4d: {  	[tilespmem:$0x1E970] =	vst v1  }
0x4e: {  	[tilespmem:$0x1E980] =	vst v1  }
0x4f: {  	[tilespmem:$0x1E990] =	vst v1  }
0x50: {  	[tilespmem:$0x1E9A0] =	vst v1  }
0x51: {  	[tilespmem:$0x1E9B0] =	vst v1  }
0x52: {  	[tilespmem:$0x1E9C0] =	vst v1  }
0x53: {  	[tilespmem:$0x1E9D0] =	vst v1  }
0x54: {  	[tilespmem:$0x1E9E0] =	vst v1  }
0x55: {  	[tilespmem:$0x1E9F0] =	vst v1  }
0x56: {  	[tilespmem:$0x1EA00] =	vst v1  }
0x57: {  	[tilespmem:$0x1EA10] =	vst v1  }
0x58: {  	[tilespmem:$0x1EA20] =	vst v1  }
0x59: {  	[tilespmem:$0x1EA30] =	vst v1  }
0x5a: {  	[tilespmem:$0x1EA40] =	vst v1  }
0x5b: {  	[tilespmem:$0x1EA50] =	vst v1  }
0x5c: {  	[tilespmem:$0x1EA60] =	vst v1  }
0x5d: {  	[tilespmem:$0x1EA70] =	vst v1  }
0x5e: {  	[tilespmem:$0x1EA80] =	vst v1  }
0x5f: {  	[tilespmem:$0x1EA90] =	vst v1  }
0x60: {  	[tilespmem:$0x1EAA0] =	vst v1  }
0x61: {  	[tilespmem:$0x1EAB0] =	vst v1  }
0x62: {  	[tilespmem:$0x1EAC0] =	vst v1  }
0x63: {  	[tilespmem:$0x1EAD0] =	vst v1  }
0x64: {  	[tilespmem:$0x1EAE0] =	vst v1  }
0x65: {  	[tilespmem:$0x1EAF0] =	vst v1  }
0x66: {  	[spmem:s12] =	stream.linear.scatter [tilespmem:s28], [sflag:$0x5], $0x280, $0x38;
	[tilespmem:$0x1ED80] =	vst v63  }
0x67: {  	_ =	swait.ge [sflag:s25], $0x280  }
0x68: {  	[sflag:s25] =	ssyncset.done $0x0  }
0x69: {  	[sflag:s25] =	ssyncadd.s32 $0xFFFFFD80  }
0x6a: {  	[bflag:$0x0] =	sbarrier.arrive $0xFFFF  }
0x6b: {  	[tilespmem:s4], [sflag:$0x5] =	stream.linear.gather [hbm4b:s20+s4], $0x1400, $0x38;
	[tilespmem:$0x1ED80] =	vst v63  }
0x6c: {  	_ =	swait.ge [sflag:s25], $0x1400  }
0x6d: {  	[sflag:s25] =	ssyncset.done $0x0  }
0x6e: {  	[sflag:s25] =	ssyncadd.s32 $0xFFFFEC00  }
0x6f: {  	[tilespmem:s29], [sflag:$0x5] =	stream.linear.gather [hbm4b:s21+s4], $0x1400, $0x38;
	[tilespmem:$0x1ED80] =	vst v63  }
0x70: {  	_ =	swait.ge [sflag:s25], $0x1400  }
0x71: {  	[sflag:s25] =	ssyncset.done $0x0  }
0x72: {  	s16 =	simm.s32 $0x0;
	[sflag:s25] =	ssyncadd.s32 $0xFFFFEC00  }
0x73: {  	[tilespmem:s24], [sflag:$0x1] =	stream.indirect.gather [hbm4b:s5+s30], $0x80, s16, s30, $0xb8;
	[tilespmem:$0x1ED80] =	vst v63  }
0x74: {  	s17 =	simm.s32 $0x80  }
0x75: {  	[tilespmem:s31], [sflag:$0x2] =	stream.indirect.gather [hbm4b:s5+s30], $0x80, s17, s30, $0xb8;
	[tilespmem:$0x1ED80] =	vst v63  }
0x76: {  	_ =	swait.ge [sflag:s26], $0x4000  }
0x77: {  	[sflag:s26] =	ssyncset.done $0x0  }
0x78: {  	s18 =	simm.s32 $0x1400;
	[sflag:s26] =	ssyncadd.s32 $0xFFFFC000  }
0x79: {  	[spmem:s2] =	stream.indirect.scatter.add.f32 [tilespmem:s24], [sflag:$0x3], $0x80, s18, s30, $0xb8;
	[tilespmem:$0x1ED80] =	vst v63  }
0x7a: {  	_ =	swait.ge [sflag:s0], $0x4000  }
0x7b: {  	[sflag:s0] =	ssyncset.done $0x0  }
0x7c: {  	s16 =	simm.s32 $0x1480;
	[sflag:s0] =	ssyncadd.s32 $0xFFFFC000  }
0x7d: {  	[spmem:s2] =	stream.indirect.scatter.add.f32 [tilespmem:s31], [sflag:$0x4], $0x80, s16, s30, $0xb8;
	[tilespmem:$0x1ED80] =	vst v63  }
0x7e: {  	_ = 	snop  }
0x7f: {  	[spmem:s3] =	stream.indirect.scatter.add.f32 [tilespmem:s1], [sflag:$0x5], $0x1, s18, s30, $0xb8;
	[tilespmem:$0x1ED80] =	vst v63  }
0x80: {  	_ =	swait.ge [sflag:s25], $0x80  }
0x81: {  	[sflag:s25] =	ssyncset.done $0x0  }
0x82: {  	[sflag:s25] =	ssyncadd.s32 $0xFFFFFF80  }
0x83: {  	[spmem:s3] =	stream.indirect.scatter.add.f32 [tilespmem:s1], [sflag:$0x5], $0x1, s16, s30, $0xb8;
	[tilespmem:$0x1ED80] =	vst v63  }
0x84: {  	_ =	swait.ge [sflag:s25], $0x80  }
0x85: {  	[sflag:s25] =	ssyncset.done $0x0  }
0x86: {  	[sflag:s25] =	ssyncadd.s32 $0xFFFFFF80  }
0x87: {  	_ =	swait.ge [sflag:s6], $0x4000  }
0x88: {  	[sflag:s6] =	ssyncset.done $0x0  }
0x89: {  	[sflag:s6] =	ssyncadd.s32 $0xFFFFC000  }
0x8a: {  	_ =	swait.ge [sflag:s13], $0x4000  }
0x8b: {  	s15 =	simm.s32 $0x400;
	s16 =	simm.s32 $0x800;
	[sflag:s13] =	ssyncset.done $0x0  }
.LBB2_2:
0x8c: {  	s17 =	sshra.s32 s15, $0x2  }
0x8d: {  	[sflag:s13] =	ssyncadd.s32 $0xFFFFC000;
	s15 =	smov.u32 s16;
	s18 =	sadd.s32 $0x400, s16  }
0x8e: {  	[tilespmem:s24], [sflag:$0x1] =	stream.indirect.gather [hbm4b:s5+s30], $0x80, s17, s30, $0xb8;
	[tilespmem:$0x1ED80] =	vst v63  }
0x8f: {  	p0 =	sne.s32 s16, $0x4C00;
	s16 =	sadd.s32 $0x80, s17  }
0x90: {  	[tilespmem:s31], [sflag:$0x2] =	stream.indirect.gather [hbm4b:s5+s30], $0x80, s16, s30, $0xb8;
	[tilespmem:$0x1ED80] =	vst v63  }
0x91: {  	_ =	swait.ge [sflag:s26], $0x4000  }
0x92: {  	[sflag:s26] =	ssyncset.done $0x0  }
0x93: {  	s16 =	sadd.s32 $0x1400, s17;
	[sflag:s26] =	ssyncadd.s32 $0xFFFFC000  }
0x94: {  	[spmem:s2] =	stream.indirect.scatter.add.f32 [tilespmem:s24], [sflag:$0x3], $0x80, s16, s30, $0xb8;
	[tilespmem:$0x1ED80] =	vst v63  }
0x95: {  	_ =	swait.ge [sflag:s0], $0x4000  }
0x96: {  	[sflag:s0] =	ssyncset.done $0x0  }
0x97: {  	s17 =	sadd.s32 $0x1480, s17;
	[sflag:s0] =	ssyncadd.s32 $0xFFFFC000  }
0x98: {  	[spmem:s2] =	stream.indirect.scatter.add.f32 [tilespmem:s31], [sflag:$0x4], $0x80, s17, s30, $0xb8;
	[tilespmem:$0x1ED80] =	vst v63  }
0x99: {  	_ = 	snop  }
0x9a: {  	[spmem:s3] =	stream.indirect.scatter.add.f32 [tilespmem:s1], [sflag:$0x5], $0x1, s16, s30, $0xb8;
	[tilespmem:$0x1ED80] =	vst v63  }
0x9b: {  	_ =	swait.ge [sflag:s25], $0x80  }
0x9c: {  	[sflag:s25] =	ssyncset.done $0x0  }
0x9d: {  	[sflag:s25] =	ssyncadd.s32 $0xFFFFFF80  }
0x9e: {  	[spmem:s3] =	stream.indirect.scatter.add.f32 [tilespmem:s1], [sflag:$0x5], $0x1, s17, s30, $0xb8;
	[tilespmem:$0x1ED80] =	vst v63  }
0x9f: {  	_ =	swait.ge [sflag:s25], $0x80  }
0xa0: {  	[sflag:s25] =	ssyncset.done $0x0  }
0xa1: {  	[sflag:s25] =	ssyncadd.s32 $0xFFFFFF80  }
.Ltmp0:
0xa2: {  	_ =	swait.ge [sflag:s6], $0x4000;
	(pc) =	sbr.rel @p0 .LBB2_2-.Ltmp0, $4  }
0xa3: {  	[sflag:s6] =	ssyncset.done $0x0  }
0xa4: {  	[sflag:s6] =	ssyncadd.s32 $0xFFFFC000  }
0xa5: {  	_ =	swait.ge [sflag:s13], $0x4000  }
0xa6: {  	s16 =	smov.u32 s18;
	[sflag:s13] =	ssyncset.done $0x0  }
0xa7: {  	s15 =	sshra.s32 s15, $0x2;
	[sflag:s13] =	ssyncadd.s32 $0xFFFFC000  }
0xa8: {  	[tilespmem:s24], [sflag:$0x1] =	stream.indirect.gather [hbm4b:s5+s30], $0x80, s15, s30, $0xb8;
	[tilespmem:$0x1ED80] =	vst v63  }
0xa9: {  	s16 =	sadd.s32 $0x80, s15  }
0xaa: {  	[tilespmem:s31], [sflag:$0x2] =	stream.indirect.gather [hbm4b:s5+s30], $0x80, s16, s30, $0xb8;
	[tilespmem:$0x1ED80] =	vst v63  }
0xab: {  	_ =	swait.ge [sflag:s26], $0x4000  }
0xac: {  	[sflag:s26] =	ssyncset.done $0x0  }
0xad: {  	s18 =	sadd.s32 $0x1400, s15;
	[sflag:s26] =	ssyncadd.s32 $0xFFFFC000  }
0xae: {  	[spmem:s2] =	stream.indirect.scatter.add.f32 [tilespmem:s24], [sflag:$0x3], $0x80, s18, s30, $0xb8;
	[tilespmem:$0x1ED80] =	vst v63  }
0xaf: {  	_ =	swait.ge [sflag:s0], $0x4000  }
0xb0: {  	[sflag:s0] =	ssyncset.done $0x0  }
0xb1: {  	s15 =	sadd.s32 $0x1480, s15;
	[sflag:s0] =	ssyncadd.s32 $0xFFFFC000  }
0xb2: {  	[spmem:s2] =	stream.indirect.scatter.add.f32 [tilespmem:s31], [sflag:$0x4], $0x80, s15, s30, $0xb8;
	[tilespmem:$0x1ED80] =	vst v63  }
0xb3: {  	_ = 	snop  }
0xb4: {  	[spmem:s3] =	stream.indirect.scatter.add.f32 [tilespmem:s1], [sflag:$0x5], $0x1, s18, s30, $0xb8;
	[tilespmem:$0x1ED80] =	vst v63  }
0xb5: {  	_ =	swait.ge [sflag:s25], $0x80  }
0xb6: {  	[sflag:s25] =	ssyncset.done $0x0  }
0xb7: {  	[sflag:s25] =	ssyncadd.s32 $0xFFFFFF80  }
0xb8: {  	[spmem:s3] =	stream.indirect.scatter.add.f32 [tilespmem:s1], [sflag:$0x5], $0x1, s15, s30, $0xb8;
	[tilespmem:$0x1ED80] =	vst v63  }
0xb9: {  	_ =	swait.ge [sflag:s25], $0x80  }
0xba: {  	[sflag:s25] =	ssyncset.done $0x0  }
0xbb: {  	[sflag:s25] =	ssyncadd.s32 $0xFFFFFF80  }
0xbc: {  	_ =	swait.ge [sflag:s6], $0x4000  }
0xbd: {  	[sflag:s6] =	ssyncset.done $0x0  }
0xbe: {  	[sflag:s6] =	ssyncadd.s32 $0xFFFFC000  }
0xbf: {  	_ =	swait.ge [sflag:s13], $0x4000  }
0xc0: {  	[sflag:s13] =	ssyncset.done $0x0  }
0xc1: {  	s17 =	simm.s32 $0x0;
	[sflag:s13] =	ssyncadd.s32 $0xFFFFC000  }
0xc2: {  	[tilespmem:s17], [sflag:$0x5] =	stream.linear.gather [hbm4b:s22+s17], $0x1400, $0x38;
	[tilespmem:$0x1ED80] =	vst v63  }
0xc3: {  	_ =	swait.ge [sflag:s25], $0x1400  }
0xc4: {  	[sflag:s25] =	ssyncset.done $0x0  }
0xc5: {  	[sflag:s25] =	ssyncadd.s32 $0xFFFFEC00  }
0xc6: {  	[tilespmem:s29], [sflag:$0x5] =	stream.linear.gather [hbm4b:s23+s17], $0x1400, $0x38;
	[tilespmem:$0x1ED80] =	vst v63  }
0xc7: {  	_ =	swait.ge [sflag:s25], $0x1400  }
0xc8: {  	[sflag:s25] =	ssyncset.done $0x0  }
0xc9: {  	s18 =	simm.s32 $0x0;
	[sflag:s25] =	ssyncadd.s32 $0xFFFFEC00  }
0xca: {  	[tilespmem:s24], [sflag:$0x1] =	stream.indirect.gather [hbm4b:s5+s30], $0x80, s18, s30, $0xb8;
	[tilespmem:$0x1ED80] =	vst v63  }
0xcb: {  	s16 =	simm.s32 $0x80  }
0xcc: {  	[tilespmem:s31], [sflag:$0x2] =	stream.indirect.gather [hbm4b:s5+s30], $0x80, s16, s30, $0xb8;
	[tilespmem:$0x1ED80] =	vst v63  }
0xcd: {  	_ =	swait.ge [sflag:s26], $0x4000  }
0xce: {  	[sflag:s26] =	ssyncset.done $0x0  }
0xcf: {  	s17 =	simm.s32 $0x1400;
	[sflag:s26] =	ssyncadd.s32 $0xFFFFC000  }
0xd0: {  	[spmem:s2] =	stream.indirect.scatter.add.f32 [tilespmem:s24], [sflag:$0x3], $0x80, s17, s30, $0xb8;
	[tilespmem:$0x1ED80] =	vst v63  }
0xd1: {  	_ =	swait.ge [sflag:s0], $0x4000  }
0xd2: {  	[sflag:s0] =	ssyncset.done $0x0  }
0xd3: {  	s18 =	simm.s32 $0x1480;
	[sflag:s0] =	ssyncadd.s32 $0xFFFFC000  }
0xd4: {  	[spmem:s2] =	stream.indirect.scatter.add.f32 [tilespmem:s31], [sflag:$0x4], $0x80, s18, s30, $0xb8;
	[tilespmem:$0x1ED80] =	vst v63  }
0xd5: {  	_ = 	snop  }
0xd6: {  	[spmem:s3] =	stream.indirect.scatter.add.f32 [tilespmem:s1], [sflag:$0x5], $0x1, s17, s30, $0xb8;
	[tilespmem:$0x1ED80] =	vst v63  }
0xd7: {  	_ =	swait.ge [sflag:s25], $0x80  }
0xd8: {  	[sflag:s25] =	ssyncset.done $0x0  }
0xd9: {  	[sflag:s25] =	ssyncadd.s32 $0xFFFFFF80  }
0xda: {  	[spmem:s3] =	stream.indirect.scatter.add.f32 [tilespmem:s1], [sflag:$0x5], $0x1, s18, s30, $0xb8;
	[tilespmem:$0x1ED80] =	vst v63  }
0xdb: {  	_ =	swait.ge [sflag:s25], $0x80  }
0xdc: {  	[sflag:s25] =	ssyncset.done $0x0  }
0xdd: {  	[sflag:s25] =	ssyncadd.s32 $0xFFFFFF80  }
0xde: {  	_ =	swait.ge [sflag:s6], $0x4000  }
0xdf: {  	[sflag:s6] =	ssyncset.done $0x0  }
0xe0: {  	[sflag:s6] =	ssyncadd.s32 $0xFFFFC000  }
0xe1: {  	_ =	swait.ge [sflag:s13], $0x4000  }
0xe2: {  	s15 =	simm.s32 $0x400;
	s16 =	simm.s32 $0x800;
	[sflag:s13] =	ssyncset.done $0x0  }
.LBB2_4:
0xe3: {  	s17 =	sshra.s32 s15, $0x2  }
0xe4: {  	[sflag:s13] =	ssyncadd.s32 $0xFFFFC000;
	s15 =	smov.u32 s16;
	s18 =	sadd.s32 $0x400, s16  }
0xe5: {  	[tilespmem:s24], [sflag:$0x1] =	stream.indirect.gather [hbm4b:s5+s30], $0x80, s17, s30, $0xb8;
	[tilespmem:$0x1ED80] =	vst v63  }
0xe6: {  	p0 =	sne.s32 s16, $0x4C00;
	s16 =	sadd.s32 $0x80, s17  }
0xe7: {  	[tilespmem:s31], [sflag:$0x2] =	stream.indirect.gather [hbm4b:s5+s30], $0x80, s16, s30, $0xb8;
	[tilespmem:$0x1ED80] =	vst v63  }
0xe8: {  	_ =	swait.ge [sflag:s26], $0x4000  }
0xe9: {  	[sflag:s26] =	ssyncset.done $0x0  }
0xea: {  	s16 =	sadd.s32 $0x1400, s17;
	[sflag:s26] =	ssyncadd.s32 $0xFFFFC000  }
0xeb: {  	[spmem:s2] =	stream.indirect.scatter.add.f32 [tilespmem:s24], [sflag:$0x3], $0x80, s16, s30, $0xb8;
	[tilespmem:$0x1ED80] =	vst v63  }
0xec: {  	_ =	swait.ge [sflag:s0], $0x4000  }
0xed: {  	[sflag:s0] =	ssyncset.done $0x0  }
0xee: {  	s17 =	sadd.s32 $0x1480, s17;
	[sflag:s0] =	ssyncadd.s32 $0xFFFFC000  }
0xef: {  	[spmem:s2] =	stream.indirect.scatter.add.f32 [tilespmem:s31], [sflag:$0x4], $0x80, s17, s30, $0xb8;
	[tilespmem:$0x1ED80] =	vst v63  }
0xf0: {  	_ = 	snop  }
0xf1: {  	[spmem:s3] =	stream.indirect.scatter.add.f32 [tilespmem:s1], [sflag:$0x5], $0x1, s16, s30, $0xb8;
	[tilespmem:$0x1ED80] =	vst v63  }
0xf2: {  	_ =	swait.ge [sflag:s25], $0x80  }
0xf3: {  	[sflag:s25] =	ssyncset.done $0x0  }
0xf4: {  	[sflag:s25] =	ssyncadd.s32 $0xFFFFFF80  }
0xf5: {  	[spmem:s3] =	stream.indirect.scatter.add.f32 [tilespmem:s1], [sflag:$0x5], $0x1, s17, s30, $0xb8;
	[tilespmem:$0x1ED80] =	vst v63  }
0xf6: {  	_ =	swait.ge [sflag:s25], $0x80  }
0xf7: {  	[sflag:s25] =	ssyncset.done $0x0  }
0xf8: {  	[sflag:s25] =	ssyncadd.s32 $0xFFFFFF80  }
.Ltmp1:
0xf9: {  	_ =	swait.ge [sflag:s6], $0x4000;
	(pc) =	sbr.rel @p0 .LBB2_4-.Ltmp1, $4  }
0xfa: {  	[sflag:s6] =	ssyncset.done $0x0  }
0xfb: {  	[sflag:s6] =	ssyncadd.s32 $0xFFFFC000  }
0xfc: {  	_ =	swait.ge [sflag:s13], $0x4000  }
0xfd: {  	s16 =	smov.u32 s18;
	[sflag:s13] =	ssyncset.done $0x0  }
0xfe: {  	s15 =	sshra.s32 s15, $0x2;
	[sflag:s13] =	ssyncadd.s32 $0xFFFFC000  }
0xff: {  	[tilespmem:s24], [sflag:$0x1] =	stream.indirect.gather [hbm4b:s5+s30], $0x80, s15, s30, $0xb8;
	[tilespmem:$0x1ED80] =	vst v63  }
0x100: {  	s16 =	sadd.s32 $0x80, s15  }
0x101: {  	[tilespmem:s31], [sflag:$0x2] =	stream.indirect.gather [hbm4b:s5+s30], $0x80, s16, s30, $0xb8;
	[tilespmem:$0x1ED80] =	vst v63  }
0x102: {  	_ =	swait.ge [sflag:s26], $0x4000  }
0x103: {  	[sflag:s26] =	ssyncset.done $0x0  }
0x104: {  	s18 =	sadd.s32 $0x1400, s15;
	[sflag:s26] =	ssyncadd.s32 $0xFFFFC000  }
0x105: {  	[spmem:s2] =	stream.indirect.scatter.add.f32 [tilespmem:s24], [sflag:$0x3], $0x80, s18, s30, $0xb8;
	[tilespmem:$0x1ED80] =	vst v63  }
0x106: {  	_ =	swait.ge [sflag:s0], $0x4000  }
0x107: {  	[sflag:s0] =	ssyncset.done $0x0  }
0x108: {  	s15 =	sadd.s32 $0x1480, s15;
	[sflag:s0] =	ssyncadd.s32 $0xFFFFC000  }
0x109: {  	[spmem:s2] =	stream.indirect.scatter.add.f32 [tilespmem:s31], [sflag:$0x4], $0x80, s15, s30, $0xb8;
	[tilespmem:$0x1ED80] =	vst v63  }
0x10a: {  	_ = 	snop  }
0x10b: {  	[spmem:s3] =	stream.indirect.scatter.add.f32 [tilespmem:s1], [sflag:$0x5], $0x1, s18, s30, $0xb8;
	[tilespmem:$0x1ED80] =	vst v63  }
0x10c: {  	_ =	swait.ge [sflag:s25], $0x80  }
0x10d: {  	[sflag:s25] =	ssyncset.done $0x0  }
0x10e: {  	[sflag:s25] =	ssyncadd.s32 $0xFFFFFF80  }
0x10f: {  	[spmem:s3] =	stream.indirect.scatter.add.f32 [tilespmem:s1], [sflag:$0x5], $0x1, s15, s30, $0xb8;
	[tilespmem:$0x1ED80] =	vst v63  }
0x110: {  	_ =	swait.ge [sflag:s25], $0x80  }
0x111: {  	[sflag:s25] =	ssyncset.done $0x0  }
0x112: {  	[sflag:s25] =	ssyncadd.s32 $0xFFFFFF80  }
0x113: {  	_ =	swait.ge [sflag:s6], $0x4000  }
0x114: {  	[sflag:s6] =	ssyncset.done $0x0  }
0x115: {  	[sflag:s6] =	ssyncadd.s32 $0xFFFFC000  }
0x116: {  	_ =	swait.ge [sflag:s13], $0x4000  }
0x117: {  	[sflag:s13] =	ssyncset.done $0x0  }
0x118: {  	[sflag:s13] =	ssyncadd.s32 $0xFFFFC000  }
0x119: {  	[bflag:$0x0] =	sbarrier.arrive $0xFFFF  }
0x11a: {  	[tilespmem:s24], [sflag:$0x1] =	stream.linear.gather [spmem:s7], $0x4000, $0x38;
	[tilespmem:$0x1ED80] =	vst v63  }
0x11b: {  	_ =	swait.ge [sflag:s26], $0x4000  }
0x11c: {  	[sflag:s26] =	ssyncset.done $0x0  }
0x11d: {  	s16 =	rddreg [dreg:$0x6];
	[sflag:s26] =	ssyncadd.s32 $0xFFFFC000  }
0x11e: {  	[hbm4b:s16+s4] =	stream.linear.scatter [tilespmem:s24], [sflag:$0x3], $0x4000, $0x38;
	[tilespmem:$0x1ED80] =	vst v63  }
0x11f: {  	_ = 	snop  }
0x120: {  	[tilespmem:s31], [sflag:$0x2] =	stream.linear.gather [spmem:s8], $0x4000, $0x38;
	[tilespmem:$0x1ED80] =	vst v63  }
0x121: {  	_ =	swait.ge [sflag:s0], $0x4000  }
0x122: {  	[sflag:s0] =	ssyncset.done $0x0  }
0x123: {  	s17 =	rddreg [dreg:$0x7];
	[sflag:s0] =	ssyncadd.s32 $0xFFFFC000  }
0x124: {  	[hbm4b:s17+s4] =	stream.linear.scatter [tilespmem:s31], [sflag:$0x4], $0x4000, $0x38;
	[tilespmem:$0x1ED80] =	vst v63  }
0x125: {  	_ =	swait.ge [sflag:s6], $0x4000  }
0x126: {  	[sflag:s6] =	ssyncset.done $0x0  }
0x127: {  	[sflag:s6] =	ssyncadd.s32 $0xFFFFC000  }
0x128: {  	[tilespmem:s24], [sflag:$0x1] =	stream.linear.gather [spmem:s9], $0x4000, $0x38;
	[tilespmem:$0x1ED80] =	vst v63  }
0x129: {  	_ =	swait.ge [sflag:s26], $0x4000  }
0x12a: {  	[sflag:s26] =	ssyncset.done $0x0  }
0x12b: {  	s18 =	rddreg [dreg:$0x8];
	[sflag:s26] =	ssyncadd.s32 $0xFFFFC000  }
0x12c: {  	[hbm4b:s18+s4] =	stream.linear.scatter [tilespmem:s24], [sflag:$0x3], $0x4000, $0x38;
	[tilespmem:$0x1ED80] =	vst v63  }
0x12d: {  	_ =	swait.ge [sflag:s13], $0x4000  }
0x12e: {  	[sflag:s13] =	ssyncset.done $0x0  }
0x12f: {  	[sflag:s13] =	ssyncadd.s32 $0xFFFFC000  }
0x130: {  	[tilespmem:s31], [sflag:$0x2] =	stream.linear.gather [spmem:s10], $0x4000, $0x38;
	[tilespmem:$0x1ED80] =	vst v63  }
0x131: {  	_ =	swait.ge [sflag:s0], $0x4000  }
0x132: {  	[sflag:s0] =	ssyncset.done $0x0  }
0x133: {  	s16 =	rddreg [dreg:$0x9];
	[sflag:s0] =	ssyncadd.s32 $0xFFFFC000  }
0x134: {  	[hbm4b:s16+s4] =	stream.linear.scatter [tilespmem:s31], [sflag:$0x4], $0x4000, $0x38;
	[tilespmem:$0x1ED80] =	vst v63  }
0x135: {  	_ =	swait.ge [sflag:s6], $0x4000  }
0x136: {  	[sflag:s6] =	ssyncset.done $0x0  }
0x137: {  	[sflag:s6] =	ssyncadd.s32 $0xFFFFC000  }
0x138: {  	[tilespmem:s24], [sflag:$0x1] =	stream.linear.gather [spmem:s11], $0x4000, $0x38;
	[tilespmem:$0x1ED80] =	vst v63  }
0x139: {  	_ =	swait.ge [sflag:s26], $0x4000  }
0x13a: {  	[sflag:s26] =	ssyncset.done $0x0  }
0x13b: {  	s17 =	rddreg [dreg:$0xa];
	[sflag:s26] =	ssyncadd.s32 $0xFFFFC000  }
0x13c: {  	[hbm4b:s17+s4] =	stream.linear.scatter [tilespmem:s24], [sflag:$0x3], $0x4000, $0x38;
	[tilespmem:$0x1ED80] =	vst v63  }
0x13d: {  	_ =	swait.ge [sflag:s13], $0x4000  }
0x13e: {  	[sflag:s13] =	ssyncset.done $0x0  }
0x13f: {  	[sflag:s13] =	ssyncadd.s32 $0xFFFFC000  }
0x140: {  	_ =	swait.ge [sflag:s6], $0x4000  }
0x141: {  	[sflag:s6] =	ssyncset.done $0x0  }
0x142: {  	[sflag:s6] =	ssyncadd.s32 $0xFFFFC000  }
0x143: {  	[tilespmem:s28], [sflag:$0x5] =	stream.linear.gather [spmem:s12], $0x280, $0x38;
	[tilespmem:$0x1ED80] =	vst v63  }
0x144: {  	s14 =	sadd.s32 $0x1, s14;
	_ =	swait.ge [sflag:s25], $0x280  }
0x145: {  	p0 =	sne.s32 s14, s19;
	[sflag:s25] =	ssyncset.done $0x0  }
.Ltmp2:
0x146: {  	s18 =	rddreg [dreg:$0xb];
	[sflag:s25] =	ssyncadd.s32 $0xFFFFFD80;
	(pc) =	sbr.rel @p0 .LBB2_1-.Ltmp2, $4  }
0x147: {  	[hbm4b:s18+s4] =	stream.linear.scatter [tilespmem:s28], [sflag:$0x5], $0x280, $0x38;
	[tilespmem:$0x1ED80] =	vst v63  }
0x148: {  	_ =	swait.ge [sflag:s25], $0x280  }
0x149: {  	[sflag:s25] =	ssyncset.done $0x0  }
0x14a: {  	[sflag:s25] =	ssyncadd.s32 $0xFFFFFD80  }
0x14b: {  	_ =	sfence.sel $0x180000  }
0x14c: {  	[bflag:$0x0] =	sbarrier.arrive $0xFFFF  }
0x14d: {  	_ =	strace $0x90000047  }
0x14e: {  	s0 =	stileid.u32;
	[bflag:$0x2] =	sbarrier.arrive $0xFFFF  }
0x14f: {  	p0 =	sne.s32 s0, $0x0;
	s0 =	rddreg [dreg:$0x4]  }
0x150: {  	s0 =	sadd.s32 @!p0 $0x100000, s0  }
0x151: {  	[sflag:s0] =	ssyncadd.tile.s32 @!p0 $0x1;
	_ =	shalt  }
.Lfunc_end2:
_tile_overlayer_lowered:
.L_overlay_start_2:
0x152: {  	(tag) =	ssettag $0x2  }
0x153: {  	s0 =	rddreg [dreg:$0x0];
	s2 =	stileid.u32  }
0x154: {  	s1 =	rddreg [dreg:$0x1];
	p0 =	sne.s32 s2, $0x0  }
0x155: {  	s3 =	rddreg [dreg:$0x2];
	[bflag:$0x3] =	sbarrier.arrive $0xFFFF;
	s2 =	simm.s32 @!p0 $0x1C05  }
0x156: {  	[timem:s3], [sflag:s2] =	dma.local @!p0 [hbm:s0], s1  }
0x157: {  	s0 =	simm.s32 @!p0 $0x5  }
0x158: {  	_ =	swait.ge @!p0 [sflag:s0], s1  }
0x159: {  	s1 =	ssub.s32 @!p0 $0x0, s1;
	[sflag:s0] =	ssyncset.done @!p0 $0x0  }
0x15a: {  	[sflag:s0] =	ssyncadd.s32 @!p0 s1  }
0x15b: {  	[bflag:$0x3] =	sbarrier.arrive $0xFFFF  }
0x15c: {  	_ =	shalt  }

// kernel: kernel.9.cloned.1.call-start
scs
__scs_entry_jumppad:
0x0: {  	(pc) =	sbr.rel $0x88, $3  }
0x1: {  	(tag) =	ssettag $0x0;
	lr =	simm.s32 $0x1  }
0x2: {  	[smem:$0x3F99] =	sst lr;
	_ =	strace $0xD0000000  }
0x3: {  	_ = 	snop  }
0x4: {  	_ = 	snop  }
0x5: {  	_ = 	snop  }
0x6: {  	_ = 	snop  }
0x7: {  	_ = 	snop  }
__scs_overlays_trampoline_lowered:
0x8: {  	[smem:$0x3FA8] =	sst s0  }
0x9: {  	[smem:$0x3FA9] =	sst s1  }
0xa: {  	[smem:$0x3FAA] =	sst s2  }
0xb: {  	[smem:$0x3FAB] =	sst s3  }
0xc: {  	[smem:$0x3FAC] =	sst s4  }
0xd: {  	[smem:$0x3FAD] =	sst s5  }
0xe: {  	[smem:$0x3FAE] =	sst s6  }
0xf: {  	[smem:$0x3FAF] =	sst s7  }
0x10: {  	[smem:$0x3FB0] =	sst s8  }
0x11: {  	[smem:$0x3FB1] =	sst s9;
	s0 =	simm.s32 @!p0 $0x0  }
0x12: {  	s1 =	sld [smem:$0x3F97];
	s0 =	simm.s32 @p0 $0x1  }
0x13: {  	[smem:$0x3FB2] =	sst s0;
	s0 =	simm.s32 @!p1 $0x0  }
0x14: {  	s2 =	sld [smem:$0x3F96];
	s0 =	simm.s32 @p1 $0x1  }
0x15: {  	[smem:$0x3FB3] =	sst s0;
	s0 =	simm.s32 @!p2 $0x0  }
0x16: {  	s3 =	sld [smem:$0x3FDB];
	s0 =	simm.s32 @p2 $0x1  }
0x17: {  	s4 =	simm.s32 $0x1BF5;
	[smem:$0x3FB5] =	sst s0  }
0x18: {  	s0 =	sld [smem:$0x3F98];
	_ =	swait.ge [sflag:s4], $0x0  }
0x19: {  	s7 =	sld [smem:$0x3F99]  }
0x1a: {  	s8 =	sadd.s32 $0xFFFFE003, lr  }
0x1b: {  	s9 =	sadd.s32 $0xFFFFFEF7, lr;
	s5 =	simm.s32 $0xFFFFFFFF;
	p2 =	slt.u32 s8, $0xFFFFF086  }
0x1c: {  	p1 =	slt.u32 s9, $0xF7A;
	s5 =	simm.s32 @!p2 $0x0  }
0x1d: {  	s5 =	simm.s32 @p1 $0x1;
	p0 =	seq.s32 s7, s2  }
0x1e: {  	s7 =	smul.u32 @!p0 $0xF7A, s2;
	p2 =	seq.s32 @!p0 s5, $0x0  }
0x1f: {  	s9 =	smul.u32 $0xF7A, s1;
	s8 =	simm.s32 @!p0 $0x1BF5;
	p2 =	por !p2, p0  }
0x20: {  	[sflag:s8] =	ssyncset.s32 @!p0 $0xFFFFF086;
	s6 =	sadd.s32 @!p0 s3, s7;
	s7 =	simm.s32 @!p0 $0x108  }
0x21: {  	s3 =	sadd.s32 s3, s9;
	s6 =	sadd.s32 @!p0 $0x88, s6;
	s7 =	simm.s32 @p2 $0x1082  }
0x22: {  	[simem:s7], [sflag:s8] =	dma.local @!p0 [hbm:s6], $0xF7A  }
0x23: {  	s9 =	sor.u32 $0xD0000000, s2;
	s6 =	simm.s32 $0x108;
	_ =	swait.ge @!p0 [sflag:s8], $0x0  }
0x24: {  	s3 =	sadd.s32 $0x88, s3;
	s6 =	simm.s32 @!p1 $0x1082;
	[sflag:s4] =	ssyncset.s32 $0xFFFFF086  }
0x25: {  	[simem:s6], [sflag:s4] =	dma.local [hbm:s3], $0xF7A  }
0x26: {  	[smem:$0x3F99] =	sst s1;
	(tag) =	ssettag s2;
	_ =	strace s9  }
0x27: {  	s1 =	sld [smem:$0x3FA9]  }
0x28: {  	s2 =	sld [smem:$0x3FAA]  }
0x29: {  	s4 =	sld [smem:$0x3FAC]  }
0x2a: {  	p0 =	seq.s32 s5, $0x0;
	s5 =	sld [smem:$0x3FAD]  }
0x2b: {  	s6 =	sld [smem:$0x3FAE]  }
0x2c: {  	s7 =	sld [smem:$0x3FAF]  }
0x2d: {  	s3 =	simm.s32 $0x108;
	s8 =	sld [smem:$0x3FB0]  }
0x2e: {  	s3 =	simm.s32 @!p0 $0x1082;
	s9 =	sld [smem:$0x3FB1]  }
0x2f: {  	lr =	sadd.s32 s0, s3;
	s0 =	sld [smem:$0x3FA8]  }
0x30: {  	s3 =	sld [smem:$0x3FAB]  }
0x31: {  	[smem:$0x3FB4] =	sst s10  }
0x32: {  	s10 =	sld [smem:$0x3FB2];
	_ =	sdelay $0x3  }
0x33: {  	p0 =	seq.s32 s10, $0x1;
	s10 =	sld [smem:$0x3FB4];
	_ =	sdelay $0x3  }
0x34: {  	[smem:$0x3FB4] =	sst s10  }
0x35: {  	s10 =	sld [smem:$0x3FB3];
	_ =	sdelay $0x3  }
0x36: {  	p1 =	seq.s32 s10, $0x1;
	s10 =	sld [smem:$0x3FB4];
	_ =	sdelay $0x3  }
0x37: {  	[smem:$0x3FB4] =	sst s10  }
0x38: {  	s10 =	sld [smem:$0x3FB5]  }
0x39: {  	_ = 	snop;
	(pc) =	sbr.ind lr, $3  }
0x3a: {  	_ = 	snop  }
0x3b: {  	_ = 	snop  }
0x3c: {  	p2 =	seq.s32 s10, $0x1;
	s10 =	sld [smem:$0x3FB4]  }
0x3d: {  	_ =	shalt  }
0x3e: {  	_ =	shalt  }
0x3f: {  	_ =	shalt  }
0x40: {  	_ =	shalt  }
0x41: {  	_ =	shalt  }
0x42: {  	_ =	shalt  }
0x43: {  	_ =	shalt  }
0x44: {  	_ =	shalt  }
0x45: {  	_ =	shalt  }
0x46: {  	_ =	shalt  }
0x47: {  	_ =	shalt  }
0x48: {  	_ =	shalt  }
0x49: {  	_ =	shalt  }
0x4a: {  	_ =	shalt  }
0x4b: {  	_ =	shalt  }
0x4c: {  	_ =	shalt  }
0x4d: {  	_ =	shalt  }
0x4e: {  	_ =	shalt  }
0x4f: {  	_ =	shalt  }
0x50: {  	_ =	shalt  }
0x51: {  	_ =	shalt  }
0x52: {  	_ =	shalt  }
0x53: {  	_ =	shalt  }
0x54: {  	_ =	shalt  }
0x55: {  	_ =	shalt  }
0x56: {  	_ =	shalt  }
0x57: {  	_ =	shalt  }
0x58: {  	_ =	shalt  }
0x59: {  	_ =	shalt  }
0x5a: {  	_ =	shalt  }
0x5b: {  	_ =	shalt  }
0x5c: {  	_ =	shalt  }
0x5d: {  	_ =	shalt  }
0x5e: {  	_ =	shalt  }
0x5f: {  	_ =	shalt  }
0x60: {  	_ =	shalt  }
0x61: {  	_ =	shalt  }
0x62: {  	_ =	shalt  }
0x63: {  	_ =	shalt  }
0x64: {  	_ =	shalt  }
0x65: {  	_ =	shalt  }
0x66: {  	_ =	shalt  }
0x67: {  	_ =	shalt  }
0x68: {  	_ =	shalt  }
0x69: {  	_ =	shalt  }
0x6a: {  	_ =	shalt  }
0x6b: {  	_ =	shalt  }
0x6c: {  	_ =	shalt  }
0x6d: {  	_ =	shalt  }
0x6e: {  	_ =	shalt  }
0x6f: {  	_ =	shalt  }
0x70: {  	_ =	shalt  }
0x71: {  	_ =	shalt  }
0x72: {  	_ =	shalt  }
0x73: {  	_ =	shalt  }
0x74: {  	_ =	shalt  }
0x75: {  	_ =	shalt  }
0x76: {  	_ =	shalt  }
0x77: {  	_ =	shalt  }
0x78: {  	_ =	shalt  }
0x79: {  	_ =	shalt  }
0x7a: {  	_ =	shalt  }
0x7b: {  	_ =	shalt  }
0x7c: {  	_ =	shalt  }
0x7d: {  	_ =	shalt  }
0x7e: {  	_ =	shalt  }
0x7f: {  	_ =	shalt  }
0x80: {  	_ =	shalt  }
0x81: {  	_ =	shalt  }
0x82: {  	_ =	shalt  }
0x83: {  	_ =	shalt  }
0x84: {  	_ =	shalt  }
0x85: {  	_ =	shalt  }
0x86: {  	_ =	shalt  }
0x87: {  	_ =	shalt  }
.Lfunc_end0:
.L_simem_size_0:
called_computation.1_lowered:
.L_overlay_start_0:
0x88: {  	s2 =	sld [smem:$0x3FD9]  }
0x89: {  	s3 =	sld [smem:$0x3FFE];
	_ =	sdelay $0x1  }
0x8a: {  	s1 =	srdreg.scid  }
0x8b: {  	s0 =	sand.u32 $0x1, s1  }
0x8c: {  	s17 =	sshll.u32 s0, $0xA;
	s2 =	sadd.s32 s3, s2  }
0x8d: {  	s2 =	sadd.s32 s2, s17  }
0x8e: {  	[smem:$0x3FC0] =	sst s2  }
0x8f: {  	_ = 	snop  }
0x90: {  	s2 =	sld [smem:$0x3FD0];
	(tm) =	ssettm $0x1  }
0x91: {  	s18 =	sld [smem:$0x3FFB];
	_ =	sdelay $0x3  }
0x92: {  	_ =	strace s18  }
0x93: {  	s3 =	sld [smem:$0x3FFC];
	_ =	sdelay $0x3  }
0x94: {  	_ =	strace s3  }
0x95: {  	s3 =	sld [smem:$0x3FFD];
	_ =	sdelay $0x3  }
0x96: {  	_ =	strace s3  }
0x97: {  	_ =	strace $0x8FFFFFFF  }
0x98: {  	s19 =	sld [smem:$0x3FDB];
	_ =	sdelay $0x1  }
0x99: {  	s4 =	simm.s32 $_scs_section_size  }
0x9a: {  	s5 =	simm.s32 $_size__tile_overlayer_lowered;
	s6 =	simm.s32 $_tile_overlayer_lowered  }
0x9b: {  	s22 =	simm.s32 $0x1BFF;
	s21 =	sshll.u32 s6, $0x1;
	s3 =	sadd.s32 s4, s19  }
0x9c: {  	s7 =	simm.s32 $0x0;
	s20 =	sshll.u32 s5, $0x1;
	s5 =	sadd.s32 s21, s3  }
0x9d: {  	[timem:s7], [sflag:s22] =	dma.local [hbm:s5], s20  }
0x9e: {  	_ =	swait.ge [sflag:s22], s20  }
0x9f: {  	s4 =	ssub.s32 $0x0, s20;
	[sflag:s22] =	ssyncset.done $0x0  }
0xa0: {  	[sflag:s22] =	ssyncadd.s32 s4;
	_ =	sdelay $0x1  }
0xa1: {  	s23 =	simm.s32 $0x1B8B  }
0xa2: {  	_ =	swait.ge [sflag:s23], $0x1  }
0xa3: {  	[sflag:s23] =	ssyncset.done $0x0  }
0xa4: {  	s25 =	simm.s32 $0x1B8E;
	s24 =	sld [smem:$0x3FFE];
	[sflag:s23] =	ssyncadd.s32 $0xFFFFFFFF  }
0xa5: {  	s26 =	simm.s32 $execute0_lowered;
	[smem:$0x3FD2] =	sst s25  }
0xa6: {  	s5 =	sshll.u32 s26, $0x1;
	_ =	strace $0x80000049;
	[dreg:$0x1] =	wrdreg $0xFFFFFFFF  }
0xa7: {  	s28 =	simm.s32 $_size_execute0_lowered;
	s3 =	sadd.s32 s3, s5;
	[dreg:$0x0] =	wrdreg $0x0  }
0xa8: {  	s5 =	sshll.u32 s28, $0x1;
	[dreg:$0x2] =	wrdreg s3  }
0xa9: {  	[dreg:$0x3] =	wrdreg s5  }
0xaa: {  	[dreg:$0x4] =	wrdreg $0xC0  }
0xab: {  	_ =	task [dreg:s7], $0x5FFFF  }
0xac: {  	[dreg:$0x1] =	wrdreg $0xFFFFFFFF  }
0xad: {  	[dreg:$0x0] =	wrdreg $0x60  }
0xae: {  	[dreg:$0x2] =	wrdreg s24  }
0xaf: {  	[dreg:$0x3] =	wrdreg s2  }
0xb0: {  	[dreg:$0x4] =	wrdreg $0xA8000  }
0xb1: {  	[dreg:$0x5] =	wrdreg $0x9  }
0xb2: {  	_ =	task.clear_ibuf [dreg:s7], $0x6FFFF;
	_ =	strace $0x90000049  }
0xb3: {  	s29 =	simm.s32 $0x9;
	_ =	strace $0x8000004B  }
0xb4: {  	_ =	swait.ge [sflag:s29], $0x1  }
0xb5: {  	[sflag:s29] =	ssyncadd.s32 $0xFFFFFFFF  }
0xb6: {  	_ =	strace $0x9000004B  }
0xb7: {  	_ =	sfence  }
0xb8: {  	s30 =	sld [smem:$0x0];
	_ =	sdelay $0x2  }
0xb9: {  	s31 =	sshll.u32 s1, $0xD;
	s1 =	sshrl.u32 s1, $0x2  }
0xba: {  	s3 =	sand.u32 $0x4000, s31;
	s1 =	sadd.s32 s1, s30  }
0xbb: {  	s0 =	sor.u32 s3, s0;
	s1 =	sshll.u32 s1, $0x11  }
0xbc: {  	s0 =	sor.u32 s1, s0  }
0xbd: {  	s0 =	sadd.s32 $0x8F2B, s0  }
0xbe: {  	[sflag:s0] =	ssyncadd.remote.s32 $0x1  }
0xbf: {  	_ =	sfence.sel $0xFFFF  }
0xc0: {  	[dreg:$0x0] =	wrdreg $0xFFFFFFFF;
	(pc) =	sbr.abs _section_cstart, $3  }
0xc1: {  	[dreg:$0x1] =	wrdreg $0xFFFFFFFF  }
0xc2: {  	_ =	task.clear_ibuf [dreg:s7], $0x2FFFF;
	_ =	strace $0x9FFFFFFF  }
0xc3: {  	(tm) =	ssettm $0x7FFFFFFF  }
tec
execute0_lowered:
.L_overlay_start_1:
0x0: {  	(tag) =	ssettag $0x1  }
0x1: {  	s0 =	rddreg [dreg:$0x0]  }
0x2: {  	s1 =	rddreg [dreg:$0x1]  }
0x3: {  	s2 =	rddreg [dreg:$0x2]  }
0x4: {  	s4 =	srdreg.scid;
	s10 =	stileid.u32  }
0x5: {  	s3 =	simm.s32 $0x0;
	s21 =	simm.s32 $0x2800;
	s28 =	simm.s32 $0x2  }
0x6: {  	s29 =	simm.s32 $0x3;
	s30 =	simm.s32 $0x4;
	s31 =	simm.s32 $0x0  }
0x7: {  	s6 =	sand.u32 $0x1, s4;
	s5 =	smul.u32 $0x280, s10;
	[smem:$0x7FF] =	sst s3  }
0x8: {  	s4 =	sadd.s32 $0xBE00, s0;
	s19 =	sadd.s32 $0x1E00, s0;
	s8 =	smul.u32 $0x50000, s10  }
0x9: {  	s22 =	sadd.s32 $0x33E00, s0;
	s7 =	smul.u32 $0x2800, s6;
	_ =	strace $0x8000004A  }
0xa: {  	[dreg:$0x4] =	wrdreg s22;
	s9 =	ssub.s32 $0x2, s6;
	s24 =	sshll.u32 s6, $0x4  }
0xb: {  	s22 =	simm.s32 $0x5;
	s23 =	sshrl.u32 s9, $0x1;
	s8 =	sshrl.u32 s8, $0x2  }
0xc: {  	s14 =	sor.u32 s10, s24;
	s24 =	simm.s32 $0x1400;
	s7 =	sadd.s32 s5, s7  }
0xd: {  	s16 =	ssub.s32 s9, s23;
	s6 =	sadd.s32 s8, s2;
	s20 =	smul.u32 $0x500, s14  }
0xe: {  	s23 =	simm.s32 $0x1;
	s7 =	sshll.u32 s7, $0x4;
	s8 =	sadd.s32 $0x8000, s6  }
0xf: {  	s9 =	sadd.s32 $0xC000, s6;
	s10 =	sadd.s32 $0x10000, s6;
	s16 =	smax.u32 s16, $0x1  }
0x10: {  	s0 =	sadd.s32 s7, s0;
	s7 =	sadd.s32 $0x4000, s6;
	s17 =	sadd.s32 s19, s20  }
0x11: {  	s18 =	sadd.s32 s1, s20;
	s26 =	sadd.s32 $0x280, s20;
	s25 =	sadd.s32 $0x5C600, s0  }
0x12: {  	s12 =	sadd.s32 $0x5CE00, s0;
	s13 =	sadd.s32 $0x5D600, s0;
	s14 =	sadd.s32 $0x5DE00, s0  }
0x13: {  	s15 =	sadd.s32 $0x5E600, s0;
	s19 =	sadd.s32 s19, s26;
	s20 =	sadd.s32 s1, s26  }
0x14: {  	s26 =	simm.s32 $0x6800;
	[dreg:$0x5] =	wrdreg s25;
	s25 =	simm.s32 $0x80  }
.LBB2_1:
0x15: {  	s0 =	rddreg [dreg:$0x4]  }
0x16: {  	[tilespmem:s21], [sflag:$0x5] =	stream.linear.gather [hbm4b:s0+s3], $0x4000, $0x38;
	[tilespmem:$0x1E800] =	vst v63  }
0x17: {  	_ =	swait.ge [sflag:s22], $0x4000  }
0x18: {  	[sflag:s22] =	ssyncset.done $0x0  }
0x19: {  	[sflag:s22] =	ssyncadd.s32 $0xFFFFC000  }
0x1a: {  	[spmem:s6] =	stream.linear.scatter [tilespmem:s21], [sflag:$0x1], $0x4000, $0x38;
	[tilespmem:$0x1E800] =	vst v63  }
0x1b: {  	_ = 	snop  }
0x1c: {  	[spmem:s7] =	stream.linear.scatter [tilespmem:s21], [sflag:$0x1], $0x4000, $0x38;
	[tilespmem:$0x1E800] =	vst v63  }
0x1d: {  	_ = 	snop  }
0x1e: {  	[spmem:s8] =	stream.linear.scatter [tilespmem:s21], [sflag:$0x1], $0x4000, $0x38;
	[tilespmem:$0x1E800] =	vst v63  }
0x1f: {  	_ = 	snop  }
0x20: {  	[spmem:s9] =	stream.linear.scatter [tilespmem:s21], [sflag:$0x1], $0x4000, $0x38;
	[tilespmem:$0x1E800] =	vst v63  }
0x21: {  	_ = 	snop  }
0x22: {  	[spmem:s10] =	stream.linear.scatter [tilespmem:s21], [sflag:$0x1], $0x4000, $0x38;
	[tilespmem:$0x1E800] =	vst v63  }
0x23: {  	_ =	swait.ge [sflag:s23], $0x4000  }
0x24: {  	[sflag:s23] =	ssyncset.done $0x0  }
0x25: {  	[sflag:s23] =	ssyncadd.s32 $0xFFFFC000  }
0x26: {  	_ =	swait.ge [sflag:s23], $0x4000  }
0x27: {  	[sflag:s23] =	ssyncset.done $0x0  }
0x28: {  	[sflag:s23] =	ssyncadd.s32 $0xFFFFC000  }
0x29: {  	_ =	swait.ge [sflag:s23], $0x4000  }
0x2a: {  	[sflag:s23] =	ssyncset.done $0x0  }
0x2b: {  	[sflag:s23] =	ssyncadd.s32 $0xFFFFC000  }
0x2c: {  	_ =	swait.ge [sflag:s23], $0x4000  }
0x2d: {  	[sflag:s23] =	ssyncset.done $0x0  }
0x2e: {  	[sflag:s23] =	ssyncadd.s32 $0xFFFFC000  }
0x2f: {  	_ =	swait.ge [sflag:s23], $0x4000  }
0x30: {  	[sflag:s23] =	ssyncset.done $0x0  }
0x31: {  	[sflag:s23] =	ssyncadd.s32 $0xFFFFC000  }
0x32: {  	[bflag:$0x0] =	sbarrier.arrive $0xFFFF  }
0x33: {  	[tilespmem:s3], [sflag:$0x5] =	stream.linear.gather [hbm4b:s17+s3], $0x1400, $0x38;
	[tilespmem:$0x1E800] =	vst v63  }
0x34: {  	_ =	swait.ge [sflag:s22], $0x1400  }
0x35: {  	[sflag:s22] =	ssyncset.done $0x0  }
0x36: {  	[sflag:s22] =	ssyncadd.s32 $0xFFFFEC00  }
0x37: {  	[tilespmem:s24], [sflag:$0x5] =	stream.linear.gather [hbm4b:s18+s3], $0x1400, $0x38;
	[tilespmem:$0x1E800] =	vst v63  }
0x38: {  	_ =	swait.ge [sflag:s22], $0x1400  }
0x39: {  	[sflag:s22] =	ssyncset.done $0x0  }
0x3a: {  	s11 =	simm.s32 $0x0;
	[sflag:s22] =	ssyncadd.s32 $0xFFFFEC00  }
0x3b: {  	[tilespmem:s21], [sflag:$0x1] =	stream.indirect.gather [hbm4b:s4+s25], $0x80, s11, s25, $0xb8;
	[tilespmem:$0x1E800] =	vst v63  }
0x3c: {  	s1 =	simm.s32 $0x80  }
0x3d: {  	[tilespmem:s26], [sflag:$0x2] =	stream.indirect.gather [hbm4b:s4+s25], $0x80, s1, s25, $0xb8;
	[tilespmem:$0x1E800] =	vst v63  }
0x3e: {  	_ =	swait.ge [sflag:s23], $0x4000  }
0x3f: {  	[sflag:s23] =	ssyncset.done $0x0  }
0x40: {  	s5 =	simm.s32 $0x1400;
	[sflag:s23] =	ssyncadd.s32 $0xFFFFC000  }
0x41: {  	[spmem:s2] =	stream.indirect.scatter.add.f32 [tilespmem:s21], [sflag:$0x3], $0x80, s5, s25, $0xb8;
	[tilespmem:$0x1E800] =	vst v63  }
0x42: {  	_ =	swait.ge [sflag:s28], $0x4000  }
0x43: {  	[sflag:s28] =	ssyncset.done $0x0  }
0x44: {  	s11 =	simm.s32 $0x1480;
	[sflag:s28] =	ssyncadd.s32 $0xFFFFC000  }
0x45: {  	[spmem:s2] =	stream.indirect.scatter.add.f32 [tilespmem:s26], [sflag:$0x4], $0x80, s11, s25, $0xb8;
	[tilespmem:$0x1E800] =	vst v63  }
0x46: {  	_ =	swait.ge [sflag:s29], $0x4000  }
0x47: {  	[sflag:s29] =	ssyncset.done $0x0  }
0x48: {  	[sflag:s29] =	ssyncadd.s32 $0xFFFFC000  }
0x49: {  	_ =	swait.ge [sflag:s30], $0x4000  }
0x4a: {  	s0 =	simm.s32 $0x400;
	s1 =	simm.s32 $0x800;
	[sflag:s30] =	ssyncset.done $0x0  }
.LBB2_2:
0x4b: {  	s5 =	sshra.s32 s0, $0x2  }
0x4c: {  	[sflag:s30] =	ssyncadd.s32 $0xFFFFC000;
	s0 =	smov.u32 s1;
	s11 =	sadd.s32 $0x400, s1  }
0x4d: {  	[tilespmem:s21], [sflag:$0x1] =	stream.indirect.gather [hbm4b:s4+s25], $0x80, s5, s25, $0xb8;
	[tilespmem:$0x1E800] =	vst v63  }
0x4e: {  	p0 =	sne.s32 s1, $0x4C00;
	s1 =	sadd.s32 $0x80, s5  }
0x4f: {  	[tilespmem:s26], [sflag:$0x2] =	stream.indirect.gather [hbm4b:s4+s25], $0x80, s1, s25, $0xb8;
	[tilespmem:$0x1E800] =	vst v63  }
0x50: {  	_ =	swait.ge [sflag:s23], $0x4000  }
0x51: {  	[sflag:s23] =	ssyncset.done $0x0  }
0x52: {  	s1 =	sadd.s32 $0x1400, s5;
	[sflag:s23] =	ssyncadd.s32 $0xFFFFC000  }
0x53: {  	[spmem:s2] =	stream.indirect.scatter.add.f32 [tilespmem:s21], [sflag:$0x3], $0x80, s1, s25, $0xb8;
	[tilespmem:$0x1E800] =	vst v63  }
0x54: {  	_ =	swait.ge [sflag:s28], $0x4000  }
0x55: {  	[sflag:s28] =	ssyncset.done $0x0  }
0x56: {  	s1 =	sadd.s32 $0x1480, s5;
	[sflag:s28] =	ssyncadd.s32 $0xFFFFC000  }
0x57: {  	[spmem:s2] =	stream.indirect.scatter.add.f32 [tilespmem:s26], [sflag:$0x4], $0x80, s1, s25, $0xb8;
	[tilespmem:$0x1E800] =	vst v63  }
.Ltmp0:
0x58: {  	_ =	swait.ge [sflag:s29], $0x4000;
	(pc) =	sbr.rel @p0 .LBB2_2-.Ltmp0, $4  }
0x59: {  	[sflag:s29] =	ssyncset.done $0x0  }
0x5a: {  	[sflag:s29] =	ssyncadd.s32 $0xFFFFC000  }
0x5b: {  	_ =	swait.ge [sflag:s30], $0x4000  }
0x5c: {  	s1 =	smov.u32 s11;
	[sflag:s30] =	ssyncset.done $0x0  }
0x5d: {  	s0 =	sshra.s32 s0, $0x2;
	[sflag:s30] =	ssyncadd.s32 $0xFFFFC000  }
0x5e: {  	[tilespmem:s21], [sflag:$0x1] =	stream.indirect.gather [hbm4b:s4+s25], $0x80, s0, s25, $0xb8;
	[tilespmem:$0x1E800] =	vst v63  }
0x5f: {  	s1 =	sadd.s32 $0x80, s0  }
0x60: {  	[tilespmem:s26], [sflag:$0x2] =	stream.indirect.gather [hbm4b:s4+s25], $0x80, s1, s25, $0xb8;
	[tilespmem:$0x1E800] =	vst v63  }
0x61: {  	_ =	swait.ge [sflag:s23], $0x4000  }
0x62: {  	[sflag:s23] =	ssyncset.done $0x0  }
0x63: {  	s11 =	sadd.s32 $0x1400, s0;
	[sflag:s23] =	ssyncadd.s32 $0xFFFFC000  }
0x64: {  	[spmem:s2] =	stream.indirect.scatter.add.f32 [tilespmem:s21], [sflag:$0x3], $0x80, s11, s25, $0xb8;
	[tilespmem:$0x1E800] =	vst v63  }
0x65: {  	_ =	swait.ge [sflag:s28], $0x4000  }
0x66: {  	[sflag:s28] =	ssyncset.done $0x0  }
0x67: {  	s0 =	sadd.s32 $0x1480, s0;
	[sflag:s28] =	ssyncadd.s32 $0xFFFFC000  }
0x68: {  	[spmem:s2] =	stream.indirect.scatter.add.f32 [tilespmem:s26], [sflag:$0x4], $0x80, s0, s25, $0xb8;
	[tilespmem:$0x1E800] =	vst v63  }
0x69: {  	_ =	swait.ge [sflag:s29], $0x4000  }
0x6a: {  	[sflag:s29] =	ssyncset.done $0x0  }
0x6b: {  	[sflag:s29] =	ssyncadd.s32 $0xFFFFC000  }
0x6c: {  	_ =	swait.ge [sflag:s30], $0x4000  }
0x6d: {  	[sflag:s30] =	ssyncset.done $0x0  }
0x6e: {  	s5 =	simm.s32 $0x0;
	[sflag:s30] =	ssyncadd.s32 $0xFFFFC000  }
0x6f: {  	[tilespmem:s5], [sflag:$0x5] =	stream.linear.gather [hbm4b:s19+s5], $0x1400, $0x38;
	[tilespmem:$0x1E800] =	vst v63  }
0x70: {  	_ =	swait.ge [sflag:s22], $0x1400  }
0x71: {  	[sflag:s22] =	ssyncset.done $0x0  }
0x72: {  	[sflag:s22] =	ssyncadd.s32 $0xFFFFEC00  }
0x73: {  	[tilespmem:s24], [sflag:$0x5] =	stream.linear.gather [hbm4b:s20+s5], $0x1400, $0x38;
	[tilespmem:$0x1E800] =	vst v63  }
0x74: {  	_ =	swait.ge [sflag:s22], $0x1400  }
0x75: {  	[sflag:s22] =	ssyncset.done $0x0  }
0x76: {  	s11 =	simm.s32 $0x0;
	[sflag:s22] =	ssyncadd.s32 $0xFFFFEC00  }
0x77: {  	[tilespmem:s21], [sflag:$0x1] =	stream.indirect.gather [hbm4b:s4+s25], $0x80, s11, s25, $0xb8;
	[tilespmem:$0x1E800] =	vst v63  }
0x78: {  	s1 =	simm.s32 $0x80  }
0x79: {  	[tilespmem:s26], [sflag:$0x2] =	stream.indirect.gather [hbm4b:s4+s25], $0x80, s1, s25, $0xb8;
	[tilespmem:$0x1E800] =	vst v63  }
0x7a: {  	_ =	swait.ge [sflag:s23], $0x4000  }
0x7b: {  	[sflag:s23] =	ssyncset.done $0x0  }
0x7c: {  	s5 =	simm.s32 $0x1400;
	[sflag:s23] =	ssyncadd.s32 $0xFFFFC000  }
0x7d: {  	[spmem:s2] =	stream.indirect.scatter.add.f32 [tilespmem:s21], [sflag:$0x3], $0x80, s5, s25, $0xb8;
	[tilespmem:$0x1E800] =	vst v63  }
0x7e: {  	_ =	swait.ge [sflag:s28], $0x4000  }
0x7f: {  	[sflag:s28] =	ssyncset.done $0x0  }
0x80: {  	s11 =	simm.s32 $0x1480;
	[sflag:s28] =	ssyncadd.s32 $0xFFFFC000  }
0x81: {  	[spmem:s2] =	stream.indirect.scatter.add.f32 [tilespmem:s26], [sflag:$0x4], $0x80, s11, s25, $0xb8;
	[tilespmem:$0x1E800] =	vst v63  }
0x82: {  	_ =	swait.ge [sflag:s29], $0x4000  }
0x83: {  	[sflag:s29] =	ssyncset.done $0x0  }
0x84: {  	[sflag:s29] =	ssyncadd.s32 $0xFFFFC000  }
0x85: {  	_ =	swait.ge [sflag:s30], $0x4000  }
0x86: {  	s0 =	simm.s32 $0x400;
	s1 =	simm.s32 $0x800;
	[sflag:s30] =	ssyncset.done $0x0  }
.LBB2_4:
0x87: {  	s5 =	sshra.s32 s0, $0x2  }
0x88: {  	[sflag:s30] =	ssyncadd.s32 $0xFFFFC000;
	s0 =	smov.u32 s1;
	s11 =	sadd.s32 $0x400, s1  }
0x89: {  	[tilespmem:s21], [sflag:$0x1] =	stream.indirect.gather [hbm4b:s4+s25], $0x80, s5, s25, $0xb8;
	[tilespmem:$0x1E800] =	vst v63  }
0x8a: {  	p0 =	sne.s32 s1, $0x4C00;
	s1 =	sadd.s32 $0x80, s5  }
0x8b: {  	[tilespmem:s26], [sflag:$0x2] =	stream.indirect.gather [hbm4b:s4+s25], $0x80, s1, s25, $0xb8;
	[tilespmem:$0x1E800] =	vst v63  }
0x8c: {  	_ =	swait.ge [sflag:s23], $0x4000  }
0x8d: {  	[sflag:s23] =	ssyncset.done $0x0  }
0x8e: {  	s1 =	sadd.s32 $0x1400, s5;
	[sflag:s23] =	ssyncadd.s32 $0xFFFFC000  }
0x8f: {  	[spmem:s2] =	stream.indirect.scatter.add.f32 [tilespmem:s21], [sflag:$0x3], $0x80, s1, s25, $0xb8;
	[tilespmem:$0x1E800] =	vst v63  }
0x90: {  	_ =	swait.ge [sflag:s28], $0x4000  }
0x91: {  	[sflag:s28] =	ssyncset.done $0x0  }
0x92: {  	s1 =	sadd.s32 $0x1480, s5;
	[sflag:s28] =	ssyncadd.s32 $0xFFFFC000  }
0x93: {  	[spmem:s2] =	stream.indirect.scatter.add.f32 [tilespmem:s26], [sflag:$0x4], $0x80, s1, s25, $0xb8;
	[tilespmem:$0x1E800] =	vst v63  }
.Ltmp1:
0x94: {  	_ =	swait.ge [sflag:s29], $0x4000;
	(pc) =	sbr.rel @p0 .LBB2_4-.Ltmp1, $4  }
0x95: {  	[sflag:s29] =	ssyncset.done $0x0  }
0x96: {  	[sflag:s29] =	ssyncadd.s32 $0xFFFFC000  }
0x97: {  	_ =	swait.ge [sflag:s30], $0x4000  }
0x98: {  	s1 =	smov.u32 s11;
	[sflag:s30] =	ssyncset.done $0x0  }
0x99: {  	s0 =	sshra.s32 s0, $0x2;
	[sflag:s30] =	ssyncadd.s32 $0xFFFFC000  }
0x9a: {  	[tilespmem:s21], [sflag:$0x1] =	stream.indirect.gather [hbm4b:s4+s25], $0x80, s0, s25, $0xb8;
	[tilespmem:$0x1E800] =	vst v63  }
0x9b: {  	s1 =	sadd.s32 $0x80, s0  }
0x9c: {  	[tilespmem:s26], [sflag:$0x2] =	stream.indirect.gather [hbm4b:s4+s25], $0x80, s1, s25, $0xb8;
	[tilespmem:$0x1E800] =	vst v63  }
0x9d: {  	_ =	swait.ge [sflag:s23], $0x4000  }
0x9e: {  	[sflag:s23] =	ssyncset.done $0x0  }
0x9f: {  	s5 =	sadd.s32 $0x1400, s0;
	[sflag:s23] =	ssyncadd.s32 $0xFFFFC000  }
0xa0: {  	[spmem:s2] =	stream.indirect.scatter.add.f32 [tilespmem:s21], [sflag:$0x3], $0x80, s5, s25, $0xb8;
	[tilespmem:$0x1E800] =	vst v63  }
0xa1: {  	_ =	swait.ge [sflag:s28], $0x4000  }
0xa2: {  	[sflag:s28] =	ssyncset.done $0x0  }
0xa3: {  	s0 =	sadd.s32 $0x1480, s0;
	[sflag:s28] =	ssyncadd.s32 $0xFFFFC000  }
0xa4: {  	[spmem:s2] =	stream.indirect.scatter.add.f32 [tilespmem:s26], [sflag:$0x4], $0x80, s0, s25, $0xb8;
	[tilespmem:$0x1E800] =	vst v63  }
0xa5: {  	_ =	swait.ge [sflag:s29], $0x4000  }
0xa6: {  	[sflag:s29] =	ssyncset.done $0x0  }
0xa7: {  	[sflag:s29] =	ssyncadd.s32 $0xFFFFC000  }
0xa8: {  	_ =	swait.ge [sflag:s30], $0x4000  }
0xa9: {  	[sflag:s30] =	ssyncset.done $0x0  }
0xaa: {  	[sflag:s30] =	ssyncadd.s32 $0xFFFFC000  }
0xab: {  	[bflag:$0x0] =	sbarrier.arrive $0xFFFF  }
0xac: {  	[tilespmem:s21], [sflag:$0x1] =	stream.linear.gather [spmem:s6], $0x4000, $0x38;
	[tilespmem:$0x1E800] =	vst v63  }
0xad: {  	_ =	swait.ge [sflag:s23], $0x4000  }
0xae: {  	[sflag:s23] =	ssyncset.done $0x0  }
0xaf: {  	s11 =	rddreg [dreg:$0x5];
	[sflag:s23] =	ssyncadd.s32 $0xFFFFC000  }
0xb0: {  	[hbm4b:s11+s3] =	stream.linear.scatter [tilespmem:s21], [sflag:$0x3], $0x4000, $0x38;
	[tilespmem:$0x1E800] =	vst v63  }
0xb1: {  	_ = 	snop  }
0xb2: {  	[tilespmem:s26], [sflag:$0x2] =	stream.linear.gather [spmem:s7], $0x4000, $0x38;
	[tilespmem:$0x1E800] =	vst v63  }
0xb3: {  	_ =	swait.ge [sflag:s28], $0x4000  }
0xb4: {  	[sflag:s28] =	ssyncset.done $0x0  }
0xb5: {  	[sflag:s28] =	ssyncadd.s32 $0xFFFFC000  }
0xb6: {  	[hbm4b:s12+s3] =	stream.linear.scatter [tilespmem:s26], [sflag:$0x4], $0x4000, $0x38;
	[tilespmem:$0x1E800] =	vst v63  }
0xb7: {  	_ =	swait.ge [sflag:s29], $0x4000  }
0xb8: {  	[sflag:s29] =	ssyncset.done $0x0  }
0xb9: {  	[sflag:s29] =	ssyncadd.s32 $0xFFFFC000  }
0xba: {  	[tilespmem:s21], [sflag:$0x1] =	stream.linear.gather [spmem:s8], $0x4000, $0x38;
	[tilespmem:$0x1E800] =	vst v63  }
0xbb: {  	_ =	swait.ge [sflag:s23], $0x4000  }
0xbc: {  	[sflag:s23] =	ssyncset.done $0x0  }
0xbd: {  	[sflag:s23] =	ssyncadd.s32 $0xFFFFC000  }
0xbe: {  	[hbm4b:s13+s3] =	stream.linear.scatter [tilespmem:s21], [sflag:$0x3], $0x4000, $0x38;
	[tilespmem:$0x1E800] =	vst v63  }
0xbf: {  	_ =	swait.ge [sflag:s30], $0x4000  }
0xc0: {  	[sflag:s30] =	ssyncset.done $0x0  }
0xc1: {  	[sflag:s30] =	ssyncadd.s32 $0xFFFFC000  }
0xc2: {  	[tilespmem:s26], [sflag:$0x2] =	stream.linear.gather [spmem:s9], $0x4000, $0x38;
	[tilespmem:$0x1E800] =	vst v63  }
0xc3: {  	_ =	swait.ge [sflag:s28], $0x4000  }
0xc4: {  	[sflag:s28] =	ssyncset.done $0x0  }
0xc5: {  	[sflag:s28] =	ssyncadd.s32 $0xFFFFC000  }
0xc6: {  	[hbm4b:s14+s3] =	stream.linear.scatter [tilespmem:s26], [sflag:$0x4], $0x4000, $0x38;
	[tilespmem:$0x1E800] =	vst v63  }
0xc7: {  	_ =	swait.ge [sflag:s29], $0x4000  }
0xc8: {  	[sflag:s29] =	ssyncset.done $0x0  }
0xc9: {  	[sflag:s29] =	ssyncadd.s32 $0xFFFFC000  }
0xca: {  	[tilespmem:s21], [sflag:$0x1] =	stream.linear.gather [spmem:s10], $0x4000, $0x38;
	[tilespmem:$0x1E800] =	vst v63  }
0xcb: {  	_ =	swait.ge [sflag:s23], $0x4000  }
0xcc: {  	[sflag:s23] =	ssyncset.done $0x0  }
0xcd: {  	s31 =	sadd.s32 $0x1, s31;
	[sflag:s23] =	ssyncadd.s32 $0xFFFFC000  }
0xce: {  	[hbm4b:s15+s3] =	stream.linear.scatter [tilespmem:s21], [sflag:$0x3], $0x4000, $0x38;
	[tilespmem:$0x1E800] =	vst v63  }
0xcf: {  	p0 =	sne.s32 s31, s16;
	_ =	swait.ge [sflag:s30], $0x4000  }
.Ltmp2:
0xd0: {  	[sflag:s30] =	ssyncset.done $0x0;
	(pc) =	sbr.rel @p0 .LBB2_1-.Ltmp2, $4  }
0xd1: {  	[sflag:s30] =	ssyncadd.s32 $0xFFFFC000  }
0xd2: {  	_ =	swait.ge [sflag:s29], $0x4000  }
0xd3: {  	[sflag:s29] =	ssyncset.done $0x0  }
0xd4: {  	[sflag:s29] =	ssyncadd.s32 $0xFFFFC000  }
0xd5: {  	_ =	sfence.sel $0x180000  }
0xd6: {  	[bflag:$0x0] =	sbarrier.arrive $0xFFFF  }
0xd7: {  	_ =	strace $0x9000004A  }
0xd8: {  	s0 =	stileid.u32;
	[bflag:$0x2] =	sbarrier.arrive $0xFFFF  }
0xd9: {  	p0 =	sne.s32 s0, $0x0;
	s0 =	rddreg [dreg:$0x3]  }
0xda: {  	s0 =	sadd.s32 @!p0 $0x100000, s0  }
0xdb: {  	[sflag:s0] =	ssyncadd.tile.s32 @!p0 $0x1;
	_ =	shalt  }
.Lfunc_end2:
_tile_overlayer_lowered:
.L_overlay_start_2:
0xdc: {  	(tag) =	ssettag $0x2  }
0xdd: {  	s0 =	rddreg [dreg:$0x0];
	s2 =	stileid.u32  }
0xde: {  	s1 =	rddreg [dreg:$0x1];
	p0 =	sne.s32 s2, $0x0  }
0xdf: {  	s3 =	rddreg [dreg:$0x2];
	[bflag:$0x3] =	sbarrier.arrive $0xFFFF;
	s2 =	simm.s32 @!p0 $0x1C05  }
0xe0: {  	[timem:s3], [sflag:s2] =	dma.local @!p0 [hbm:s0], s1  }
0xe1: {  	s0 =	simm.s32 @!p0 $0x5  }
0xe2: {  	_ =	swait.ge @!p0 [sflag:s0], s1  }
0xe3: {  	s1 =	ssub.s32 @!p0 $0x0, s1;
	[sflag:s0] =	ssyncset.done @!p0 $0x0  }
0xe4: {  	[sflag:s0] =	ssyncadd.s32 @!p0 s1  }
0xe5: {  	[bflag:$0x3] =	sbarrier.arrive $0xFFFF  }
0xe6: {  	_ =	shalt  }

</sc_bundles>
